<compile_context>
chip_gen: v7x
topology: tpu7x:2x2x1
jax: 0.10.2.dev20260603
libtpu: 0.0.44.dev20260713+nightly
codegen_flags: <defaults>
</compile_context>

<pallas_src>
import functools

import jax
import jax.numpy as jnp
from jax import lax
from jax.experimental import pallas as pl
from jax.experimental.pallas import tpu as pltpu
from jax.experimental.pallas import tpu_sc as plsc

TOPK = 2
TM = 128


def _router_body(x_ref, gw_ref, idx_ref, w_ref):
    x = x_ref[...]
    gw = gw_ref[...]
    logits = lax.dot_general(x, gw, (((1,), (1,)), ((), ())),
                             preferred_element_type=jnp.float32)
    T, E = logits.shape
    col = lax.broadcasted_iota(jnp.int32, (T, E), 1)
    m1 = jnp.max(logits, axis=1, keepdims=True)
    i1 = jnp.min(jnp.where(logits == m1, col, E), axis=1, keepdims=True)
    l2 = jnp.where(col == i1, -jnp.inf, logits)
    m2 = jnp.max(l2, axis=1, keepdims=True)
    i2 = jnp.min(jnp.where(l2 == m2, col, E), axis=1, keepdims=True)
    p1 = 1.0 / (1.0 + jnp.exp(m2 - m1))
    idx_ref[...] = jnp.concatenate([i1, i2], axis=1)
    w_ref[...] = jnp.concatenate([p1, 1.0 - p1], axis=1)


def _router(x, gate_w):
    T = x.shape[0]
    return pl.pallas_call(
        _router_body,
        out_shape=(jax.ShapeDtypeStruct((T, TOPK), jnp.int32),
                   jax.ShapeDtypeStruct((T, TOPK), jnp.float32)),
    )(x, gate_w)


def _sc_dispatch(x, tok, pos, wsrc, P):
    A = tok.shape[0]
    D = x.shape[1]
    L = wsrc.shape[1]
    info = plsc.get_sparse_core_info()
    NC, NS = info.num_cores, info.num_subcores
    NW = NC * NS
    per_w = A // NW
    CH = 32
    n_chunks = per_w // CH
    pos3 = pos.reshape(NW, n_chunks, CH)
    w4 = wsrc.reshape(NW, n_chunks, CH, L)
    mesh = plsc.VectorSubcoreMesh(core_axis_name="c", subcore_axis_name="s")

    @functools.partial(
        pl.kernel, mesh=mesh,
        out_type=(jax.ShapeDtypeStruct((P, D), jnp.float32),
                  jax.ShapeDtypeStruct((P, L), jnp.float32)),
        scratch_types=[pltpu.VMEM((per_w,), jnp.int32),
                       pltpu.VMEM((CH,), jnp.int32),
                       pltpu.VMEM((CH,), jnp.int32),
                       pltpu.VMEM((CH, L), jnp.float32),
                       pltpu.VMEM((2 * CH, D), jnp.float32),
                       pltpu.SemaphoreType.DMA,
                       pltpu.SemaphoreType.DMA,
                       pltpu.SemaphoreType.DMA,
                       pltpu.SemaphoreType.DMA],
    )
    def dispatch_k(x_hbm, tok_hbm, pos_hbm, w_hbm, out_hbm, wr_hbm,
                   tok_v, pos_v0, pos_v1, w_v, rows_v,
                   gsem0, gsem1, ssem0, ssem1):
        wid = lax.axis_index("s") * NC + lax.axis_index("c")
        base = wid * per_w
        pltpu.sync_copy(tok_hbm.at[pl.ds(base, per_w)], tok_v)
        gsems = (gsem0, gsem1)
        ssems = (ssem0, ssem1)
        posv = (pos_v0, pos_v1)

        def gdesc(i):
            buf = rows_v.at[pl.ds((i % 2) * CH, CH)]
            return pltpu.make_async_copy(
                x_hbm.at[tok_v.at[pl.ds(i * CH, CH)]], buf, gsems[i % 2])

        def sdesc(i):
            buf = rows_v.at[pl.ds((i % 2) * CH, CH)]
            return pltpu.make_async_copy(
                buf, out_hbm.at[posv[i % 2]], ssems[i % 2])

        gdesc(0).start()
        for i in range(n_chunks):
            if i + 1 < n_chunks:
                if i >= 1:
                    sdesc(i - 1).wait()
                gdesc(i + 1).start()
            gdesc(i).wait()
            pltpu.sync_copy(pos_hbm.at[wid, i], posv[i % 2])
            sdesc(i).start()
            pltpu.sync_copy(w_hbm.at[wid, i], w_v)
            pltpu.sync_copy(w_v, wr_hbm.at[posv[i % 2]])
        if n_chunks >= 2:
            sdesc(n_chunks - 2).wait()
        sdesc(n_chunks - 1).wait()

    return dispatch_k(x, tok, pos3, w4)


def _mlp_body(tile_e_ref, valid_ref, xs_ref, w1a_ref, w1b_ref, w3a_ref,
              w3b_ref, w2a_ref, w2b_ref, wr_ref, ys_ref):
    t = pl.program_id(0)

    @pl.when(valid_ref[t] > 0)
    def _():
        xs = xs_ref[...]
        cdim = (((1,), (1,)), ((), ()))
        a1 = lax.dot_general(xs, w1a_ref[0], cdim,
                             preferred_element_type=jnp.float32)
        a2 = lax.dot_general(xs, w1b_ref[0], cdim,
                             preferred_element_type=jnp.float32)
        b1 = lax.dot_general(xs, w3a_ref[0], cdim,
                             preferred_element_type=jnp.float32)
        b2 = lax.dot_general(xs, w3b_ref[0], cdim,
                             preferred_element_type=jnp.float32)
        h1 = (a1 * jax.nn.sigmoid(a1)) * b1
        h2 = (a2 * jax.nn.sigmoid(a2)) * b2
        y = (lax.dot_general(h1, w2a_ref[0], cdim,
                             preferred_element_type=jnp.float32)
             + lax.dot_general(h2, w2b_ref[0], cdim,
                               preferred_element_type=jnp.float32))
        ys_ref[...] = y * wr_ref[:, 0:1]


def _grouped_mlp(xs, w1, w3, w2, wr, tile_e, tile_valid, NT):
    P, d = xs.shape
    E, dff, _ = w1.shape
    dff2 = dff // 2
    grid_spec = pltpu.PrefetchScalarGridSpec(
        num_scalar_prefetch=2,
        grid=(NT,),
        in_specs=[
            pl.BlockSpec((TM, d), lambda i, te, va: (i, 0)),
            pl.BlockSpec((1, dff2, d), lambda i, te, va: (te[i], 0, 0)),
            pl.BlockSpec((1, dff2, d), lambda i, te, va: (te[i], 1, 0)),
            pl.BlockSpec((1, dff2, d), lambda i, te, va: (te[i], 0, 0)),
            pl.BlockSpec((1, dff2, d), lambda i, te, va: (te[i], 1, 0)),
            pl.BlockSpec((1, d, dff2), lambda i, te, va: (te[i], 0, 0)),
            pl.BlockSpec((1, d, dff2), lambda i, te, va: (te[i], 0, 1)),
            pl.BlockSpec((TM, 128), lambda i, te, va: (i, 0)),
        ],
        out_specs=pl.BlockSpec((TM, d), lambda i, te, va: (i, 0)),
    )
    return pl.pallas_call(
        _mlp_body,
        grid_spec=grid_spec,
        out_shape=jax.ShapeDtypeStruct((P, d), jnp.float32),
    )(tile_e, tile_valid, xs, w1, w1, w3, w3, w2, w2, wr)


def _sc_combine(ys, pos0, pos1):
    T = pos0.shape[0]
    D = ys.shape[1]
    info = plsc.get_sparse_core_info()
    NC, NS = info.num_cores, info.num_subcores
    NW = NC * NS
    per_w = T // NW
    CH = 32 if per_w % 32 == 0 else 16
    n_chunks = per_w // CH
    mesh = plsc.VectorSubcoreMesh(core_axis_name="c", subcore_axis_name="s")

    @functools.partial(
        pl.kernel, mesh=mesh,
        out_type=jax.ShapeDtypeStruct((T, D), jnp.float32),
        scratch_types=[pltpu.VMEM((CH,), jnp.int32),
                       pltpu.VMEM((CH,), jnp.int32),
                       pltpu.VMEM((CH, D), jnp.float32),
                       pltpu.VMEM((CH, D), jnp.float32),
                       pltpu.SemaphoreType.DMA],
    )
    def combine_k(ys_hbm, p0_hbm, p1_hbm, out_hbm,
                  p0_v, p1_v, r0_v, r1_v, sem):
        wid = lax.axis_index("s") * NC + lax.axis_index("c")
        base = wid * per_w

        def chunk(c, carry):
            off = base + c * CH
            pltpu.sync_copy(p0_hbm.at[pl.ds(off, CH)], p0_v)
            pltpu.sync_copy(p1_hbm.at[pl.ds(off, CH)], p1_v)
            pltpu.async_copy(ys_hbm.at[p0_v], r0_v, sem).wait()
            pltpu.async_copy(ys_hbm.at[p1_v], r1_v, sem).wait()

            def row(i, rcarry):
                for j in range(D // 16):
                    sl = pl.ds(j * 16, 16)
                    r0_v[i, sl] = r0_v[i, sl] + r1_v[i, sl]
                return rcarry

            lax.fori_loop(0, CH, row, 0)
            pltpu.sync_copy(r0_v, out_hbm.at[pl.ds(off, CH)])
            return carry

        lax.fori_loop(0, n_chunks, chunk, 0)

    return combine_k(ys, pos0, pos1)


def kernel(hidden_states, gate_w, w1, w3, w2):
    orig_shape = hidden_states.shape
    d = orig_shape[-1]
    x = hidden_states.reshape(-1, d)
    T = x.shape[0]
    E = gate_w.shape[0]
    A = T * TOPK
    NT = A // TM + E
    P = NT * TM

    top_idx, top_w = _router(x, gate_w)

    i32 = jnp.int32
    f32 = jnp.float32
    e_a = top_idx.T.reshape(-1)
    onehot = (e_a[:, None] == jnp.arange(E, dtype=i32)[None, :]).astype(f32)
    cum = jnp.cumsum(onehot, axis=0)
    rank_a = jnp.sum((cum - onehot) * onehot, axis=1)
    counts = cum[A - 1]
    tiles_per = jnp.ceil(counts / TM)
    tile_cum = jnp.cumsum(tiles_per)
    tile_first = tile_cum - tiles_per
    pos_a = (onehot @ (tile_first * TM) + rank_a).astype(i32)

    t_ids = jnp.arange(NT, dtype=f32)
    te = jnp.minimum(jnp.sum(
        (tile_cum[None, :] <= t_ids[:, None]).astype(f32), axis=1),
        E - 1)
    te_oh = (te[:, None] == jnp.arange(E, dtype=f32)[None, :]).astype(f32)
    counts_te = te_oh @ counts
    first_te = te_oh @ tile_first
    tile_valid = jnp.clip(counts_te - (t_ids - first_te) * TM, 0, TM)
    tile_e = te.astype(i32)
    tile_valid = tile_valid.astype(i32)

    tok_a = jnp.concatenate([jnp.arange(T, dtype=i32)] * TOPK)

    w_a = top_w.T.reshape(-1)
    wsrc = jnp.broadcast_to(w_a[:, None], (A, 128))

    xs, wr = _sc_dispatch(x, tok_a, pos_a, wsrc, P)
    ys = _grouped_mlp(xs, w1, w3, w2, wr, tile_e, tile_valid, NT)
    out = _sc_combine(ys, pos_a[:T], pos_a[T:])
    return out.reshape(orig_shape)

# --- scband reference (transcript-rebuilt; emitter-appended) ---
"""Pipeline reference for scband-qwen3-moe-sparse-moe-block-42262478192981 (READ-ONLY COPY).

The authoritative reference and input builder live on the scoring server;
editing this copy changes nothing except your own understanding.
"""

import jax, jax.numpy as jnp
import numpy as np

TOP_K = 2


def setup_inputs(seed: int = 0) -> dict:
    key = jax.random.key(seed)
    ks = jax.random.split(key, 5)
    B, S, d = 1, 2048, 1024
    E, dff = 64, 768
    hidden_states = jax.random.normal(ks[0], (B, S, d), dtype=jnp.float32)
    # gate: ReplicatedLinear(hidden_size, num_experts, bias=False) -> weight [E, d]
    gate_w = jax.random.normal(ks[1], (E, d), dtype=jnp.float32) * 0.02
    # FusedMoE expert weights (SwiGLU): w1 = gate_proj [E, dff, d], w3 = up_proj [E, dff, d], w2 = down_proj [E, d, dff]
    w1 = jax.random.normal(ks[2], (E, dff, d), dtype=jnp.float32) * 0.02
    w3 = jax.random.normal(ks[3], (E, dff, d), dtype=jnp.float32) * 0.02
    w2 = jax.random.normal(ks[4], (E, d, dff), dtype=jnp.float32) * 0.02
    return {"hidden_states": hidden_states, "gate_w": gate_w, "w1": w1, "w3": w3, "w2": w2}


def reference(hidden_states, gate_w, w1, w3, w2):
    orig_shape = hidden_states.shape
    d = orig_shape[-1]
    x = hidden_states.reshape(-1, d)  # [T, d]
    E = gate_w.shape[0]

    # router
    router_logits = x @ gate_w.T  # [T, E]
    probs = jax.nn.softmax(router_logits.astype(jnp.float32), axis=-1)
    topk_vals, topk_idx = jax.lax.top_k(probs, TOP_K)  # [T, k]
    # renormalize (norm_topk_prob=True)
    topk_vals = topk_vals / jnp.sum(topk_vals, axis=-1, keepdims=True)
    # dense routing weights [T, E] via one-hot scatter of top-k probs
    routing = jnp.sum(jax.nn.one_hot(topk_idx, E, dtype=x.dtype) * topk_vals[..., None], axis=1)

    # expert computation: scan over experts, each expert applies SwiGLU MLP
    def body(acc, inputs):
        w1e, w3e, w2e, pe = inputs  # pe: [T] routing weight for this expert
        h = jax.nn.silu(x @ w1e.T) * (x @ w3e.T)  # [T, dff]
        o = h @ w2e.T  # [T, d]
        return acc + o * pe[:, None], None

    acc0 = jnp.zeros_like(x)
    out, _ = jax.lax.scan(body, acc0, (w1, w3, w2, routing.T))
    return out.reshape(orig_shape)

if __name__ == "__main__":
    import jax
    _d = setup_inputs()
    print(jax.jit(kernel)(*tuple(_d.values())))

</pallas_src>

<mosaic_0001>
#map = affine_map<(d0, d1) -> (0, 0)>
#map1 = affine_map<(d0, d1) -> (0)>
#map2 = affine_map<(d0, d1) -> (0, 0, 0)>
#map3 = affine_map<(d0, d1) -> (0, 0, 0, 0)>
module attributes {stable_mosaic.version = 14 : i64} {
  func.func @dispatch_k(%arg0: i32, %arg1: i32, %arg2: memref<2048x1024xf32, #tpu.memory_space<hbm>>, %arg3: memref<4096xi32, #tpu.memory_space<hbm>>, %arg4: memref<32x4x32xi32, #tpu.memory_space<hbm>>, %arg5: memref<32x4x32x128xf32, #tpu.memory_space<hbm>>, %arg6: memref<12288x1024xf32, #tpu.memory_space<hbm>>, %arg7: memref<12288x128xf32, #tpu.memory_space<hbm>>, %arg8: memref<128xi32, #tpu.memory_space<vmem>>, %arg9: memref<32xi32, #tpu.memory_space<vmem>>, %arg10: memref<32xi32, #tpu.memory_space<vmem>>, %arg11: memref<32x128xf32, #tpu.memory_space<vmem>>, %arg12: memref<64x1024xf32, #tpu.memory_space<vmem>>, %arg13: memref<!tpu.dma_semaphore, #tpu.memory_space<semaphore_mem>>, %arg14: memref<!tpu.dma_semaphore, #tpu.memory_space<semaphore_mem>>, %arg15: memref<!tpu.dma_semaphore, #tpu.memory_space<semaphore_mem>>, %arg16: memref<!tpu.dma_semaphore, #tpu.memory_space<semaphore_mem>>) attributes {dimension_semantics = [#tpu.dimension_semantics<core_parallel>, #tpu.dimension_semantics<subcore_parallel>], iteration_bounds = array<i64: 2, 16>, scalar_prefetch = 0 : i64, scratch_operands = 9 : i64, tpu.core_type = #tpu.core_type<sc_vector_subcore>, window_params = [{transform_indices = #map}, {transform_indices = #map1}, {transform_indices = #map2}, {transform_indices = #map3}, {transform_indices = #map}, {transform_indices = #map}]} {
    %mul3A = arith.constant 2 : i32
    %mul3A_0 = arith.muli %arg1, %mul3A : i32
    %add3A = arith.addi %mul3A_0, %arg0 : i32
    %mul3A_1 = arith.constant 128 : i32
    %mul3A_2 = arith.muli %add3A, %mul3A_1 : i32
    "tpu.region"() ({
      %run_scoped3A_120 = tpu.sem_alloc : memref<!tpu.dma_semaphore, #tpu.memory_space<semaphore_mem>>
      %dma_start3A_121 = tpu.memref_slice %arg3[%mul3A_2] : memref<4096xi32, #tpu.memory_space<hbm>> -> memref<128xi32, #tpu.memory_space<hbm>>
      %dma_start3A_122 = tpu.memref_slice %arg3[%mul3A_2] : memref<4096xi32, #tpu.memory_space<hbm>> -> memref<128xi32, #tpu.memory_space<hbm>>
      tpu.enqueue_dma source(%dma_start3A_122 : memref<128xi32, #tpu.memory_space<hbm>>) target(%arg8 : memref<128xi32, #tpu.memory_space<vmem>>) target_semaphore(%run_scoped3A_120 : memref<!tpu.dma_semaphore, #tpu.memory_space<semaphore_mem>>)
      %dma_wait3A_123 = tpu.memref_slice %arg3[%mul3A_2] : memref<4096xi32, #tpu.memory_space<hbm>> -> memref<128xi32, #tpu.memory_space<hbm>>
      %dma_wait3A_124 = tpu.memref_slice %arg3[%mul3A_2] : memref<4096xi32, #tpu.memory_space<hbm>> -> memref<128xi32, #tpu.memory_space<hbm>>
      tpu.wait_dma2 semaphore(%run_scoped3A_120 : memref<!tpu.dma_semaphore, #tpu.memory_space<semaphore_mem>>) src(%dma_wait3A_124 : memref<128xi32, #tpu.memory_space<hbm>>) dst(%arg8 : memref<128xi32, #tpu.memory_space<vmem>>)
      tpu.yield
    }) : () -> ()
    %dma_start3A = arith.constant 0 : i32
    %dma_start3A_3 = arith.constant 0 : i32
    %dma_start3A_4 = tpu.memref_slice %arg12[%dma_start3A, %dma_start3A_3] : memref<64x1024xf32, #tpu.memory_space<vmem>> -> memref<32x1024xf32, #tpu.memory_space<vmem>>
    %dma_start3A_5 = arith.constant 0 : i32
    %dma_start3A_6 = tpu.memref_slice %arg8[%dma_start3A_5] : memref<128xi32, #tpu.memory_space<vmem>> -> memref<32xi32, #tpu.memory_space<vmem>>
    %dma_start3A_7 = arith.constant 0 : i32
    %dma_start3A_8 = arith.constant 0 : i32
    %dma_start3A_9 = tpu.memref_slice %arg2[%dma_start3A_7, %dma_start3A_8] : memref<2048x1024xf32, #tpu.memory_space<hbm>> -> memref<2048x1024xf32, #tpu.memory_space<hbm>>
    tpu.enqueue_indirect_dma source(%dma_start3A_9 : memref<2048x1024xf32, #tpu.memory_space<hbm>>) target(%dma_start3A_4 : memref<32x1024xf32, #tpu.memory_space<vmem>>) offsets(%dma_start3A_6 : memref<32xi32, #tpu.memory_space<vmem>>) semaphore(%arg13 : memref<!tpu.dma_semaphore, #tpu.memory_space<semaphore_mem>>)
    %dma_start3A_10 = arith.constant 32 : i32
    %dma_start3A_11 = arith.constant 0 : i32
    %dma_start3A_12 = tpu.memref_slice %arg12[%dma_start3A_10, %dma_start3A_11] : memref<64x1024xf32, #tpu.memory_space<vmem>> -> memref<32x1024xf32, #tpu.memory_space<vmem>>
    %dma_start3A_13 = arith.constant 32 : i32
    %dma_start3A_14 = tpu.memref_slice %arg8[%dma_start3A_13] : memref<128xi32, #tpu.memory_space<vmem>> -> memref<32xi32, #tpu.memory_space<vmem>>
    %dma_start3A_15 = arith.constant 0 : i32
    %dma_start3A_16 = arith.constant 0 : i32
    %dma_start3A_17 = tpu.memref_slice %arg2[%dma_start3A_15, %dma_start3A_16] : memref<2048x1024xf32, #tpu.memory_space<hbm>> -> memref<2048x1024xf32, #tpu.memory_space<hbm>>
    tpu.enqueue_indirect_dma source(%dma_start3A_17 : memref<2048x1024xf32, #tpu.memory_space<hbm>>) target(%dma_start3A_12 : memref<32x1024xf32, #tpu.memory_space<vmem>>) offsets(%dma_start3A_14 : memref<32xi32, #tpu.memory_space<vmem>>) semaphore(%arg14 : memref<!tpu.dma_semaphore, #tpu.memory_space<semaphore_mem>>)
    %dma_wait3A = arith.constant 0 : i32
    %dma_wait3A_18 = arith.constant 0 : i32
    %dma_wait3A_19 = tpu.memref_slice %arg12[%dma_wait3A, %dma_wait3A_18] : memref<64x1024xf32, #tpu.memory_space<vmem>> -> memref<32x1024xf32, #tpu.memory_space<vmem>>
    %dma_wait3A_20 = arith.constant 0 : i32
    %dma_wait3A_21 = tpu.memref_slice %arg8[%dma_wait3A_20] : memref<128xi32, #tpu.memory_space<vmem>> -> memref<32xi32, #tpu.memory_space<vmem>>
    %dma_wait3A_22 = arith.constant 0 : i32
    %dma_wait3A_23 = arith.constant 0 : i32
    %dma_wait3A_24 = tpu.memref_slice %arg2[%dma_wait3A_22, %dma_wait3A_23] : memref<2048x1024xf32, #tpu.memory_space<hbm>> -> memref<2048x1024xf32, #tpu.memory_space<hbm>>
    tpu.wait_indirect_dma semaphore(%arg13 : memref<!tpu.dma_semaphore, #tpu.memory_space<semaphore_mem>>) src(%dma_wait3A_24 : memref<2048x1024xf32, #tpu.memory_space<hbm>>) dst(%dma_wait3A_19 : memref<32x1024xf32, #tpu.memory_space<vmem>>)
    %run_scoped3A = arith.constant 0 : i32
    "tpu.region"() ({
      %run_scoped3A_120 = tpu.sem_alloc : memref<!tpu.dma_semaphore, #tpu.memory_space<semaphore_mem>>
      %dma_start3A_121 = arith.constant 0 : i32
      %dma_start3A_122 = tpu.memref_slice %arg4[%add3A, %run_scoped3A, %dma_start3A_121] : memref<32x4x32xi32, #tpu.memory_space<hbm>> -> memref<1x1x32xi32, #tpu.memory_space<hbm>>
      %dma_start3A_123 = tpu.memref_squeeze %dma_start3A_122 : memref<1x1x32xi32, #tpu.memory_space<hbm>> -> memref<32xi32, #tpu.memory_space<hbm>>
      %dma_start3A_124 = arith.constant 0 : i32
      %dma_start3A_125 = tpu.memref_slice %arg4[%add3A, %run_scoped3A, %dma_start3A_124] : memref<32x4x32xi32, #tpu.memory_space<hbm>> -> memref<1x1x32xi32, #tpu.memory_space<hbm>>
      %dma_start3A_126 = tpu.memref_squeeze %dma_start3A_125 : memref<1x1x32xi32, #tpu.memory_space<hbm>> -> memref<32xi32, #tpu.memory_space<hbm>>
      tpu.enqueue_dma source(%dma_start3A_126 : memref<32xi32, #tpu.memory_space<hbm>>) target(%arg9 : memref<32xi32, #tpu.memory_space<vmem>>) target_semaphore(%run_scoped3A_120 : memref<!tpu.dma_semaphore, #tpu.memory_space<semaphore_mem>>)
      %dma_wait3A_127 = arith.constant 0 : i32
      %dma_wait3A_128 = tpu.memref_slice %arg4[%add3A, %run_scoped3A, %dma_wait3A_127] : memref<32x4x32xi32, #tpu.memory_space<hbm>> -> memref<1x1x32xi32, #tpu.memory_space<hbm>>
      %dma_wait3A_129 = tpu.memref_squeeze %dma_wait3A_128 : memref<1x1x32xi32, #tpu.memory_space<hbm>> -> memref<32xi32, #tpu.memory_space<hbm>>
      %dma_wait3A_130 = arith.constant 0 : i32
      %dma_wait3A_131 = tpu.memref_slice %arg4[%add3A, %run_scoped3A, %dma_wait3A_130] : memref<32x4x32xi32, #tpu.memory_space<hbm>> -> memref<1x1x32xi32, #tpu.memory_space<hbm>>
      %dma_wait3A_132 = tpu.memref_squeeze %dma_wait3A_131 : memref<1x1x32xi32, #tpu.memory_space<hbm>> -> memref<32xi32, #tpu.memory_space<hbm>>
      tpu.wait_dma2 semaphore(%run_scoped3A_120 : memref<!tpu.dma_semaphore, #tpu.memory_space<semaphore_mem>>) src(%dma_wait3A_132 : memref<32xi32, #tpu.memory_space<hbm>>) dst(%arg9 : memref<32xi32, #tpu.memory_space<vmem>>)
      tpu.yield
    }) : () -> ()
    %dma_start3A_25 = arith.constant 0 : i32
    %dma_start3A_26 = arith.constant 0 : i32
    %dma_start3A_27 = tpu.memref_slice %arg12[%dma_start3A_25, %dma_start3A_26] : memref<64x1024xf32, #tpu.memory_space<vmem>> -> memref<32x1024xf32, #tpu.memory_space<vmem>>
    %dma_start3A_28 = arith.constant 0 : i32
    %dma_start3A_29 = arith.constant 0 : i32
    %dma_start3A_30 = tpu.memref_slice %arg6[%dma_start3A_28, %dma_start3A_29] : memref<12288x1024xf32, #tpu.memory_space<hbm>> -> memref<12288x1024xf32, #tpu.memory_space<hbm>>
    tpu.enqueue_indirect_dma source(%dma_start3A_27 : memref<32x1024xf32, #tpu.memory_space<vmem>>) target(%dma_start3A_30 : memref<12288x1024xf32, #tpu.memory_space<hbm>>) offsets(%arg9 : memref<32xi32, #tpu.memory_space<vmem>>) semaphore(%arg15 : memref<!tpu.dma_semaphore, #tpu.memory_space<semaphore_mem>>)
    %run_scoped3A_31 = arith.constant 0 : i32
    "tpu.region"() ({
      %run_scoped3A_120 = tpu.sem_alloc : memref<!tpu.dma_semaphore, #tpu.memory_space<semaphore_mem>>
      %dma_start3A_121 = arith.constant 0 : i32
      %dma_start3A_122 = arith.constant 0 : i32
      %dma_start3A_123 = tpu.memref_slice %arg5[%add3A, %run_scoped3A_31, %dma_start3A_121, %dma_start3A_122] : memref<32x4x32x128xf32, #tpu.memory_space<hbm>> -> memref<1x1x32x128xf32, #tpu.memory_space<hbm>>
      %dma_start3A_124 = tpu.memref_squeeze %dma_start3A_123 : memref<1x1x32x128xf32, #tpu.memory_space<hbm>> -> memref<32x128xf32, #tpu.memory_space<hbm>>
      %dma_start3A_125 = arith.constant 0 : i32
      %dma_start3A_126 = arith.constant 0 : i32
      %dma_start3A_127 = tpu.memref_slice %arg5[%add3A, %run_scoped3A_31, %dma_start3A_125, %dma_start3A_126] : memref<32x4x32x128xf32, #tpu.memory_space<hbm>> -> memref<1x1x32x128xf32, #tpu.memory_space<hbm>>
      %dma_start3A_128 = tpu.memref_squeeze %dma_start3A_127 : memref<1x1x32x128xf32, #tpu.memory_space<hbm>> -> memref<32x128xf32, #tpu.memory_space<hbm>>
      tpu.enqueue_dma source(%dma_start3A_128 : memref<32x128xf32, #tpu.memory_space<hbm>>) target(%arg11 : memref<32x128xf32, #tpu.memory_space<vmem>>) target_semaphore(%run_scoped3A_120 : memref<!tpu.dma_semaphore, #tpu.memory_space<semaphore_mem>>)
      %dma_wait3A_129 = arith.constant 0 : i32
      %dma_wait3A_130 = arith.constant 0 : i32
      %dma_wait3A_131 = tpu.memref_slice %arg5[%add3A, %run_scoped3A_31, %dma_wait3A_129, %dma_wait3A_130] : memref<32x4x32x128xf32, #tpu.memory_space<hbm>> -> memref<1x1x32x128xf32, #tpu.memory_space<hbm>>
      %dma_wait3A_132 = tpu.memref_squeeze %dma_wait3A_131 : memref<1x1x32x128xf32, #tpu.memory_space<hbm>> -> memref<32x128xf32, #tpu.memory_space<hbm>>
      %dma_wait3A_133 = arith.constant 0 : i32
      %dma_wait3A_134 = arith.constant 0 : i32
      %dma_wait3A_135 = tpu.memref_slice %arg5[%add3A, %run_scoped3A_31, %dma_wait3A_133, %dma_wait3A_134] : memref<32x4x32x128xf32, #tpu.memory_space<hbm>> -> memref<1x1x32x128xf32, #tpu.memory_space<hbm>>
      %dma_wait3A_136 = tpu.memref_squeeze %dma_wait3A_135 : memref<1x1x32x128xf32, #tpu.memory_space<hbm>> -> memref<32x128xf32, #tpu.memory_space<hbm>>
      tpu.wait_dma2 semaphore(%run_scoped3A_120 : memref<!tpu.dma_semaphore, #tpu.memory_space<semaphore_mem>>) src(%dma_wait3A_136 : memref<32x128xf32, #tpu.memory_space<hbm>>) dst(%arg11 : memref<32x128xf32, #tpu.memory_space<vmem>>)
      tpu.yield
    }) : () -> ()
    "tpu.region"() ({
      %run_scoped3A_120 = tpu.sem_alloc : memref<!tpu.dma_semaphore, #tpu.memory_space<semaphore_mem>>
      %dma_start3A_121 = arith.constant 0 : i32
      %dma_start3A_122 = arith.constant 0 : i32
      %dma_start3A_123 = tpu.memref_slice %arg7[%dma_start3A_121, %dma_start3A_122] : memref<12288x128xf32, #tpu.memory_space<hbm>> -> memref<12288x128xf32, #tpu.memory_space<hbm>>
      tpu.enqueue_indirect_dma source(%arg11 : memref<32x128xf32, #tpu.memory_space<vmem>>) target(%dma_start3A_123 : memref<12288x128xf32, #tpu.memory_space<hbm>>) offsets(%arg9 : memref<32xi32, #tpu.memory_space<vmem>>) semaphore(%run_scoped3A_120 : memref<!tpu.dma_semaphore, #tpu.memory_space<semaphore_mem>>)
      %dma_wait3A_124 = arith.constant 0 : i32
      %dma_wait3A_125 = arith.constant 0 : i32
      %dma_wait3A_126 = tpu.memref_slice %arg7[%dma_wait3A_124, %dma_wait3A_125] : memref<12288x128xf32, #tpu.memory_space<hbm>> -> memref<12288x128xf32, #tpu.memory_space<hbm>>
      tpu.wait_indirect_dma semaphore(%run_scoped3A_120 : memref<!tpu.dma_semaphore, #tpu.memory_space<semaphore_mem>>) src(%arg11 : memref<32x128xf32, #tpu.memory_space<vmem>>) dst(%dma_wait3A_126 : memref<12288x128xf32, #tpu.memory_space<hbm>>)
      tpu.yield
    }) : () -> ()
    %dma_wait3A_32 = arith.constant 0 : i32
    %dma_wait3A_33 = arith.constant 0 : i32
    %dma_wait3A_34 = tpu.memref_slice %arg12[%dma_wait3A_32, %dma_wait3A_33] : memref<64x1024xf32, #tpu.memory_space<vmem>> -> memref<32x1024xf32, #tpu.memory_space<vmem>>
    %dma_wait3A_35 = arith.constant 0 : i32
    %dma_wait3A_36 = arith.constant 0 : i32
    %dma_wait3A_37 = tpu.memref_slice %arg6[%dma_wait3A_35, %dma_wait3A_36] : memref<12288x1024xf32, #tpu.memory_space<hbm>> -> memref<12288x1024xf32, #tpu.memory_space<hbm>>
    tpu.wait_indirect_dma semaphore(%arg15 : memref<!tpu.dma_semaphore, #tpu.memory_space<semaphore_mem>>) src(%dma_wait3A_34 : memref<32x1024xf32, #tpu.memory_space<vmem>>) dst(%dma_wait3A_37 : memref<12288x1024xf32, #tpu.memory_space<hbm>>)
    %dma_start3A_38 = arith.constant 0 : i32
    %dma_start3A_39 = arith.constant 0 : i32
    %dma_start3A_40 = tpu.memref_slice %arg12[%dma_start3A_38, %dma_start3A_39] : memref<64x1024xf32, #tpu.memory_space<vmem>> -> memref<32x1024xf32, #tpu.memory_space<vmem>>
    %dma_start3A_41 = arith.constant 64 : i32
    %dma_start3A_42 = tpu.memref_slice %arg8[%dma_start3A_41] : memref<128xi32, #tpu.memory_space<vmem>> -> memref<32xi32, #tpu.memory_space<vmem>>
    %dma_start3A_43 = arith.constant 0 : i32
    %dma_start3A_44 = arith.constant 0 : i32
    %dma_start3A_45 = tpu.memref_slice %arg2[%dma_start3A_43, %dma_start3A_44] : memref<2048x1024xf32, #tpu.memory_space<hbm>> -> memref<2048x1024xf32, #tpu.memory_space<hbm>>
    tpu.enqueue_indirect_dma source(%dma_start3A_45 : memref<2048x1024xf32, #tpu.memory_space<hbm>>) target(%dma_start3A_40 : memref<32x1024xf32, #tpu.memory_space<vmem>>) offsets(%dma_start3A_42 : memref<32xi32, #tpu.memory_space<vmem>>) semaphore(%arg13 : memref<!tpu.dma_semaphore, #tpu.memory_space<semaphore_mem>>)
    %dma_wait3A_46 = arith.constant 32 : i32
    %dma_wait3A_47 = arith.constant 0 : i32
    %dma_wait3A_48 = tpu.memref_slice %arg12[%dma_wait3A_46, %dma_wait3A_47] : memref<64x1024xf32, #tpu.memory_space<vmem>> -> memref<32x1024xf32, #tpu.memory_space<vmem>>
    %dma_wait3A_49 = arith.constant 32 : i32
    %dma_wait3A_50 = tpu.memref_slice %arg8[%dma_wait3A_49] : memref<128xi32, #tpu.memory_space<vmem>> -> memref<32xi32, #tpu.memory_space<vmem>>
    %dma_wait3A_51 = arith.constant 0 : i32
    %dma_wait3A_52 = arith.constant 0 : i32
    %dma_wait3A_53 = tpu.memref_slice %arg2[%dma_wait3A_51, %dma_wait3A_52] : memref<2048x1024xf32, #tpu.memory_space<hbm>> -> memref<2048x1024xf32, #tpu.memory_space<hbm>>
    tpu.wait_indirect_dma semaphore(%arg14 : memref<!tpu.dma_semaphore, #tpu.memory_space<semaphore_mem>>) src(%dma_wait3A_53 : memref<2048x1024xf32, #tpu.memory_space<hbm>>) dst(%dma_wait3A_48 : memref<32x1024xf32, #tpu.memory_space<vmem>>)
    %run_scoped3A_54 = arith.constant 1 : i32
    "tpu.region"() ({
      %run_scoped3A_120 = tpu.sem_alloc : memref<!tpu.dma_semaphore, #tpu.memory_space<semaphore_mem>>
      %dma_start3A_121 = arith.constant 0 : i32
      %dma_start3A_122 = tpu.memref_slice %arg4[%add3A, %run_scoped3A_54, %dma_start3A_121] : memref<32x4x32xi32, #tpu.memory_space<hbm>> -> memref<1x1x32xi32, #tpu.memory_space<hbm>>
      %dma_start3A_123 = tpu.memref_squeeze %dma_start3A_122 : memref<1x1x32xi32, #tpu.memory_space<hbm>> -> memref<32xi32, #tpu.memory_space<hbm>>
      %dma_start3A_124 = arith.constant 0 : i32
      %dma_start3A_125 = tpu.memref_slice %arg4[%add3A, %run_scoped3A_54, %dma_start3A_124] : memref<32x4x32xi32, #tpu.memory_space<hbm>> -> memref<1x1x32xi32, #tpu.memory_space<hbm>>
      %dma_start3A_126 = tpu.memref_squeeze %dma_start3A_125 : memref<1x1x32xi32, #tpu.memory_space<hbm>> -> memref<32xi32, #tpu.memory_space<hbm>>
      tpu.enqueue_dma source(%dma_start3A_126 : memref<32xi32, #tpu.memory_space<hbm>>) target(%arg10 : memref<32xi32, #tpu.memory_space<vmem>>) target_semaphore(%run_scoped3A_120 : memref<!tpu.dma_semaphore, #tpu.memory_space<semaphore_mem>>)
      %dma_wait3A_127 = arith.constant 0 : i32
      %dma_wait3A_128 = tpu.memref_slice %arg4[%add3A, %run_scoped3A_54, %dma_wait3A_127] : memref<32x4x32xi32, #tpu.memory_space<hbm>> -> memref<1x1x32xi32, #tpu.memory_space<hbm>>
      %dma_wait3A_129 = tpu.memref_squeeze %dma_wait3A_128 : memref<1x1x32xi32, #tpu.memory_space<hbm>> -> memref<32xi32, #tpu.memory_space<hbm>>
      %dma_wait3A_130 = arith.constant 0 : i32
      %dma_wait3A_131 = tpu.memref_slice %arg4[%add3A, %run_scoped3A_54, %dma_wait3A_130] : memref<32x4x32xi32, #tpu.memory_space<hbm>> -> memref<1x1x32xi32, #tpu.memory_space<hbm>>
      %dma_wait3A_132 = tpu.memref_squeeze %dma_wait3A_131 : memref<1x1x32xi32, #tpu.memory_space<hbm>> -> memref<32xi32, #tpu.memory_space<hbm>>
      tpu.wait_dma2 semaphore(%run_scoped3A_120 : memref<!tpu.dma_semaphore, #tpu.memory_space<semaphore_mem>>) src(%dma_wait3A_132 : memref<32xi32, #tpu.memory_space<hbm>>) dst(%arg10 : memref<32xi32, #tpu.memory_space<vmem>>)
      tpu.yield
    }) : () -> ()
    %dma_start3A_55 = arith.constant 32 : i32
    %dma_start3A_56 = arith.constant 0 : i32
    %dma_start3A_57 = tpu.memref_slice %arg12[%dma_start3A_55, %dma_start3A_56] : memref<64x1024xf32, #tpu.memory_space<vmem>> -> memref<32x1024xf32, #tpu.memory_space<vmem>>
    %dma_start3A_58 = arith.constant 0 : i32
    %dma_start3A_59 = arith.constant 0 : i32
    %dma_start3A_60 = tpu.memref_slice %arg6[%dma_start3A_58, %dma_start3A_59] : memref<12288x1024xf32, #tpu.memory_space<hbm>> -> memref<12288x1024xf32, #tpu.memory_space<hbm>>
    tpu.enqueue_indirect_dma source(%dma_start3A_57 : memref<32x1024xf32, #tpu.memory_space<vmem>>) target(%dma_start3A_60 : memref<12288x1024xf32, #tpu.memory_space<hbm>>) offsets(%arg10 : memref<32xi32, #tpu.memory_space<vmem>>) semaphore(%arg16 : memref<!tpu.dma_semaphore, #tpu.memory_space<semaphore_mem>>)
    %run_scoped3A_61 = arith.constant 1 : i32
    "tpu.region"() ({
      %run_scoped3A_120 = tpu.sem_alloc : memref<!tpu.dma_semaphore, #tpu.memory_space<semaphore_mem>>
      %dma_start3A_121 = arith.constant 0 : i32
      %dma_start3A_122 = arith.constant 0 : i32
      %dma_start3A_123 = tpu.memref_slice %arg5[%add3A, %run_scoped3A_61, %dma_start3A_121, %dma_start3A_122] : memref<32x4x32x128xf32, #tpu.memory_space<hbm>> -> memref<1x1x32x128xf32, #tpu.memory_space<hbm>>
      %dma_start3A_124 = tpu.memref_squeeze %dma_start3A_123 : memref<1x1x32x128xf32, #tpu.memory_space<hbm>> -> memref<32x128xf32, #tpu.memory_space<hbm>>
      %dma_start3A_125 = arith.constant 0 : i32
      %dma_start3A_126 = arith.constant 0 : i32
      %dma_start3A_127 = tpu.memref_slice %arg5[%add3A, %run_scoped3A_61, %dma_start3A_125, %dma_start3A_126] : memref<32x4x32x128xf32, #tpu.memory_space<hbm>> -> memref<1x1x32x128xf32, #tpu.memory_space<hbm>>
      %dma_start3A_128 = tpu.memref_squeeze %dma_start3A_127 : memref<1x1x32x128xf32, #tpu.memory_space<hbm>> -> memref<32x128xf32, #tpu.memory_space<hbm>>
      tpu.enqueue_dma source(%dma_start3A_128 : memref<32x128xf32, #tpu.memory_space<hbm>>) target(%arg11 : memref<32x128xf32, #tpu.memory_space<vmem>>) target_semaphore(%run_scoped3A_120 : memref<!tpu.dma_semaphore, #tpu.memory_space<semaphore_mem>>)
      %dma_wait3A_129 = arith.constant 0 : i32
      %dma_wait3A_130 = arith.constant 0 : i32
      %dma_wait3A_131 = tpu.memref_slice %arg5[%add3A, %run_scoped3A_61, %dma_wait3A_129, %dma_wait3A_130] : memref<32x4x32x128xf32, #tpu.memory_space<hbm>> -> memref<1x1x32x128xf32, #tpu.memory_space<hbm>>
      %dma_wait3A_132 = tpu.memref_squeeze %dma_wait3A_131 : memref<1x1x32x128xf32, #tpu.memory_space<hbm>> -> memref<32x128xf32, #tpu.memory_space<hbm>>
      %dma_wait3A_133 = arith.constant 0 : i32
      %dma_wait3A_134 = arith.constant 0 : i32
      %dma_wait3A_135 = tpu.memref_slice %arg5[%add3A, %run_scoped3A_61, %dma_wait3A_133, %dma_wait3A_134] : memref<32x4x32x128xf32, #tpu.memory_space<hbm>> -> memref<1x1x32x128xf32, #tpu.memory_space<hbm>>
      %dma_wait3A_136 = tpu.memref_squeeze %dma_wait3A_135 : memref<1x1x32x128xf32, #tpu.memory_space<hbm>> -> memref<32x128xf32, #tpu.memory_space<hbm>>
      tpu.wait_dma2 semaphore(%run_scoped3A_120 : memref<!tpu.dma_semaphore, #tpu.memory_space<semaphore_mem>>) src(%dma_wait3A_136 : memref<32x128xf32, #tpu.memory_space<hbm>>) dst(%arg11 : memref<32x128xf32, #tpu.memory_space<vmem>>)
      tpu.yield
    }) : () -> ()
    "tpu.region"() ({
      %run_scoped3A_120 = tpu.sem_alloc : memref<!tpu.dma_semaphore, #tpu.memory_space<semaphore_mem>>
      %dma_start3A_121 = arith.constant 0 : i32
      %dma_start3A_122 = arith.constant 0 : i32
      %dma_start3A_123 = tpu.memref_slice %arg7[%dma_start3A_121, %dma_start3A_122] : memref<12288x128xf32, #tpu.memory_space<hbm>> -> memref<12288x128xf32, #tpu.memory_space<hbm>>
      tpu.enqueue_indirect_dma source(%arg11 : memref<32x128xf32, #tpu.memory_space<vmem>>) target(%dma_start3A_123 : memref<12288x128xf32, #tpu.memory_space<hbm>>) offsets(%arg10 : memref<32xi32, #tpu.memory_space<vmem>>) semaphore(%run_scoped3A_120 : memref<!tpu.dma_semaphore, #tpu.memory_space<semaphore_mem>>)
      %dma_wait3A_124 = arith.constant 0 : i32
      %dma_wait3A_125 = arith.constant 0 : i32
      %dma_wait3A_126 = tpu.memref_slice %arg7[%dma_wait3A_124, %dma_wait3A_125] : memref<12288x128xf32, #tpu.memory_space<hbm>> -> memref<12288x128xf32, #tpu.memory_space<hbm>>
      tpu.wait_indirect_dma semaphore(%run_scoped3A_120 : memref<!tpu.dma_semaphore, #tpu.memory_space<semaphore_mem>>) src(%arg11 : memref<32x128xf32, #tpu.memory_space<vmem>>) dst(%dma_wait3A_126 : memref<12288x128xf32, #tpu.memory_space<hbm>>)
      tpu.yield
    }) : () -> ()
    %dma_wait3A_62 = arith.constant 32 : i32
    %dma_wait3A_63 = arith.constant 0 : i32
    %dma_wait3A_64 = tpu.memref_slice %arg12[%dma_wait3A_62, %dma_wait3A_63] : memref<64x1024xf32, #tpu.memory_space<vmem>> -> memref<32x1024xf32, #tpu.memory_space<vmem>>
    %dma_wait3A_65 = arith.constant 0 : i32
    %dma_wait3A_66 = arith.constant 0 : i32
    %dma_wait3A_67 = tpu.memref_slice %arg6[%dma_wait3A_65, %dma_wait3A_66] : memref<12288x1024xf32, #tpu.memory_space<hbm>> -> memref<12288x1024xf32, #tpu.memory_space<hbm>>
    tpu.wait_indirect_dma semaphore(%arg16 : memref<!tpu.dma_semaphore, #tpu.memory_space<semaphore_mem>>) src(%dma_wait3A_64 : memref<32x1024xf32, #tpu.memory_space<vmem>>) dst(%dma_wait3A_67 : memref<12288x1024xf32, #tpu.memory_space<hbm>>)
    %dma_start3A_68 = arith.constant 32 : i32
    %dma_start3A_69 = arith.constant 0 : i32
    %dma_start3A_70 = tpu.memref_slice %arg12[%dma_start3A_68, %dma_start3A_69] : memref<64x1024xf32, #tpu.memory_space<vmem>> -> memref<32x1024xf32, #tpu.memory_space<vmem>>
    %dma_start3A_71 = arith.constant 96 : i32
    %dma_start3A_72 = tpu.memref_slice %arg8[%dma_start3A_71] : memref<128xi32, #tpu.memory_space<vmem>> -> memref<32xi32, #tpu.memory_space<vmem>>
    %dma_start3A_73 = arith.constant 0 : i32
    %dma_start3A_74 = arith.constant 0 : i32
    %dma_start3A_75 = tpu.memref_slice %arg2[%dma_start3A_73, %dma_start3A_74] : memref<2048x1024xf32, #tpu.memory_space<hbm>> -> memref<2048x1024xf32, #tpu.memory_space<hbm>>
    tpu.enqueue_indirect_dma source(%dma_start3A_75 : memref<2048x1024xf32, #tpu.memory_space<hbm>>) target(%dma_start3A_70 : memref<32x1024xf32, #tpu.memory_space<vmem>>) offsets(%dma_start3A_72 : memref<32xi32, #tpu.memory_space<vmem>>) semaphore(%arg14 : memref<!tpu.dma_semaphore, #tpu.memory_space<semaphore_mem>>)
    %dma_wait3A_76 = arith.constant 0 : i32
    %dma_wait3A_77 = arith.constant 0 : i32
    %dma_wait3A_78 = tpu.memref_slice %arg12[%dma_wait3A_76, %dma_wait3A_77] : memref<64x1024xf32, #tpu.memory_space<vmem>> -> memref<32x1024xf32, #tpu.memory_space<vmem>>
    %dma_wait3A_79 = arith.constant 64 : i32
    %dma_wait3A_80 = tpu.memref_slice %arg8[%dma_wait3A_79] : memref<128xi32, #tpu.memory_space<vmem>> -> memref<32xi32, #tpu.memory_space<vmem>>
    %dma_wait3A_81 = arith.constant 0 : i32
    %dma_wait3A_82 = arith.constant 0 : i32
    %dma_wait3A_83 = tpu.memref_slice %arg2[%dma_wait3A_81, %dma_wait3A_82] : memref<2048x1024xf32, #tpu.memory_space<hbm>> -> memref<2048x1024xf32, #tpu.memory_space<hbm>>
    tpu.wait_indirect_dma semaphore(%arg13 : memref<!tpu.dma_semaphore, #tpu.memory_space<semaphore_mem>>) src(%dma_wait3A_83 : memref<2048x1024xf32, #tpu.memory_space<hbm>>) dst(%dma_wait3A_78 : memref<32x1024xf32, #tpu.memory_space<vmem>>)
    %run_scoped3A_84 = arith.constant 2 : i32
    "tpu.region"() ({
      %run_scoped3A_120 = tpu.sem_alloc : memref<!tpu.dma_semaphore, #tpu.memory_space<semaphore_mem>>
      %dma_start3A_121 = arith.constant 0 : i32
      %dma_start3A_122 = tpu.memref_slice %arg4[%add3A, %run_scoped3A_84, %dma_start3A_121] : memref<32x4x32xi32, #tpu.memory_space<hbm>> -> memref<1x1x32xi32, #tpu.memory_space<hbm>>
      %dma_start3A_123 = tpu.memref_squeeze %dma_start3A_122 : memref<1x1x32xi32, #tpu.memory_space<hbm>> -> memref<32xi32, #tpu.memory_space<hbm>>
      %dma_start3A_124 = arith.constant 0 : i32
      %dma_start3A_125 = tpu.memref_slice %arg4[%add3A, %run_scoped3A_84, %dma_start3A_124] : memref<32x4x32xi32, #tpu.memory_space<hbm>> -> memref<1x1x32xi32, #tpu.memory_space<hbm>>
      %dma_start3A_126 = tpu.memref_squeeze %dma_start3A_125 : memref<1x1x32xi32, #tpu.memory_space<hbm>> -> memref<32xi32, #tpu.memory_space<hbm>>
      tpu.enqueue_dma source(%dma_start3A_126 : memref<32xi32, #tpu.memory_space<hbm>>) target(%arg9 : memref<32xi32, #tpu.memory_space<vmem>>) target_semaphore(%run_scoped3A_120 : memref<!tpu.dma_semaphore, #tpu.memory_space<semaphore_mem>>)
      %dma_wait3A_127 = arith.constant 0 : i32
      %dma_wait3A_128 = tpu.memref_slice %arg4[%add3A, %run_scoped3A_84, %dma_wait3A_127] : memref<32x4x32xi32, #tpu.memory_space<hbm>> -> memref<1x1x32xi32, #tpu.memory_space<hbm>>
      %dma_wait3A_129 = tpu.memref_squeeze %dma_wait3A_128 : memref<1x1x32xi32, #tpu.memory_space<hbm>> -> memref<32xi32, #tpu.memory_space<hbm>>
      %dma_wait3A_130 = arith.constant 0 : i32
      %dma_wait3A_131 = tpu.memref_slice %arg4[%add3A, %run_scoped3A_84, %dma_wait3A_130] : memref<32x4x32xi32, #tpu.memory_space<hbm>> -> memref<1x1x32xi32, #tpu.memory_space<hbm>>
      %dma_wait3A_132 = tpu.memref_squeeze %dma_wait3A_131 : memref<1x1x32xi32, #tpu.memory_space<hbm>> -> memref<32xi32, #tpu.memory_space<hbm>>
      tpu.wait_dma2 semaphore(%run_scoped3A_120 : memref<!tpu.dma_semaphore, #tpu.memory_space<semaphore_mem>>) src(%dma_wait3A_132 : memref<32xi32, #tpu.memory_space<hbm>>) dst(%arg9 : memref<32xi32, #tpu.memory_space<vmem>>)
      tpu.yield
    }) : () -> ()
    %dma_start3A_85 = arith.constant 0 : i32
    %dma_start3A_86 = arith.constant 0 : i32
    %dma_start3A_87 = tpu.memref_slice %arg12[%dma_start3A_85, %dma_start3A_86] : memref<64x1024xf32, #tpu.memory_space<vmem>> -> memref<32x1024xf32, #tpu.memory_space<vmem>>
    %dma_start3A_88 = arith.constant 0 : i32
    %dma_start3A_89 = arith.constant 0 : i32
    %dma_start3A_90 = tpu.memref_slice %arg6[%dma_start3A_88, %dma_start3A_89] : memref<12288x1024xf32, #tpu.memory_space<hbm>> -> memref<12288x1024xf32, #tpu.memory_space<hbm>>
    tpu.enqueue_indirect_dma source(%dma_start3A_87 : memref<32x1024xf32, #tpu.memory_space<vmem>>) target(%dma_start3A_90 : memref<12288x1024xf32, #tpu.memory_space<hbm>>) offsets(%arg9 : memref<32xi32, #tpu.memory_space<vmem>>) semaphore(%arg15 : memref<!tpu.dma_semaphore, #tpu.memory_space<semaphore_mem>>)
    %run_scoped3A_91 = arith.constant 2 : i32
    "tpu.region"() ({
      %run_scoped3A_120 = tpu.sem_alloc : memref<!tpu.dma_semaphore, #tpu.memory_space<semaphore_mem>>
      %dma_start3A_121 = arith.constant 0 : i32
      %dma_start3A_122 = arith.constant 0 : i32
      %dma_start3A_123 = tpu.memref_slice %arg5[%add3A, %run_scoped3A_91, %dma_start3A_121, %dma_start3A_122] : memref<32x4x32x128xf32, #tpu.memory_space<hbm>> -> memref<1x1x32x128xf32, #tpu.memory_space<hbm>>
      %dma_start3A_124 = tpu.memref_squeeze %dma_start3A_123 : memref<1x1x32x128xf32, #tpu.memory_space<hbm>> -> memref<32x128xf32, #tpu.memory_space<hbm>>
      %dma_start3A_125 = arith.constant 0 : i32
      %dma_start3A_126 = arith.constant 0 : i32
      %dma_start3A_127 = tpu.memref_slice %arg5[%add3A, %run_scoped3A_91, %dma_start3A_125, %dma_start3A_126] : memref<32x4x32x128xf32, #tpu.memory_space<hbm>> -> memref<1x1x32x128xf32, #tpu.memory_space<hbm>>
      %dma_start3A_128 = tpu.memref_squeeze %dma_start3A_127 : memref<1x1x32x128xf32, #tpu.memory_space<hbm>> -> memref<32x128xf32, #tpu.memory_space<hbm>>
      tpu.enqueue_dma source(%dma_start3A_128 : memref<32x128xf32, #tpu.memory_space<hbm>>) target(%arg11 : memref<32x128xf32, #tpu.memory_space<vmem>>) target_semaphore(%run_scoped3A_120 : memref<!tpu.dma_semaphore, #tpu.memory_space<semaphore_mem>>)
      %dma_wait3A_129 = arith.constant 0 : i32
      %dma_wait3A_130 = arith.constant 0 : i32
      %dma_wait3A_131 = tpu.memref_slice %arg5[%add3A, %run_scoped3A_91, %dma_wait3A_129, %dma_wait3A_130] : memref<32x4x32x128xf32, #tpu.memory_space<hbm>> -> memref<1x1x32x128xf32, #tpu.memory_space<hbm>>
      %dma_wait3A_132 = tpu.memref_squeeze %dma_wait3A_131 : memref<1x1x32x128xf32, #tpu.memory_space<hbm>> -> memref<32x128xf32, #tpu.memory_space<hbm>>
      %dma_wait3A_133 = arith.constant 0 : i32
      %dma_wait3A_134 = arith.constant 0 : i32
      %dma_wait3A_135 = tpu.memref_slice %arg5[%add3A, %run_scoped3A_91, %dma_wait3A_133, %dma_wait3A_134] : memref<32x4x32x128xf32, #tpu.memory_space<hbm>> -> memref<1x1x32x128xf32, #tpu.memory_space<hbm>>
      %dma_wait3A_136 = tpu.memref_squeeze %dma_wait3A_135 : memref<1x1x32x128xf32, #tpu.memory_space<hbm>> -> memref<32x128xf32, #tpu.memory_space<hbm>>
      tpu.wait_dma2 semaphore(%run_scoped3A_120 : memref<!tpu.dma_semaphore, #tpu.memory_space<semaphore_mem>>) src(%dma_wait3A_136 : memref<32x128xf32, #tpu.memory_space<hbm>>) dst(%arg11 : memref<32x128xf32, #tpu.memory_space<vmem>>)
      tpu.yield
    }) : () -> ()
    "tpu.region"() ({
      %run_scoped3A_120 = tpu.sem_alloc : memref<!tpu.dma_semaphore, #tpu.memory_space<semaphore_mem>>
      %dma_start3A_121 = arith.constant 0 : i32
      %dma_start3A_122 = arith.constant 0 : i32
      %dma_start3A_123 = tpu.memref_slice %arg7[%dma_start3A_121, %dma_start3A_122] : memref<12288x128xf32, #tpu.memory_space<hbm>> -> memref<12288x128xf32, #tpu.memory_space<hbm>>
      tpu.enqueue_indirect_dma source(%arg11 : memref<32x128xf32, #tpu.memory_space<vmem>>) target(%dma_start3A_123 : memref<12288x128xf32, #tpu.memory_space<hbm>>) offsets(%arg9 : memref<32xi32, #tpu.memory_space<vmem>>) semaphore(%run_scoped3A_120 : memref<!tpu.dma_semaphore, #tpu.memory_space<semaphore_mem>>)
      %dma_wait3A_124 = arith.constant 0 : i32
      %dma_wait3A_125 = arith.constant 0 : i32
      %dma_wait3A_126 = tpu.memref_slice %arg7[%dma_wait3A_124, %dma_wait3A_125] : memref<12288x128xf32, #tpu.memory_space<hbm>> -> memref<12288x128xf32, #tpu.memory_space<hbm>>
      tpu.wait_indirect_dma semaphore(%run_scoped3A_120 : memref<!tpu.dma_semaphore, #tpu.memory_space<semaphore_mem>>) src(%arg11 : memref<32x128xf32, #tpu.memory_space<vmem>>) dst(%dma_wait3A_126 : memref<12288x128xf32, #tpu.memory_space<hbm>>)
      tpu.yield
    }) : () -> ()
    %dma_wait3A_92 = arith.constant 32 : i32
    %dma_wait3A_93 = arith.constant 0 : i32
    %dma_wait3A_94 = tpu.memref_slice %arg12[%dma_wait3A_92, %dma_wait3A_93] : memref<64x1024xf32, #tpu.memory_space<vmem>> -> memref<32x1024xf32, #tpu.memory_space<vmem>>
    %dma_wait3A_95 = arith.constant 96 : i32
    %dma_wait3A_96 = tpu.memref_slice %arg8[%dma_wait3A_95] : memref<128xi32, #tpu.memory_space<vmem>> -> memref<32xi32, #tpu.memory_space<vmem>>
    %dma_wait3A_97 = arith.constant 0 : i32
    %dma_wait3A_98 = arith.constant 0 : i32
    %dma_wait3A_99 = tpu.memref_slice %arg2[%dma_wait3A_97, %dma_wait3A_98] : memref<2048x1024xf32, #tpu.memory_space<hbm>> -> memref<2048x1024xf32, #tpu.memory_space<hbm>>
    tpu.wait_indirect_dma semaphore(%arg14 : memref<!tpu.dma_semaphore, #tpu.memory_space<semaphore_mem>>) src(%dma_wait3A_99 : memref<2048x1024xf32, #tpu.memory_space<hbm>>) dst(%dma_wait3A_94 : memref<32x1024xf32, #tpu.memory_space<vmem>>)
    %run_scoped3A_100 = arith.constant 3 : i32
    "tpu.region"() ({
      %run_scoped3A_120 = tpu.sem_alloc : memref<!tpu.dma_semaphore, #tpu.memory_space<semaphore_mem>>
      %dma_start3A_121 = arith.constant 0 : i32
      %dma_start3A_122 = tpu.memref_slice %arg4[%add3A, %run_scoped3A_100, %dma_start3A_121] : memref<32x4x32xi32, #tpu.memory_space<hbm>> -> memref<1x1x32xi32, #tpu.memory_space<hbm>>
      %dma_start3A_123 = tpu.memref_squeeze %dma_start3A_122 : memref<1x1x32xi32, #tpu.memory_space<hbm>> -> memref<32xi32, #tpu.memory_space<hbm>>
      %dma_start3A_124 = arith.constant 0 : i32
      %dma_start3A_125 = tpu.memref_slice %arg4[%add3A, %run_scoped3A_100, %dma_start3A_124] : memref<32x4x32xi32, #tpu.memory_space<hbm>> -> memref<1x1x32xi32, #tpu.memory_space<hbm>>
      %dma_start3A_126 = tpu.memref_squeeze %dma_start3A_125 : memref<1x1x32xi32, #tpu.memory_space<hbm>> -> memref<32xi32, #tpu.memory_space<hbm>>
      tpu.enqueue_dma source(%dma_start3A_126 : memref<32xi32, #tpu.memory_space<hbm>>) target(%arg10 : memref<32xi32, #tpu.memory_space<vmem>>) target_semaphore(%run_scoped3A_120 : memref<!tpu.dma_semaphore, #tpu.memory_space<semaphore_mem>>)
      %dma_wait3A_127 = arith.constant 0 : i32
      %dma_wait3A_128 = tpu.memref_slice %arg4[%add3A, %run_scoped3A_100, %dma_wait3A_127] : memref<32x4x32xi32, #tpu.memory_space<hbm>> -> memref<1x1x32xi32, #tpu.memory_space<hbm>>
      %dma_wait3A_129 = tpu.memref_squeeze %dma_wait3A_128 : memref<1x1x32xi32, #tpu.memory_space<hbm>> -> memref<32xi32, #tpu.memory_space<hbm>>
      %dma_wait3A_130 = arith.constant 0 : i32
      %dma_wait3A_131 = tpu.memref_slice %arg4[%add3A, %run_scoped3A_100, %dma_wait3A_130] : memref<32x4x32xi32, #tpu.memory_space<hbm>> -> memref<1x1x32xi32, #tpu.memory_space<hbm>>
      %dma_wait3A_132 = tpu.memref_squeeze %dma_wait3A_131 : memref<1x1x32xi32, #tpu.memory_space<hbm>> -> memref<32xi32, #tpu.memory_space<hbm>>
      tpu.wait_dma2 semaphore(%run_scoped3A_120 : memref<!tpu.dma_semaphore, #tpu.memory_space<semaphore_mem>>) src(%dma_wait3A_132 : memref<32xi32, #tpu.memory_space<hbm>>) dst(%arg10 : memref<32xi32, #tpu.memory_space<vmem>>)
      tpu.yield
    }) : () -> ()
    %dma_start3A_101 = arith.constant 32 : i32
    %dma_start3A_102 = arith.constant 0 : i32
    %dma_start3A_103 = tpu.memref_slice %arg12[%dma_start3A_101, %dma_start3A_102] : memref<64x1024xf32, #tpu.memory_space<vmem>> -> memref<32x1024xf32, #tpu.memory_space<vmem>>
    %dma_start3A_104 = arith.constant 0 : i32
    %dma_start3A_105 = arith.constant 0 : i32
    %dma_start3A_106 = tpu.memref_slice %arg6[%dma_start3A_104, %dma_start3A_105] : memref<12288x1024xf32, #tpu.memory_space<hbm>> -> memref<12288x1024xf32, #tpu.memory_space<hbm>>
    tpu.enqueue_indirect_dma source(%dma_start3A_103 : memref<32x1024xf32, #tpu.memory_space<vmem>>) target(%dma_start3A_106 : memref<12288x1024xf32, #tpu.memory_space<hbm>>) offsets(%arg10 : memref<32xi32, #tpu.memory_space<vmem>>) semaphore(%arg16 : memref<!tpu.dma_semaphore, #tpu.memory_space<semaphore_mem>>)
    %run_scoped3A_107 = arith.constant 3 : i32
    "tpu.region"() ({
      %run_scoped3A_120 = tpu.sem_alloc : memref<!tpu.dma_semaphore, #tpu.memory_space<semaphore_mem>>
      %dma_start3A_121 = arith.constant 0 : i32
      %dma_start3A_122 = arith.constant 0 : i32
      %dma_start3A_123 = tpu.memref_slice %arg5[%add3A, %run_scoped3A_107, %dma_start3A_121, %dma_start3A_122] : memref<32x4x32x128xf32, #tpu.memory_space<hbm>> -> memref<1x1x32x128xf32, #tpu.memory_space<hbm>>
      %dma_start3A_124 = tpu.memref_squeeze %dma_start3A_123 : memref<1x1x32x128xf32, #tpu.memory_space<hbm>> -> memref<32x128xf32, #tpu.memory_space<hbm>>
      %dma_start3A_125 = arith.constant 0 : i32
      %dma_start3A_126 = arith.constant 0 : i32
      %dma_start3A_127 = tpu.memref_slice %arg5[%add3A, %run_scoped3A_107, %dma_start3A_125, %dma_start3A_126] : memref<32x4x32x128xf32, #tpu.memory_space<hbm>> -> memref<1x1x32x128xf32, #tpu.memory_space<hbm>>
      %dma_start3A_128 = tpu.memref_squeeze %dma_start3A_127 : memref<1x1x32x128xf32, #tpu.memory_space<hbm>> -> memref<32x128xf32, #tpu.memory_space<hbm>>
      tpu.enqueue_dma source(%dma_start3A_128 : memref<32x128xf32, #tpu.memory_space<hbm>>) target(%arg11 : memref<32x128xf32, #tpu.memory_space<vmem>>) target_semaphore(%run_scoped3A_120 : memref<!tpu.dma_semaphore, #tpu.memory_space<semaphore_mem>>)
      %dma_wait3A_129 = arith.constant 0 : i32
      %dma_wait3A_130 = arith.constant 0 : i32
      %dma_wait3A_131 = tpu.memref_slice %arg5[%add3A, %run_scoped3A_107, %dma_wait3A_129, %dma_wait3A_130] : memref<32x4x32x128xf32, #tpu.memory_space<hbm>> -> memref<1x1x32x128xf32, #tpu.memory_space<hbm>>
      %dma_wait3A_132 = tpu.memref_squeeze %dma_wait3A_131 : memref<1x1x32x128xf32, #tpu.memory_space<hbm>> -> memref<32x128xf32, #tpu.memory_space<hbm>>
      %dma_wait3A_133 = arith.constant 0 : i32
      %dma_wait3A_134 = arith.constant 0 : i32
      %dma_wait3A_135 = tpu.memref_slice %arg5[%add3A, %run_scoped3A_107, %dma_wait3A_133, %dma_wait3A_134] : memref<32x4x32x128xf32, #tpu.memory_space<hbm>> -> memref<1x1x32x128xf32, #tpu.memory_space<hbm>>
      %dma_wait3A_136 = tpu.memref_squeeze %dma_wait3A_135 : memref<1x1x32x128xf32, #tpu.memory_space<hbm>> -> memref<32x128xf32, #tpu.memory_space<hbm>>
      tpu.wait_dma2 semaphore(%run_scoped3A_120 : memref<!tpu.dma_semaphore, #tpu.memory_space<semaphore_mem>>) src(%dma_wait3A_136 : memref<32x128xf32, #tpu.memory_space<hbm>>) dst(%arg11 : memref<32x128xf32, #tpu.memory_space<vmem>>)
      tpu.yield
    }) : () -> ()
    "tpu.region"() ({
      %run_scoped3A_120 = tpu.sem_alloc : memref<!tpu.dma_semaphore, #tpu.memory_space<semaphore_mem>>
      %dma_start3A_121 = arith.constant 0 : i32
      %dma_start3A_122 = arith.constant 0 : i32
      %dma_start3A_123 = tpu.memref_slice %arg7[%dma_start3A_121, %dma_start3A_122] : memref<12288x128xf32, #tpu.memory_space<hbm>> -> memref<12288x128xf32, #tpu.memory_space<hbm>>
      tpu.enqueue_indirect_dma source(%arg11 : memref<32x128xf32, #tpu.memory_space<vmem>>) target(%dma_start3A_123 : memref<12288x128xf32, #tpu.memory_space<hbm>>) offsets(%arg10 : memref<32xi32, #tpu.memory_space<vmem>>) semaphore(%run_scoped3A_120 : memref<!tpu.dma_semaphore, #tpu.memory_space<semaphore_mem>>)
      %dma_wait3A_124 = arith.constant 0 : i32
      %dma_wait3A_125 = arith.constant 0 : i32
      %dma_wait3A_126 = tpu.memref_slice %arg7[%dma_wait3A_124, %dma_wait3A_125] : memref<12288x128xf32, #tpu.memory_space<hbm>> -> memref<12288x128xf32, #tpu.memory_space<hbm>>
      tpu.wait_indirect_dma semaphore(%run_scoped3A_120 : memref<!tpu.dma_semaphore, #tpu.memory_space<semaphore_mem>>) src(%arg11 : memref<32x128xf32, #tpu.memory_space<vmem>>) dst(%dma_wait3A_126 : memref<12288x128xf32, #tpu.memory_space<hbm>>)
      tpu.yield
    }) : () -> ()
    %dma_wait3A_108 = arith.constant 0 : i32
    %dma_wait3A_109 = arith.constant 0 : i32
    %dma_wait3A_110 = tpu.memref_slice %arg12[%dma_wait3A_108, %dma_wait3A_109] : memref<64x1024xf32, #tpu.memory_space<vmem>> -> memref<32x1024xf32, #tpu.memory_space<vmem>>
    %dma_wait3A_111 = arith.constant 0 : i32
    %dma_wait3A_112 = arith.constant 0 : i32
    %dma_wait3A_113 = tpu.memref_slice %arg6[%dma_wait3A_111, %dma_wait3A_112] : memref<12288x1024xf32, #tpu.memory_space<hbm>> -> memref<12288x1024xf32, #tpu.memory_space<hbm>>
    tpu.wait_indirect_dma semaphore(%arg15 : memref<!tpu.dma_semaphore, #tpu.memory_space<semaphore_mem>>) src(%dma_wait3A_110 : memref<32x1024xf32, #tpu.memory_space<vmem>>) dst(%dma_wait3A_113 : memref<12288x1024xf32, #tpu.memory_space<hbm>>)
    %dma_wait3A_114 = arith.constant 32 : i32
    %dma_wait3A_115 = arith.constant 0 : i32
    %dma_wait3A_116 = tpu.memref_slice %arg12[%dma_wait3A_114, %dma_wait3A_115] : memref<64x1024xf32, #tpu.memory_space<vmem>> -> memref<32x1024xf32, #tpu.memory_space<vmem>>
    %dma_wait3A_117 = arith.constant 0 : i32
    %dma_wait3A_118 = arith.constant 0 : i32
    %dma_wait3A_119 = tpu.memref_slice %arg6[%dma_wait3A_117, %dma_wait3A_118] : memref<12288x1024xf32, #tpu.memory_space<hbm>> -> memref<12288x1024xf32, #tpu.memory_space<hbm>>
    tpu.wait_indirect_dma semaphore(%arg16 : memref<!tpu.dma_semaphore, #tpu.memory_space<semaphore_mem>>) src(%dma_wait3A_116 : memref<32x1024xf32, #tpu.memory_space<vmem>>) dst(%dma_wait3A_119 : memref<12288x1024xf32, #tpu.memory_space<hbm>>)
    return
  }
}

#map = affine_map<(d0, d1) -> (0, 0)>
#map1 = affine_map<(d0, d1) -> (0)>
module attributes {stable_mosaic.version = 14 : i64} {
  func.func @combine_k(%arg0: i32, %arg1: i32, %arg2: memref<12288x1024xf32, #tpu.memory_space<hbm>>, %arg3: memref<2048xi32, #tpu.memory_space<hbm>>, %arg4: memref<2048xi32, #tpu.memory_space<hbm>>, %arg5: memref<2048x1024xf32, #tpu.memory_space<hbm>>, %arg6: memref<32xi32, #tpu.memory_space<vmem>>, %arg7: memref<32xi32, #tpu.memory_space<vmem>>, %arg8: memref<32x1024xf32, #tpu.memory_space<vmem>>, %arg9: memref<32x1024xf32, #tpu.memory_space<vmem>>, %arg10: memref<!tpu.dma_semaphore, #tpu.memory_space<semaphore_mem>>) attributes {dimension_semantics = [#tpu.dimension_semantics<core_parallel>, #tpu.dimension_semantics<subcore_parallel>], iteration_bounds = array<i64: 2, 16>, scalar_prefetch = 0 : i64, scratch_operands = 5 : i64, tpu.core_type = #tpu.core_type<sc_vector_subcore>, window_params = [{transform_indices = #map}, {transform_indices = #map1}, {transform_indices = #map1}, {transform_indices = #map}]} {
    %mul3A = arith.constant 2 : i32
    %mul3A_0 = arith.muli %arg1, %mul3A : i32
    %add3A = arith.addi %mul3A_0, %arg0 : i32
    %mul3A_1 = arith.constant 64 : i32
    %mul3A_2 = arith.muli %add3A, %mul3A_1 : i32
    %scan3A = arith.constant 0 : i32
    %scan3A_3 = arith.constant 0 : i32
    %scan3A_4 = arith.constant 2 : i32
    %scan3A_5 = arith.addi %scan3A_3, %scan3A_4 : i32
    %scan3A_6 = arith.constant 1 : i32
    scf.for %scan3A_8 = %scan3A_3 to %scan3A_5 step %scan3A_6  : i32 {
      %mul3A_9 = arith.constant 32 : i32
      %mul3A_10 = arith.muli %scan3A_8, %mul3A_9 : i32
      %add3A_11 = arith.addi %mul3A_2, %mul3A_10 : i32
      "tpu.region"() ({
        %run_scoped3A = tpu.sem_alloc : memref<!tpu.dma_semaphore, #tpu.memory_space<semaphore_mem>>
        %dma_start3A_28 = tpu.memref_slice %arg3[%add3A_11] : memref<2048xi32, #tpu.memory_space<hbm>> -> memref<32xi32, #tpu.memory_space<hbm>>
        %dma_start3A_29 = tpu.memref_slice %arg3[%add3A_11] : memref<2048xi32, #tpu.memory_space<hbm>> -> memref<32xi32, #tpu.memory_space<hbm>>
        tpu.enqueue_dma source(%dma_start3A_29 : memref<32xi32, #tpu.memory_space<hbm>>) target(%arg6 : memref<32xi32, #tpu.memory_space<vmem>>) target_semaphore(%run_scoped3A : memref<!tpu.dma_semaphore, #tpu.memory_space<semaphore_mem>>)
        %dma_wait3A_30 = tpu.memref_slice %arg3[%add3A_11] : memref<2048xi32, #tpu.memory_space<hbm>> -> memref<32xi32, #tpu.memory_space<hbm>>
        %dma_wait3A_31 = tpu.memref_slice %arg3[%add3A_11] : memref<2048xi32, #tpu.memory_space<hbm>> -> memref<32xi32, #tpu.memory_space<hbm>>
        tpu.wait_dma2 semaphore(%run_scoped3A : memref<!tpu.dma_semaphore, #tpu.memory_space<semaphore_mem>>) src(%dma_wait3A_31 : memref<32xi32, #tpu.memory_space<hbm>>) dst(%arg6 : memref<32xi32, #tpu.memory_space<vmem>>)
        tpu.yield
      }) : () -> ()
      "tpu.region"() ({
        %run_scoped3A = tpu.sem_alloc : memref<!tpu.dma_semaphore, #tpu.memory_space<semaphore_mem>>
        %dma_start3A_28 = tpu.memref_slice %arg4[%add3A_11] : memref<2048xi32, #tpu.memory_space<hbm>> -> memref<32xi32, #tpu.memory_space<hbm>>
        %dma_start3A_29 = tpu.memref_slice %arg4[%add3A_11] : memref<2048xi32, #tpu.memory_space<hbm>> -> memref<32xi32, #tpu.memory_space<hbm>>
        tpu.enqueue_dma source(%dma_start3A_29 : memref<32xi32, #tpu.memory_space<hbm>>) target(%arg7 : memref<32xi32, #tpu.memory_space<vmem>>) target_semaphore(%run_scoped3A : memref<!tpu.dma_semaphore, #tpu.memory_space<semaphore_mem>>)
        %dma_wait3A_30 = tpu.memref_slice %arg4[%add3A_11] : memref<2048xi32, #tpu.memory_space<hbm>> -> memref<32xi32, #tpu.memory_space<hbm>>
        %dma_wait3A_31 = tpu.memref_slice %arg4[%add3A_11] : memref<2048xi32, #tpu.memory_space<hbm>> -> memref<32xi32, #tpu.memory_space<hbm>>
        tpu.wait_dma2 semaphore(%run_scoped3A : memref<!tpu.dma_semaphore, #tpu.memory_space<semaphore_mem>>) src(%dma_wait3A_31 : memref<32xi32, #tpu.memory_space<hbm>>) dst(%arg7 : memref<32xi32, #tpu.memory_space<vmem>>)
        tpu.yield
      }) : () -> ()
      %dma_start3A = arith.constant 0 : i32
      %dma_start3A_12 = arith.constant 0 : i32
      %dma_start3A_13 = tpu.memref_slice %arg2[%dma_start3A, %dma_start3A_12] : memref<12288x1024xf32, #tpu.memory_space<hbm>> -> memref<12288x1024xf32, #tpu.memory_space<hbm>>
      tpu.enqueue_indirect_dma source(%dma_start3A_13 : memref<12288x1024xf32, #tpu.memory_space<hbm>>) target(%arg8 : memref<32x1024xf32, #tpu.memory_space<vmem>>) offsets(%arg6 : memref<32xi32, #tpu.memory_space<vmem>>) semaphore(%arg10 : memref<!tpu.dma_semaphore, #tpu.memory_space<semaphore_mem>>)
      %dma_wait3A = arith.constant 0 : i32
      %dma_wait3A_14 = arith.constant 0 : i32
      %dma_wait3A_15 = tpu.memref_slice %arg2[%dma_wait3A, %dma_wait3A_14] : memref<12288x1024xf32, #tpu.memory_space<hbm>> -> memref<12288x1024xf32, #tpu.memory_space<hbm>>
      tpu.wait_indirect_dma semaphore(%arg10 : memref<!tpu.dma_semaphore, #tpu.memory_space<semaphore_mem>>) src(%dma_wait3A_15 : memref<12288x1024xf32, #tpu.memory_space<hbm>>) dst(%arg8 : memref<32x1024xf32, #tpu.memory_space<vmem>>)
      %dma_start3A_16 = arith.constant 0 : i32
      %dma_start3A_17 = arith.constant 0 : i32
      %dma_start3A_18 = tpu.memref_slice %arg2[%dma_start3A_16, %dma_start3A_17] : memref<12288x1024xf32, #tpu.memory_space<hbm>> -> memref<12288x1024xf32, #tpu.memory_space<hbm>>
      tpu.enqueue_indirect_dma source(%dma_start3A_18 : memref<12288x1024xf32, #tpu.memory_space<hbm>>) target(%arg9 : memref<32x1024xf32, #tpu.memory_space<vmem>>) offsets(%arg7 : memref<32xi32, #tpu.memory_space<vmem>>) semaphore(%arg10 : memref<!tpu.dma_semaphore, #tpu.memory_space<semaphore_mem>>)
      %dma_wait3A_19 = arith.constant 0 : i32
      %dma_wait3A_20 = arith.constant 0 : i32
      %dma_wait3A_21 = tpu.memref_slice %arg2[%dma_wait3A_19, %dma_wait3A_20] : memref<12288x1024xf32, #tpu.memory_space<hbm>> -> memref<12288x1024xf32, #tpu.memory_space<hbm>>
      tpu.wait_indirect_dma semaphore(%arg10 : memref<!tpu.dma_semaphore, #tpu.memory_space<semaphore_mem>>) src(%dma_wait3A_21 : memref<12288x1024xf32, #tpu.memory_space<hbm>>) dst(%arg9 : memref<32x1024xf32, #tpu.memory_space<vmem>>)
      %scan3A_22 = arith.constant 0 : i32
      %scan3A_23 = arith.constant 0 : i32
      %scan3A_24 = arith.constant 32 : i32
      %scan3A_25 = arith.addi %scan3A_23, %scan3A_24 : i32
      %scan3A_26 = arith.constant 1 : i32
      scf.for %scan3A_28 = %scan3A_23 to %scan3A_25 step %scan3A_26  : i32 {
        %get3A = arith.index_cast %scan3A_28 : i32 to index
        %get3A_29 = arith.constant 0 : index
        %get3A_30 = tpu.vector_load %arg8[%get3A, %get3A_29] {strides = array<i32>} : memref<32x1024xf32, #tpu.memory_space<vmem>>, vector<1x16xf32>,
        %get3A_31 = vector.shape_cast %get3A_30 : vector<1x16xf32> to vector<16xf32>
        %get3A_32 = arith.index_cast %scan3A_28 : i32 to index
        %get3A_33 = arith.constant 0 : index
        %get3A_34 = tpu.vector_load %arg9[%get3A_32, %get3A_33] {strides = array<i32>} : memref<32x1024xf32, #tpu.memory_space<vmem>>, vector<1x16xf32>,
        %get3A_35 = vector.shape_cast %get3A_34 : vector<1x16xf32> to vector<16xf32>
        %add3A_36 = arith.addf %get3A_31, %get3A_35 : vector<16xf32>
        %swap3A = arith.index_cast %scan3A_28 : i32 to index
        %swap3A_37 = arith.constant 0 : index
        %swap3A_38 = tpu.vector_load %arg8[%swap3A, %swap3A_37] {strides = array<i32>} : memref<32x1024xf32, #tpu.memory_space<vmem>>, vector<1x16xf32>,
        %swap3A_39 = vector.shape_cast %swap3A_38 : vector<1x16xf32> to vector<16xf32>
        %swap3A_40 = vector.shape_cast %add3A_36 : vector<16xf32> to vector<1x16xf32>
        tpu.vector_store %arg8[%swap3A, %swap3A_37], %swap3A_40 {strides = array<i32>} : memref<32x1024xf32, #tpu.memory_space<vmem>>, vector<1x16xf32>,
        %get3A_41 = arith.index_cast %scan3A_28 : i32 to index
        %get3A_42 = arith.constant 16 : index
        %get3A_43 = tpu.vector_load %arg8[%get3A_41, %get3A_42] {strides = array<i32>} : memref<32x1024xf32, #tpu.memory_space<vmem>>, vector<1x16xf32>,
        %get3A_44 = vector.shape_cast %get3A_43 : vector<1x16xf32> to vector<16xf32>
        %get3A_45 = arith.index_cast %scan3A_28 : i32 to index
        %get3A_46 = arith.constant 16 : index
        %get3A_47 = tpu.vector_load %arg9[%get3A_45, %get3A_46] {strides = array<i32>} : memref<32x1024xf32, #tpu.memory_space<vmem>>, vector<1x16xf32>,
        %get3A_48 = vector.shape_cast %get3A_47 : vector<1x16xf32> to vector<16xf32>
        %add3A_49 = arith.addf %get3A_44, %get3A_48 : vector<16xf32>
        %swap3A_50 = arith.index_cast %scan3A_28 : i32 to index
        %swap3A_51 = arith.constant 16 : index
        %swap3A_52 = tpu.vector_load %arg8[%swap3A_50, %swap3A_51] {strides = array<i32>} : memref<32x1024xf32, #tpu.memory_space<vmem>>, vector<1x16xf32>,
        %swap3A_53 = vector.shape_cast %swap3A_52 : vector<1x16xf32> to vector<16xf32>
        %swap3A_54 = vector.shape_cast %add3A_49 : vector<16xf32> to vector<1x16xf32>
        tpu.vector_store %arg8[%swap3A_50, %swap3A_51], %swap3A_54 {strides = array<i32>} : memref<32x1024xf32, #tpu.memory_space<vmem>>, vector<1x16xf32>,
        %get3A_55 = arith.index_cast %scan3A_28 : i32 to index
        %get3A_56 = arith.constant 32 : index
        %get3A_57 = tpu.vector_load %arg8[%get3A_55, %get3A_56] {strides = array<i32>} : memref<32x1024xf32, #tpu.memory_space<vmem>>, vector<1x16xf32>,
        %get3A_58 = vector.shape_cast %get3A_57 : vector<1x16xf32> to vector<16xf32>
        %get3A_59 = arith.index_cast %scan3A_28 : i32 to index
        %get3A_60 = arith.constant 32 : index
        %get3A_61 = tpu.vector_load %arg9[%get3A_59, %get3A_60] {strides = array<i32>} : memref<32x1024xf32, #tpu.memory_space<vmem>>, vector<1x16xf32>,
        %get3A_62 = vector.shape_cast %get3A_61 : vector<1x16xf32> to vector<16xf32>
        %add3A_63 = arith.addf %get3A_58, %get3A_62 : vector<16xf32>
        %swap3A_64 = arith.index_cast %scan3A_28 : i32 to index
        %swap3A_65 = arith.constant 32 : index
        %swap3A_66 = tpu.vector_load %arg8[%swap3A_64, %swap3A_65] {strides = array<i32>} : memref<32x1024xf32, #tpu.memory_space<vmem>>, vector<1x16xf32>,
        %swap3A_67 = vector.shape_cast %swap3A_66 : vector<1x16xf32> to vector<16xf32>
        %swap3A_68 = vector.shape_cast %add3A_63 : vector<16xf32> to vector<1x16xf32>
        tpu.vector_store %arg8[%swap3A_64, %swap3A_65], %swap3A_68 {strides = array<i32>} : memref<32x1024xf32, #tpu.memory_space<vmem>>, vector<1x16xf32>,
        %get3A_69 = arith.index_cast %scan3A_28 : i32 to index
        %get3A_70 = arith.constant 48 : index
        %get3A_71 = tpu.vector_load %arg8[%get3A_69, %get3A_70] {strides = array<i32>} : memref<32x1024xf32, #tpu.memory_space<vmem>>, vector<1x16xf32>,
        %get3A_72 = vector.shape_cast %get3A_71 : vector<1x16xf32> to vector<16xf32>
        %get3A_73 = arith.index_cast %scan3A_28 : i32 to index
        %get3A_74 = arith.constant 48 : index
        %get3A_75 = tpu.vector_load %arg9[%get3A_73, %get3A_74] {strides = array<i32>} : memref<32x1024xf32, #tpu.memory_space<vmem>>, vector<1x16xf32>,
        %get3A_76 = vector.shape_cast %get3A_75 : vector<1x16xf32> to vector<16xf32>
        %add3A_77 = arith.addf %get3A_72, %get3A_76 : vector<16xf32>
        %swap3A_78 = arith.index_cast %scan3A_28 : i32 to index
        %swap3A_79 = arith.constant 48 : index
        %swap3A_80 = tpu.vector_load %arg8[%swap3A_78, %swap3A_79] {strides = array<i32>} : memref<32x1024xf32, #tpu.memory_space<vmem>>, vector<1x16xf32>,
        %swap3A_81 = vector.shape_cast %swap3A_80 : vector<1x16xf32> to vector<16xf32>
        %swap3A_82 = vector.shape_cast %add3A_77 : vector<16xf32> to vector<1x16xf32>
        tpu.vector_store %arg8[%swap3A_78, %swap3A_79], %swap3A_82 {strides = array<i32>} : memref<32x1024xf32, #tpu.memory_space<vmem>>, vector<1x16xf32>,
        %get3A_83 = arith.index_cast %scan3A_28 : i32 to index
        %get3A_84 = arith.constant 64 : index
        %get3A_85 = tpu.vector_load %arg8[%get3A_83, %get3A_84] {strides = array<i32>} : memref<32x1024xf32, #tpu.memory_space<vmem>>, vector<1x16xf32>,
        %get3A_86 = vector.shape_cast %get3A_85 : vector<1x16xf32> to vector<16xf32>
        %get3A_87 = arith.index_cast %scan3A_28 : i32 to index
        %get3A_88 = arith.constant 64 : index
        %get3A_89 = tpu.vector_load %arg9[%get3A_87, %get3A_88] {strides = array<i32>} : memref<32x1024xf32, #tpu.memory_space<vmem>>, vector<1x16xf32>,
        %get3A_90 = vector.shape_cast %get3A_89 : vector<1x16xf32> to vector<16xf32>
        %add3A_91 = arith.addf %get3A_86, %get3A_90 : vector<16xf32>
        %swap3A_92 = arith.index_cast %scan3A_28 : i32 to index
        %swap3A_93 = arith.constant 64 : index
        %swap3A_94 = tpu.vector_load %arg8[%swap3A_92, %swap3A_93] {strides = array<i32>} : memref<32x1024xf32, #tpu.memory_space<vmem>>, vector<1x16xf32>,
        %swap3A_95 = vector.shape_cast %swap3A_94 : vector<1x16xf32> to vector<16xf32>
        %swap3A_96 = vector.shape_cast %add3A_91 : vector<16xf32> to vector<1x16xf32>
        tpu.vector_store %arg8[%swap3A_92, %swap3A_93], %swap3A_96 {strides = array<i32>} : memref<32x1024xf32, #tpu.memory_space<vmem>>, vector<1x16xf32>,
        %get3A_97 = arith.index_cast %scan3A_28 : i32 to index
        %get3A_98 = arith.constant 80 : index
        %get3A_99 = tpu.vector_load %arg8[%get3A_97, %get3A_98] {strides = array<i32>} : memref<32x1024xf32, #tpu.memory_space<vmem>>, vector<1x16xf32>,
        %get3A_100 = vector.shape_cast %get3A_99 : vector<1x16xf32> to vector<16xf32>
        %get3A_101 = arith.index_cast %scan3A_28 : i32 to index
        %get3A_102 = arith.constant 80 : index
        %get3A_103 = tpu.vector_load %arg9[%get3A_101, %get3A_102] {strides = array<i32>} : memref<32x1024xf32, #tpu.memory_space<vmem>>, vector<1x16xf32>,
        %get3A_104 = vector.shape_cast %get3A_103 : vector<1x16xf32> to vector<16xf32>
        %add3A_105 = arith.addf %get3A_100, %get3A_104 : vector<16xf32>
        %swap3A_106 = arith.index_cast %scan3A_28 : i32 to index
        %swap3A_107 = arith.constant 80 : index
        %swap3A_108 = tpu.vector_load %arg8[%swap3A_106, %swap3A_107] {strides = array<i32>} : memref<32x1024xf32, #tpu.memory_space<vmem>>, vector<1x16xf32>,
        %swap3A_109 = vector.shape_cast %swap3A_108 : vector<1x16xf32> to vector<16xf32>
        %swap3A_110 = vector.shape_cast %add3A_105 : vector<16xf32> to vector<1x16xf32>
        tpu.vector_store %arg8[%swap3A_106, %swap3A_107], %swap3A_110 {strides = array<i32>} : memref<32x1024xf32, #tpu.memory_space<vmem>>, vector<1x16xf32>,
        %get3A_111 = arith.index_cast %scan3A_28 : i32 to index
        %get3A_112 = arith.constant 96 : index
        %get3A_113 = tpu.vector_load %arg8[%get3A_111, %get3A_112] {strides = array<i32>} : memref<32x1024xf32, #tpu.memory_space<vmem>>, vector<1x16xf32>,
        %get3A_114 = vector.shape_cast %get3A_113 : vector<1x16xf32> to vector<16xf32>
        %get3A_115 = arith.index_cast %scan3A_28 : i32 to index
        %get3A_116 = arith.constant 96 : index
        %get3A_117 = tpu.vector_load %arg9[%get3A_115, %get3A_116] {strides = array<i32>} : memref<32x1024xf32, #tpu.memory_space<vmem>>, vector<1x16xf32>,
        %get3A_118 = vector.shape_cast %get3A_117 : vector<1x16xf32> to vector<16xf32>
        %add3A_119 = arith.addf %get3A_114, %get3A_118 : vector<16xf32>
        %swap3A_120 = arith.index_cast %scan3A_28 : i32 to index
        %swap3A_121 = arith.constant 96 : index
        %swap3A_122 = tpu.vector_load %arg8[%swap3A_120, %swap3A_121] {strides = array<i32>} : memref<32x1024xf32, #tpu.memory_space<vmem>>, vector<1x16xf32>,
        %swap3A_123 = vector.shape_cast %swap3A_122 : vector<1x16xf32> to vector<16xf32>
        %swap3A_124 = vector.shape_cast %add3A_119 : vector<16xf32> to vector<1x16xf32>
        tpu.vector_store %arg8[%swap3A_120, %swap3A_121], %swap3A_124 {strides = array<i32>} : memref<32x1024xf32, #tpu.memory_space<vmem>>, vector<1x16xf32>,
        %get3A_125 = arith.index_cast %scan3A_28 : i32 to index
        %get3A_126 = arith.constant 112 : index
        %get3A_127 = tpu.vector_load %arg8[%get3A_125, %get3A_126] {strides = array<i32>} : memref<32x1024xf32, #tpu.memory_space<vmem>>, vector<1x16xf32>,
        %get3A_128 = vector.shape_cast %get3A_127 : vector<1x16xf32> to vector<16xf32>
        %get3A_129 = arith.index_cast %scan3A_28 : i32 to index
        %get3A_130 = arith.constant 112 : index
        %get3A_131 = tpu.vector_load %arg9[%get3A_129, %get3A_130] {strides = array<i32>} : memref<32x1024xf32, #tpu.memory_space<vmem>>, vector<1x16xf32>,
        %get3A_132 = vector.shape_cast %get3A_131 : vector<1x16xf32> to vector<16xf32>
        %add3A_133 = arith.addf %get3A_128, %get3A_132 : vector<16xf32>
        %swap3A_134 = arith.index_cast %scan3A_28 : i32 to index
        %swap3A_135 = arith.constant 112 : index
        %swap3A_136 = tpu.vector_load %arg8[%swap3A_134, %swap3A_135] {strides = array<i32>} : memref<32x1024xf32, #tpu.memory_space<vmem>>, vector<1x16xf32>,
        %swap3A_137 = vector.shape_cast %swap3A_136 : vector<1x16xf32> to vector<16xf32>
        %swap3A_138 = vector.shape_cast %add3A_133 : vector<16xf32> to vector<1x16xf32>
        tpu.vector_store %arg8[%swap3A_134, %swap3A_135], %swap3A_138 {strides = array<i32>} : memref<32x1024xf32, #tpu.memory_space<vmem>>, vector<1x16xf32>,
        %get3A_139 = arith.index_cast %scan3A_28 : i32 to index
        %get3A_140 = arith.constant 128 : index
        %get3A_141 = tpu.vector_load %arg8[%get3A_139, %get3A_140] {strides = array<i32>} : memref<32x1024xf32, #tpu.memory_space<vmem>>, vector<1x16xf32>,
        %get3A_142 = vector.shape_cast %get3A_141 : vector<1x16xf32> to vector<16xf32>
        %get3A_143 = arith.index_cast %scan3A_28 : i32 to index
        %get3A_144 = arith.constant 128 : index
        %get3A_145 = tpu.vector_load %arg9[%get3A_143, %get3A_144] {strides = array<i32>} : memref<32x1024xf32, #tpu.memory_space<vmem>>, vector<1x16xf32>,
        %get3A_146 = vector.shape_cast %get3A_145 : vector<1x16xf32> to vector<16xf32>
        %add3A_147 = arith.addf %get3A_142, %get3A_146 : vector<16xf32>
        %swap3A_148 = arith.index_cast %scan3A_28 : i32 to index
        %swap3A_149 = arith.constant 128 : index
        %swap3A_150 = tpu.vector_load %arg8[%swap3A_148, %swap3A_149] {strides = array<i32>} : memref<32x1024xf32, #tpu.memory_space<vmem>>, vector<1x16xf32>,
        %swap3A_151 = vector.shape_cast %swap3A_150 : vector<1x16xf32> to vector<16xf32>
        %swap3A_152 = vector.shape_cast %add3A_147 : vector<16xf32> to vector<1x16xf32>
        tpu.vector_store %arg8[%swap3A_148, %swap3A_149], %swap3A_152 {strides = array<i32>} : memref<32x1024xf32, #tpu.memory_space<vmem>>, vector<1x16xf32>,
        %get3A_153 = arith.index_cast %scan3A_28 : i32 to index
        %get3A_154 = arith.constant 144 : index
        %get3A_155 = tpu.vector_load %arg8[%get3A_153, %get3A_154] {strides = array<i32>} : memref<32x1024xf32, #tpu.memory_space<vmem>>, vector<1x16xf32>,
        %get3A_156 = vector.shape_cast %get3A_155 : vector<1x16xf32> to vector<16xf32>
        %get3A_157 = arith.index_cast %scan3A_28 : i32 to index
        %get3A_158 = arith.constant 144 : index
        %get3A_159 = tpu.vector_load %arg9[%get3A_157, %get3A_158] {strides = array<i32>} : memref<32x1024xf32, #tpu.memory_space<vmem>>, vector<1x16xf32>,
        %get3A_160 = vector.shape_cast %get3A_159 : vector<1x16xf32> to vector<16xf32>
        %add3A_161 = arith.addf %get3A_156, %get3A_160 : vector<16xf32>
        %swap3A_162 = arith.index_cast %scan3A_28 : i32 to index
        %swap3A_163 = arith.constant 144 : index
        %swap3A_164 = tpu.vector_load %arg8[%swap3A_162, %swap3A_163] {strides = array<i32>} : memref<32x1024xf32, #tpu.memory_space<vmem>>, vector<1x16xf32>,
        %swap3A_165 = vector.shape_cast %swap3A_164 : vector<1x16xf32> to vector<16xf32>
        %swap3A_166 = vector.shape_cast %add3A_161 : vector<16xf32> to vector<1x16xf32>
        tpu.vector_store %arg8[%swap3A_162, %swap3A_163], %swap3A_166 {strides = array<i32>} : memref<32x1024xf32, #tpu.memory_space<vmem>>, vector<1x16xf32>,
        %get3A_167 = arith.index_cast %scan3A_28 : i32 to index
        %get3A_168 = arith.constant 160 : index
        %get3A_169 = tpu.vector_load %arg8[%get3A_167, %get3A_168] {strides = array<i32>} : memref<32x1024xf32, #tpu.memory_space<vmem>>, vector<1x16xf32>,
        %get3A_170 = vector.shape_cast %get3A_169 : vector<1x16xf32> to vector<16xf32>
        %get3A_171 = arith.index_cast %scan3A_28 : i32 to index
        %get3A_172 = arith.constant 160 : index
        %get3A_173 = tpu.vector_load %arg9[%get3A_171, %get3A_172] {strides = array<i32>} : memref<32x1024xf32, #tpu.memory_space<vmem>>, vector<1x16xf32>,
        %get3A_174 = vector.shape_cast %get3A_173 : vector<1x16xf32> to vector<16xf32>
        %add3A_175 = arith.addf %get3A_170, %get3A_174 : vector<16xf32>
        %swap3A_176 = arith.index_cast %scan3A_28 : i32 to index
        %swap3A_177 = arith.constant 160 : index
        %swap3A_178 = tpu.vector_load %arg8[%swap3A_176, %swap3A_177] {strides = array<i32>} : memref<32x1024xf32, #tpu.memory_space<vmem>>, vector<1x16xf32>,
        %swap3A_179 = vector.shape_cast %swap3A_178 : vector<1x16xf32> to vector<16xf32>
        %swap3A_180 = vector.shape_cast %add3A_175 : vector<16xf32> to vector<1x16xf32>
        tpu.vector_store %arg8[%swap3A_176, %swap3A_177], %swap3A_180 {strides = array<i32>} : memref<32x1024xf32, #tpu.memory_space<vmem>>, vector<1x16xf32>,
        %get3A_181 = arith.index_cast %scan3A_28 : i32 to index
        %get3A_182 = arith.constant 176 : index
        %get3A_183 = tpu.vector_load %arg8[%get3A_181, %get3A_182] {strides = array<i32>} : memref<32x1024xf32, #tpu.memory_space<vmem>>, vector<1x16xf32>,
        %get3A_184 = vector.shape_cast %get3A_183 : vector<1x16xf32> to vector<16xf32>
        %get3A_185 = arith.index_cast %scan3A_28 : i32 to index
        %get3A_186 = arith.constant 176 : index
        %get3A_187 = tpu.vector_load %arg9[%get3A_185, %get3A_186] {strides = array<i32>} : memref<32x1024xf32, #tpu.memory_space<vmem>>, vector<1x16xf32>,
        %get3A_188 = vector.shape_cast %get3A_187 : vector<1x16xf32> to vector<16xf32>
        %add3A_189 = arith.addf %get3A_184, %get3A_188 : vector<16xf32>
        %swap3A_190 = arith.index_cast %scan3A_28 : i32 to index
        %swap3A_191 = arith.constant 176 : index
        %swap3A_192 = tpu.vector_load %arg8[%swap3A_190, %swap3A_191] {strides = array<i32>} : memref<32x1024xf32, #tpu.memory_space<vmem>>, vector<1x16xf32>,
        %swap3A_193 = vector.shape_cast %swap3A_192 : vector<1x16xf32> to vector<16xf32>
        %swap3A_194 = vector.shape_cast %add3A_189 : vector<16xf32> to vector<1x16xf32>
        tpu.vector_store %arg8[%swap3A_190, %swap3A_191], %swap3A_194 {strides = array<i32>} : memref<32x1024xf32, #tpu.memory_space<vmem>>, vector<1x16xf32>,
        %get3A_195 = arith.index_cast %scan3A_28 : i32 to index
        %get3A_196 = arith.constant 192 : index
        %get3A_197 = tpu.vector_load %arg8[%get3A_195, %get3A_196] {strides = array<i32>} : memref<32x1024xf32, #tpu.memory_space<vmem>>, vector<1x16xf32>,
        %get3A_198 = vector.shape_cast %get3A_197 : vector<1x16xf32> to vector<16xf32>
        %get3A_199 = arith.index_cast %scan3A_28 : i32 to index
        %get3A_200 = arith.constant 192 : index
        %get3A_201 = tpu.vector_load %arg9[%get3A_199, %get3A_200] {strides = array<i32>} : memref<32x1024xf32, #tpu.memory_space<vmem>>, vector<1x16xf32>,
        %get3A_202 = vector.shape_cast %get3A_201 : vector<1x16xf32> to vector<16xf32>
        %add3A_203 = arith.addf %get3A_198, %get3A_202 : vector<16xf32>
        %swap3A_204 = arith.index_cast %scan3A_28 : i32 to index
        %swap3A_205 = arith.constant 192 : index
        %swap3A_206 = tpu.vector_load %arg8[%swap3A_204, %swap3A_205] {strides = array<i32>} : memref<32x1024xf32, #tpu.memory_space<vmem>>, vector<1x16xf32>,
        %swap3A_207 = vector.shape_cast %swap3A_206 : vector<1x16xf32> to vector<16xf32>
        %swap3A_208 = vector.shape_cast %add3A_203 : vector<16xf32> to vector<1x16xf32>
        tpu.vector_store %arg8[%swap3A_204, %swap3A_205], %swap3A_208 {strides = array<i32>} : memref<32x1024xf32, #tpu.memory_space<vmem>>, vector<1x16xf32>,
        %get3A_209 = arith.index_cast %scan3A_28 : i32 to index
        %get3A_210 = arith.constant 208 : index
        %get3A_211 = tpu.vector_load %arg8[%get3A_209, %get3A_210] {strides = array<i32>} : memref<32x1024xf32, #tpu.memory_space<vmem>>, vector<1x16xf32>,
        %get3A_212 = vector.shape_cast %get3A_211 : vector<1x16xf32> to vector<16xf32>
        %get3A_213 = arith.index_cast %scan3A_28 : i32 to index
        %get3A_214 = arith.constant 208 : index
        %get3A_215 = tpu.vector_load %arg9[%get3A_213, %get3A_214] {strides = array<i32>} : memref<32x1024xf32, #tpu.memory_space<vmem>>, vector<1x16xf32>,
        %get3A_216 = vector.shape_cast %get3A_215 : vector<1x16xf32> to vector<16xf32>
        %add3A_217 = arith.addf %get3A_212, %get3A_216 : vector<16xf32>
        %swap3A_218 = arith.index_cast %scan3A_28 : i32 to index
        %swap3A_219 = arith.constant 208 : index
        %swap3A_220 = tpu.vector_load %arg8[%swap3A_218, %swap3A_219] {strides = array<i32>} : memref<32x1024xf32, #tpu.memory_space<vmem>>, vector<1x16xf32>,
        %swap3A_221 = vector.shape_cast %swap3A_220 : vector<1x16xf32> to vector<16xf32>
        %swap3A_222 = vector.shape_cast %add3A_217 : vector<16xf32> to vector<1x16xf32>
        tpu.vector_store %arg8[%swap3A_218, %swap3A_219], %swap3A_222 {strides = array<i32>} : memref<32x1024xf32, #tpu.memory_space<vmem>>, vector<1x16xf32>,
        %get3A_223 = arith.index_cast %scan3A_28 : i32 to index
        %get3A_224 = arith.constant 224 : index
        %get3A_225 = tpu.vector_load %arg8[%get3A_223, %get3A_224] {strides = array<i32>} : memref<32x1024xf32, #tpu.memory_space<vmem>>, vector<1x16xf32>,
        %get3A_226 = vector.shape_cast %get3A_225 : vector<1x16xf32> to vector<16xf32>
        %get3A_227 = arith.index_cast %scan3A_28 : i32 to index
        %get3A_228 = arith.constant 224 : index
        %get3A_229 = tpu.vector_load %arg9[%get3A_227, %get3A_228] {strides = array<i32>} : memref<32x1024xf32, #tpu.memory_space<vmem>>, vector<1x16xf32>,
        %get3A_230 = vector.shape_cast %get3A_229 : vector<1x16xf32> to vector<16xf32>
        %add3A_231 = arith.addf %get3A_226, %get3A_230 : vector<16xf32>
        %swap3A_232 = arith.index_cast %scan3A_28 : i32 to index
        %swap3A_233 = arith.constant 224 : index
        %swap3A_234 = tpu.vector_load %arg8[%swap3A_232, %swap3A_233] {strides = array<i32>} : memref<32x1024xf32, #tpu.memory_space<vmem>>, vector<1x16xf32>,
        %swap3A_235 = vector.shape_cast %swap3A_234 : vector<1x16xf32> to vector<16xf32>
        %swap3A_236 = vector.shape_cast %add3A_231 : vector<16xf32> to vector<1x16xf32>
        tpu.vector_store %arg8[%swap3A_232, %swap3A_233], %swap3A_236 {strides = array<i32>} : memref<32x1024xf32, #tpu.memory_space<vmem>>, vector<1x16xf32>,
        %get3A_237 = arith.index_cast %scan3A_28 : i32 to index
        %get3A_238 = arith.constant 240 : index
        %get3A_239 = tpu.vector_load %arg8[%get3A_237, %get3A_238] {strides = array<i32>} : memref<32x1024xf32, #tpu.memory_space<vmem>>, vector<1x16xf32>,
        %get3A_240 = vector.shape_cast %get3A_239 : vector<1x16xf32> to vector<16xf32>
        %get3A_241 = arith.index_cast %scan3A_28 : i32 to index
        %get3A_242 = arith.constant 240 : index
        %get3A_243 = tpu.vector_load %arg9[%get3A_241, %get3A_242] {strides = array<i32>} : memref<32x1024xf32, #tpu.memory_space<vmem>>, vector<1x16xf32>,
        %get3A_244 = vector.shape_cast %get3A_243 : vector<1x16xf32> to vector<16xf32>
        %add3A_245 = arith.addf %get3A_240, %get3A_244 : vector<16xf32>
        %swap3A_246 = arith.index_cast %scan3A_28 : i32 to index
        %swap3A_247 = arith.constant 240 : index
        %swap3A_248 = tpu.vector_load %arg8[%swap3A_246, %swap3A_247] {strides = array<i32>} : memref<32x1024xf32, #tpu.memory_space<vmem>>, vector<1x16xf32>,
        %swap3A_249 = vector.shape_cast %swap3A_248 : vector<1x16xf32> to vector<16xf32>
        %swap3A_250 = vector.shape_cast %add3A_245 : vector<16xf32> to vector<1x16xf32>
        tpu.vector_store %arg8[%swap3A_246, %swap3A_247], %swap3A_250 {strides = array<i32>} : memref<32x1024xf32, #tpu.memory_space<vmem>>, vector<1x16xf32>,
        %get3A_251 = arith.index_cast %scan3A_28 : i32 to index
        %get3A_252 = arith.constant 256 : index
        %get3A_253 = tpu.vector_load %arg8[%get3A_251, %get3A_252] {strides = array<i32>} : memref<32x1024xf32, #tpu.memory_space<vmem>>, vector<1x16xf32>,
        %get3A_254 = vector.shape_cast %get3A_253 : vector<1x16xf32> to vector<16xf32>
        %get3A_255 = arith.index_cast %scan3A_28 : i32 to index
        %get3A_256 = arith.constant 256 : index
        %get3A_257 = tpu.vector_load %arg9[%get3A_255, %get3A_256] {strides = array<i32>} : memref<32x1024xf32, #tpu.memory_space<vmem>>, vector<1x16xf32>,
        %get3A_258 = vector.shape_cast %get3A_257 : vector<1x16xf32> to vector<16xf32>
        %add3A_259 = arith.addf %get3A_254, %get3A_258 : vector<16xf32>
        %swap3A_260 = arith.index_cast %scan3A_28 : i32 to index
        %swap3A_261 = arith.constant 256 : index
        %swap3A_262 = tpu.vector_load %arg8[%swap3A_260, %swap3A_261] {strides = array<i32>} : memref<32x1024xf32, #tpu.memory_space<vmem>>, vector<1x16xf32>,
        %swap3A_263 = vector.shape_cast %swap3A_262 : vector<1x16xf32> to vector<16xf32>
        %swap3A_264 = vector.shape_cast %add3A_259 : vector<16xf32> to vector<1x16xf32>
        tpu.vector_store %arg8[%swap3A_260, %swap3A_261], %swap3A_264 {strides = array<i32>} : memref<32x1024xf32, #tpu.memory_space<vmem>>, vector<1x16xf32>,
        %get3A_265 = arith.index_cast %scan3A_28 : i32 to index
        %get3A_266 = arith.constant 272 : index
        %get3A_267 = tpu.vector_load %arg8[%get3A_265, %get3A_266] {strides = array<i32>} : memref<32x1024xf32, #tpu.memory_space<vmem>>, vector<1x16xf32>,
        %get3A_268 = vector.shape_cast %get3A_267 : vector<1x16xf32> to vector<16xf32>
        %get3A_269 = arith.index_cast %scan3A_28 : i32 to index
        %get3A_270 = arith.constant 272 : index
        %get3A_271 = tpu.vector_load %arg9[%get3A_269, %get3A_270] {strides = array<i32>} : memref<32x1024xf32, #tpu.memory_space<vmem>>, vector<1x16xf32>,
        %get3A_272 = vector.shape_cast %get3A_271 : vector<1x16xf32> to vector<16xf32>
        %add3A_273 = arith.addf %get3A_268, %get3A_272 : vector<16xf32>
        %swap3A_274 = arith.index_cast %scan3A_28 : i32 to index
        %swap3A_275 = arith.constant 272 : index
        %swap3A_276 = tpu.vector_load %arg8[%swap3A_274, %swap3A_275] {strides = array<i32>} : memref<32x1024xf32, #tpu.memory_space<vmem>>, vector<1x16xf32>,
        %swap3A_277 = vector.shape_cast %swap3A_276 : vector<1x16xf32> to vector<16xf32>
        %swap3A_278 = vector.shape_cast %add3A_273 : vector<16xf32> to vector<1x16xf32>
        tpu.vector_store %arg8[%swap3A_274, %swap3A_275], %swap3A_278 {strides = array<i32>} : memref<32x1024xf32, #tpu.memory_space<vmem>>, vector<1x16xf32>,
        %get3A_279 = arith.index_cast %scan3A_28 : i32 to index
        %get3A_280 = arith.constant 288 : index
        %get3A_281 = tpu.vector_load %arg8[%get3A_279, %get3A_280] {strides = array<i32>} : memref<32x1024xf32, #tpu.memory_space<vmem>>, vector<1x16xf32>,
        %get3A_282 = vector.shape_cast %get3A_281 : vector<1x16xf32> to vector<16xf32>
        %get3A_283 = arith.index_cast %scan3A_28 : i32 to index
        %get3A_284 = arith.constant 288 : index
        %get3A_285 = tpu.vector_load %arg9[%get3A_283, %get3A_284] {strides = array<i32>} : memref<32x1024xf32, #tpu.memory_space<vmem>>, vector<1x16xf32>,
        %get3A_286 = vector.shape_cast %get3A_285 : vector<1x16xf32> to vector<16xf32>
        %add3A_287 = arith.addf %get3A_282, %get3A_286 : vector<16xf32>
        %swap3A_288 = arith.index_cast %scan3A_28 : i32 to index
        %swap3A_289 = arith.constant 288 : index
        %swap3A_290 = tpu.vector_load %arg8[%swap3A_288, %swap3A_289] {strides = array<i32>} : memref<32x1024xf32, #tpu.memory_space<vmem>>, vector<1x16xf32>,
        %swap3A_291 = vector.shape_cast %swap3A_290 : vector<1x16xf32> to vector<16xf32>
        %swap3A_292 = vector.shape_cast %add3A_287 : vector<16xf32> to vector<1x16xf32>
        tpu.vector_store %arg8[%swap3A_288, %swap3A_289], %swap3A_292 {strides = array<i32>} : memref<32x1024xf32, #tpu.memory_space<vmem>>, vector<1x16xf32>,
        %get3A_293 = arith.index_cast %scan3A_28 : i32 to index
        %get3A_294 = arith.constant 304 : index
        %get3A_295 = tpu.vector_load %arg8[%get3A_293, %get3A_294] {strides = array<i32>} : memref<32x1024xf32, #tpu.memory_space<vmem>>, vector<1x16xf32>,
        %get3A_296 = vector.shape_cast %get3A_295 : vector<1x16xf32> to vector<16xf32>
        %get3A_297 = arith.index_cast %scan3A_28 : i32 to index
        %get3A_298 = arith.constant 304 : index
        %get3A_299 = tpu.vector_load %arg9[%get3A_297, %get3A_298] {strides = array<i32>} : memref<32x1024xf32, #tpu.memory_space<vmem>>, vector<1x16xf32>,
        %get3A_300 = vector.shape_cast %get3A_299 : vector<1x16xf32> to vector<16xf32>
        %add3A_301 = arith.addf %get3A_296, %get3A_300 : vector<16xf32>
        %swap3A_302 = arith.index_cast %scan3A_28 : i32 to index
        %swap3A_303 = arith.constant 304 : index
        %swap3A_304 = tpu.vector_load %arg8[%swap3A_302, %swap3A_303] {strides = array<i32>} : memref<32x1024xf32, #tpu.memory_space<vmem>>, vector<1x16xf32>,
        %swap3A_305 = vector.shape_cast %swap3A_304 : vector<1x16xf32> to vector<16xf32>
        %swap3A_306 = vector.shape_cast %add3A_301 : vector<16xf32> to vector<1x16xf32>
        tpu.vector_store %arg8[%swap3A_302, %swap3A_303], %swap3A_306 {strides = array<i32>} : memref<32x1024xf32, #tpu.memory_space<vmem>>, vector<1x16xf32>,
        %get3A_307 = arith.index_cast %scan3A_28 : i32 to index
        %get3A_308 = arith.constant 320 : index
        %get3A_309 = tpu.vector_load %arg8[%get3A_307, %get3A_308] {strides = array<i32>} : memref<32x1024xf32, #tpu.memory_space<vmem>>, vector<1x16xf32>,
        %get3A_310 = vector.shape_cast %get3A_309 : vector<1x16xf32> to vector<16xf32>
        %get3A_311 = arith.index_cast %scan3A_28 : i32 to index
        %get3A_312 = arith.constant 320 : index
        %get3A_313 = tpu.vector_load %arg9[%get3A_311, %get3A_312] {strides = array<i32>} : memref<32x1024xf32, #tpu.memory_space<vmem>>, vector<1x16xf32>,
        %get3A_314 = vector.shape_cast %get3A_313 : vector<1x16xf32> to vector<16xf32>
        %add3A_315 = arith.addf %get3A_310, %get3A_314 : vector<16xf32>
        %swap3A_316 = arith.index_cast %scan3A_28 : i32 to index
        %swap3A_317 = arith.constant 320 : index
        %swap3A_318 = tpu.vector_load %arg8[%swap3A_316, %swap3A_317] {strides = array<i32>} : memref<32x1024xf32, #tpu.memory_space<vmem>>, vector<1x16xf32>,
        %swap3A_319 = vector.shape_cast %swap3A_318 : vector<1x16xf32> to vector<16xf32>
        %swap3A_320 = vector.shape_cast %add3A_315 : vector<16xf32> to vector<1x16xf32>
        tpu.vector_store %arg8[%swap3A_316, %swap3A_317], %swap3A_320 {strides = array<i32>} : memref<32x1024xf32, #tpu.memory_space<vmem>>, vector<1x16xf32>,
        %get3A_321 = arith.index_cast %scan3A_28 : i32 to index
        %get3A_322 = arith.constant 336 : index
        %get3A_323 = tpu.vector_load %arg8[%get3A_321, %get3A_322] {strides = array<i32>} : memref<32x1024xf32, #tpu.memory_space<vmem>>, vector<1x16xf32>,
        %get3A_324 = vector.shape_cast %get3A_323 : vector<1x16xf32> to vector<16xf32>
        %get3A_325 = arith.index_cast %scan3A_28 : i32 to index
        %get3A_326 = arith.constant 336 : index
        %get3A_327 = tpu.vector_load %arg9[%get3A_325, %get3A_326] {strides = array<i32>} : memref<32x1024xf32, #tpu.memory_space<vmem>>, vector<1x16xf32>,
        %get3A_328 = vector.shape_cast %get3A_327 : vector<1x16xf32> to vector<16xf32>
        %add3A_329 = arith.addf %get3A_324, %get3A_328 : vector<16xf32>
        %swap3A_330 = arith.index_cast %scan3A_28 : i32 to index
        %swap3A_331 = arith.constant 336 : index
        %swap3A_332 = tpu.vector_load %arg8[%swap3A_330, %swap3A_331] {strides = array<i32>} : memref<32x1024xf32, #tpu.memory_space<vmem>>, vector<1x16xf32>,
        %swap3A_333 = vector.shape_cast %swap3A_332 : vector<1x16xf32> to vector<16xf32>
        %swap3A_334 = vector.shape_cast %add3A_329 : vector<16xf32> to vector<1x16xf32>
        tpu.vector_store %arg8[%swap3A_330, %swap3A_331], %swap3A_334 {strides = array<i32>} : memref<32x1024xf32, #tpu.memory_space<vmem>>, vector<1x16xf32>,
        %get3A_335 = arith.index_cast %scan3A_28 : i32 to index
        %get3A_336 = arith.constant 352 : index
        %get3A_337 = tpu.vector_load %arg8[%get3A_335, %get3A_336] {strides = array<i32>} : memref<32x1024xf32, #tpu.memory_space<vmem>>, vector<1x16xf32>,
        %get3A_338 = vector.shape_cast %get3A_337 : vector<1x16xf32> to vector<16xf32>
        %get3A_339 = arith.index_cast %scan3A_28 : i32 to index
        %get3A_340 = arith.constant 352 : index
        %get3A_341 = tpu.vector_load %arg9[%get3A_339, %get3A_340] {strides = array<i32>} : memref<32x1024xf32, #tpu.memory_space<vmem>>, vector<1x16xf32>,
        %get3A_342 = vector.shape_cast %get3A_341 : vector<1x16xf32> to vector<16xf32>
        %add3A_343 = arith.addf %get3A_338, %get3A_342 : vector<16xf32>
        %swap3A_344 = arith.index_cast %scan3A_28 : i32 to index
        %swap3A_345 = arith.constant 352 : index
        %swap3A_346 = tpu.vector_load %arg8[%swap3A_344, %swap3A_345] {strides = array<i32>} : memref<32x1024xf32, #tpu.memory_space<vmem>>, vector<1x16xf32>,
        %swap3A_347 = vector.shape_cast %swap3A_346 : vector<1x16xf32> to vector<16xf32>
        %swap3A_348 = vector.shape_cast %add3A_343 : vector<16xf32> to vector<1x16xf32>
        tpu.vector_store %arg8[%swap3A_344, %swap3A_345], %swap3A_348 {strides = array<i32>} : memref<32x1024xf32, #tpu.memory_space<vmem>>, vector<1x16xf32>,
        %get3A_349 = arith.index_cast %scan3A_28 : i32 to index
        %get3A_350 = arith.constant 368 : index
        %get3A_351 = tpu.vector_load %arg8[%get3A_349, %get3A_350] {strides = array<i32>} : memref<32x1024xf32, #tpu.memory_space<vmem>>, vector<1x16xf32>,
        %get3A_352 = vector.shape_cast %get3A_351 : vector<1x16xf32> to vector<16xf32>
        %get3A_353 = arith.index_cast %scan3A_28 : i32 to index
        %get3A_354 = arith.constant 368 : index
        %get3A_355 = tpu.vector_load %arg9[%get3A_353, %get3A_354] {strides = array<i32>} : memref<32x1024xf32, #tpu.memory_space<vmem>>, vector<1x16xf32>,
        %get3A_356 = vector.shape_cast %get3A_355 : vector<1x16xf32> to vector<16xf32>
        %add3A_357 = arith.addf %get3A_352, %get3A_356 : vector<16xf32>
        %swap3A_358 = arith.index_cast %scan3A_28 : i32 to index
        %swap3A_359 = arith.constant 368 : index
        %swap3A_360 = tpu.vector_load %arg8[%swap3A_358, %swap3A_359] {strides = array<i32>} : memref<32x1024xf32, #tpu.memory_space<vmem>>, vector<1x16xf32>,
        %swap3A_361 = vector.shape_cast %swap3A_360 : vector<1x16xf32> to vector<16xf32>
        %swap3A_362 = vector.shape_cast %add3A_357 : vector<16xf32> to vector<1x16xf32>
        tpu.vector_store %arg8[%swap3A_358, %swap3A_359], %swap3A_362 {strides = array<i32>} : memref<32x1024xf32, #tpu.memory_space<vmem>>, vector<1x16xf32>,
        %get3A_363 = arith.index_cast %scan3A_28 : i32 to index
        %get3A_364 = arith.constant 384 : index
        %get3A_365 = tpu.vector_load %arg8[%get3A_363, %get3A_364] {strides = array<i32>} : memref<32x1024xf32, #tpu.memory_space<vmem>>, vector<1x16xf32>,
        %get3A_366 = vector.shape_cast %get3A_365 : vector<1x16xf32> to vector<16xf32>
        %get3A_367 = arith.index_cast %scan3A_28 : i32 to index
        %get3A_368 = arith.constant 384 : index
        %get3A_369 = tpu.vector_load %arg9[%get3A_367, %get3A_368] {strides = array<i32>} : memref<32x1024xf32, #tpu.memory_space<vmem>>, vector<1x16xf32>,
        %get3A_370 = vector.shape_cast %get3A_369 : vector<1x16xf32> to vector<16xf32>
        %add3A_371 = arith.addf %get3A_366, %get3A_370 : vector<16xf32>
        %swap3A_372 = arith.index_cast %scan3A_28 : i32 to index
        %swap3A_373 = arith.constant 384 : index
        %swap3A_374 = tpu.vector_load %arg8[%swap3A_372, %swap3A_373] {strides = array<i32>} : memref<32x1024xf32, #tpu.memory_space<vmem>>, vector<1x16xf32>,
        %swap3A_375 = vector.shape_cast %swap3A_374 : vector<1x16xf32> to vector<16xf32>
        %swap3A_376 = vector.shape_cast %add3A_371 : vector<16xf32> to vector<1x16xf32>
        tpu.vector_store %arg8[%swap3A_372, %swap3A_373], %swap3A_376 {strides = array<i32>} : memref<32x1024xf32, #tpu.memory_space<vmem>>, vector<1x16xf32>,
        %get3A_377 = arith.index_cast %scan3A_28 : i32 to index
        %get3A_378 = arith.constant 400 : index
        %get3A_379 = tpu.vector_load %arg8[%get3A_377, %get3A_378] {strides = array<i32>} : memref<32x1024xf32, #tpu.memory_space<vmem>>, vector<1x16xf32>,
        %get3A_380 = vector.shape_cast %get3A_379 : vector<1x16xf32> to vector<16xf32>
        %get3A_381 = arith.index_cast %scan3A_28 : i32 to index
        %get3A_382 = arith.constant 400 : index
        %get3A_383 = tpu.vector_load %arg9[%get3A_381, %get3A_382] {strides = array<i32>} : memref<32x1024xf32, #tpu.memory_space<vmem>>, vector<1x16xf32>,
        %get3A_384 = vector.shape_cast %get3A_383 : vector<1x16xf32> to vector<16xf32>
        %add3A_385 = arith.addf %get3A_380, %get3A_384 : vector<16xf32>
        %swap3A_386 = arith.index_cast %scan3A_28 : i32 to index
        %swap3A_387 = arith.constant 400 : index
        %swap3A_388 = tpu.vector_load %arg8[%swap3A_386, %swap3A_387] {strides = array<i32>} : memref<32x1024xf32, #tpu.memory_space<vmem>>, vector<1x16xf32>,
        %swap3A_389 = vector.shape_cast %swap3A_388 : vector<1x16xf32> to vector<16xf32>
        %swap3A_390 = vector.shape_cast %add3A_385 : vector<16xf32> to vector<1x16xf32>
        tpu.vector_store %arg8[%swap3A_386, %swap3A_387], %swap3A_390 {strides = array<i32>} : memref<32x1024xf32, #tpu.memory_space<vmem>>, vector<1x16xf32>,
        %get3A_391 = arith.index_cast %scan3A_28 : i32 to index
        %get3A_392 = arith.constant 416 : index
        %get3A_393 = tpu.vector_load %arg8[%get3A_391, %get3A_392] {strides = array<i32>} : memref<32x1024xf32, #tpu.memory_space<vmem>>, vector<1x16xf32>,
        %get3A_394 = vector.shape_cast %get3A_393 : vector<1x16xf32> to vector<16xf32>
        %get3A_395 = arith.index_cast %scan3A_28 : i32 to index
        %get3A_396 = arith.constant 416 : index
        %get3A_397 = tpu.vector_load %arg9[%get3A_395, %get3A_396] {strides = array<i32>} : memref<32x1024xf32, #tpu.memory_space<vmem>>, vector<1x16xf32>,
        %get3A_398 = vector.shape_cast %get3A_397 : vector<1x16xf32> to vector<16xf32>
        %add3A_399 = arith.addf %get3A_394, %get3A_398 : vector<16xf32>
        %swap3A_400 = arith.index_cast %scan3A_28 : i32 to index
        %swap3A_401 = arith.constant 416 : index
        %swap3A_402 = tpu.vector_load %arg8[%swap3A_400, %swap3A_401] {strides = array<i32>} : memref<32x1024xf32, #tpu.memory_space<vmem>>, vector<1x16xf32>,
        %swap3A_403 = vector.shape_cast %swap3A_402 : vector<1x16xf32> to vector<16xf32>
        %swap3A_404 = vector.shape_cast %add3A_399 : vector<16xf32> to vector<1x16xf32>
        tpu.vector_store %arg8[%swap3A_400, %swap3A_401], %swap3A_404 {strides = array<i32>} : memref<32x1024xf32, #tpu.memory_space<vmem>>, vector<1x16xf32>,
        %get3A_405 = arith.index_cast %scan3A_28 : i32 to index
        %get3A_406 = arith.constant 432 : index
        %get3A_407 = tpu.vector_load %arg8[%get3A_405, %get3A_406] {strides = array<i32>} : memref<32x1024xf32, #tpu.memory_space<vmem>>, vector<1x16xf32>,
        %get3A_408 = vector.shape_cast %get3A_407 : vector<1x16xf32> to vector<16xf32>
        %get3A_409 = arith.index_cast %scan3A_28 : i32 to index
        %get3A_410 = arith.constant 432 : index
        %get3A_411 = tpu.vector_load %arg9[%get3A_409, %get3A_410] {strides = array<i32>} : memref<32x1024xf32, #tpu.memory_space<vmem>>, vector<1x16xf32>,
        %get3A_412 = vector.shape_cast %get3A_411 : vector<1x16xf32> to vector<16xf32>
        %add3A_413 = arith.addf %get3A_408, %get3A_412 : vector<16xf32>
        %swap3A_414 = arith.index_cast %scan3A_28 : i32 to index
        %swap3A_415 = arith.constant 432 : index
        %swap3A_416 = tpu.vector_load %arg8[%swap3A_414, %swap3A_415] {strides = array<i32>} : memref<32x1024xf32, #tpu.memory_space<vmem>>, vector<1x16xf32>,
        %swap3A_417 = vector.shape_cast %swap3A_416 : vector<1x16xf32> to vector<16xf32>
        %swap3A_418 = vector.shape_cast %add3A_413 : vector<16xf32> to vector<1x16xf32>
        tpu.vector_store %arg8[%swap3A_414, %swap3A_415], %swap3A_418 {strides = array<i32>} : memref<32x1024xf32, #tpu.memory_space<vmem>>, vector<1x16xf32>,
        %get3A_419 = arith.index_cast %scan3A_28 : i32 to index
        %get3A_420 = arith.constant 448 : index
        %get3A_421 = tpu.vector_load %arg8[%get3A_419, %get3A_420] {strides = array<i32>} : memref<32x1024xf32, #tpu.memory_space<vmem>>, vector<1x16xf32>,
        %get3A_422 = vector.shape_cast %get3A_421 : vector<1x16xf32> to vector<16xf32>
        %get3A_423 = arith.index_cast %scan3A_28 : i32 to index
        %get3A_424 = arith.constant 448 : index
        %get3A_425 = tpu.vector_load %arg9[%get3A_423, %get3A_424] {strides = array<i32>} : memref<32x1024xf32, #tpu.memory_space<vmem>>, vector<1x16xf32>,
        %get3A_426 = vector.shape_cast %get3A_425 : vector<1x16xf32> to vector<16xf32>
        %add3A_427 = arith.addf %get3A_422, %get3A_426 : vector<16xf32>
        %swap3A_428 = arith.index_cast %scan3A_28 : i32 to index
        %swap3A_429 = arith.constant 448 : index
        %swap3A_430 = tpu.vector_load %arg8[%swap3A_428, %swap3A_429] {strides = array<i32>} : memref<32x1024xf32, #tpu.memory_space<vmem>>, vector<1x16xf32>,
        %swap3A_431 = vector.shape_cast %swap3A_430 : vector<1x16xf32> to vector<16xf32>
        %swap3A_432 = vector.shape_cast %add3A_427 : vector<16xf32> to vector<1x16xf32>
        tpu.vector_store %arg8[%swap3A_428, %swap3A_429], %swap3A_432 {strides = array<i32>} : memref<32x1024xf32, #tpu.memory_space<vmem>>, vector<1x16xf32>,
        %get3A_433 = arith.index_cast %scan3A_28 : i32 to index
        %get3A_434 = arith.constant 464 : index
        %get3A_435 = tpu.vector_load %arg8[%get3A_433, %get3A_434] {strides = array<i32>} : memref<32x1024xf32, #tpu.memory_space<vmem>>, vector<1x16xf32>,
        %get3A_436 = vector.shape_cast %get3A_435 : vector<1x16xf32> to vector<16xf32>
        %get3A_437 = arith.index_cast %scan3A_28 : i32 to index
        %get3A_438 = arith.constant 464 : index
        %get3A_439 = tpu.vector_load %arg9[%get3A_437, %get3A_438] {strides = array<i32>} : memref<32x1024xf32, #tpu.memory_space<vmem>>, vector<1x16xf32>,
        %get3A_440 = vector.shape_cast %get3A_439 : vector<1x16xf32> to vector<16xf32>
        %add3A_441 = arith.addf %get3A_436, %get3A_440 : vector<16xf32>
        %swap3A_442 = arith.index_cast %scan3A_28 : i32 to index
        %swap3A_443 = arith.constant 464 : index
        %swap3A_444 = tpu.vector_load %arg8[%swap3A_442, %swap3A_443] {strides = array<i32>} : memref<32x1024xf32, #tpu.memory_space<vmem>>, vector<1x16xf32>,
        %swap3A_445 = vector.shape_cast %swap3A_444 : vector<1x16xf32> to vector<16xf32>
        %swap3A_446 = vector.shape_cast %add3A_441 : vector<16xf32> to vector<1x16xf32>
        tpu.vector_store %arg8[%swap3A_442, %swap3A_443], %swap3A_446 {strides = array<i32>} : memref<32x1024xf32, #tpu.memory_space<vmem>>, vector<1x16xf32>,
        %get3A_447 = arith.index_cast %scan3A_28 : i32 to index
        %get3A_448 = arith.constant 480 : index
        %get3A_449 = tpu.vector_load %arg8[%get3A_447, %get3A_448] {strides = array<i32>} : memref<32x1024xf32, #tpu.memory_space<vmem>>, vector<1x16xf32>,
        %get3A_450 = vector.shape_cast %get3A_449 : vector<1x16xf32> to vector<16xf32>
        %get3A_451 = arith.index_cast %scan3A_28 : i32 to index
        %get3A_452 = arith.constant 480 : index
        %get3A_453 = tpu.vector_load %arg9[%get3A_451, %get3A_452] {strides = array<i32>} : memref<32x1024xf32, #tpu.memory_space<vmem>>, vector<1x16xf32>,
        %get3A_454 = vector.shape_cast %get3A_453 : vector<1x16xf32> to vector<16xf32>
        %add3A_455 = arith.addf %get3A_450, %get3A_454 : vector<16xf32>
        %swap3A_456 = arith.index_cast %scan3A_28 : i32 to index
        %swap3A_457 = arith.constant 480 : index
        %swap3A_458 = tpu.vector_load %arg8[%swap3A_456, %swap3A_457] {strides = array<i32>} : memref<32x1024xf32, #tpu.memory_space<vmem>>, vector<1x16xf32>,
        %swap3A_459 = vector.shape_cast %swap3A_458 : vector<1x16xf32> to vector<16xf32>
        %swap3A_460 = vector.shape_cast %add3A_455 : vector<16xf32> to vector<1x16xf32>
        tpu.vector_store %arg8[%swap3A_456, %swap3A_457], %swap3A_460 {strides = array<i32>} : memref<32x1024xf32, #tpu.memory_space<vmem>>, vector<1x16xf32>,
        %get3A_461 = arith.index_cast %scan3A_28 : i32 to index
        %get3A_462 = arith.constant 496 : index
        %get3A_463 = tpu.vector_load %arg8[%get3A_461, %get3A_462] {strides = array<i32>} : memref<32x1024xf32, #tpu.memory_space<vmem>>, vector<1x16xf32>,
        %get3A_464 = vector.shape_cast %get3A_463 : vector<1x16xf32> to vector<16xf32>
        %get3A_465 = arith.index_cast %scan3A_28 : i32 to index
        %get3A_466 = arith.constant 496 : index
        %get3A_467 = tpu.vector_load %arg9[%get3A_465, %get3A_466] {strides = array<i32>} : memref<32x1024xf32, #tpu.memory_space<vmem>>, vector<1x16xf32>,
        %get3A_468 = vector.shape_cast %get3A_467 : vector<1x16xf32> to vector<16xf32>
        %add3A_469 = arith.addf %get3A_464, %get3A_468 : vector<16xf32>
        %swap3A_470 = arith.index_cast %scan3A_28 : i32 to index
        %swap3A_471 = arith.constant 496 : index
        %swap3A_472 = tpu.vector_load %arg8[%swap3A_470, %swap3A_471] {strides = array<i32>} : memref<32x1024xf32, #tpu.memory_space<vmem>>, vector<1x16xf32>,
        %swap3A_473 = vector.shape_cast %swap3A_472 : vector<1x16xf32> to vector<16xf32>
        %swap3A_474 = vector.shape_cast %add3A_469 : vector<16xf32> to vector<1x16xf32>
        tpu.vector_store %arg8[%swap3A_470, %swap3A_471], %swap3A_474 {strides = array<i32>} : memref<32x1024xf32, #tpu.memory_space<vmem>>, vector<1x16xf32>,
        %get3A_475 = arith.index_cast %scan3A_28 : i32 to index
        %get3A_476 = arith.constant 512 : index
        %get3A_477 = tpu.vector_load %arg8[%get3A_475, %get3A_476] {strides = array<i32>} : memref<32x1024xf32, #tpu.memory_space<vmem>>, vector<1x16xf32>,
        %get3A_478 = vector.shape_cast %get3A_477 : vector<1x16xf32> to vector<16xf32>
        %get3A_479 = arith.index_cast %scan3A_28 : i32 to index
        %get3A_480 = arith.constant 512 : index
        %get3A_481 = tpu.vector_load %arg9[%get3A_479, %get3A_480] {strides = array<i32>} : memref<32x1024xf32, #tpu.memory_space<vmem>>, vector<1x16xf32>,
        %get3A_482 = vector.shape_cast %get3A_481 : vector<1x16xf32> to vector<16xf32>
        %add3A_483 = arith.addf %get3A_478, %get3A_482 : vector<16xf32>
        %swap3A_484 = arith.index_cast %scan3A_28 : i32 to index
        %swap3A_485 = arith.constant 512 : index
        %swap3A_486 = tpu.vector_load %arg8[%swap3A_484, %swap3A_485] {strides = array<i32>} : memref<32x1024xf32, #tpu.memory_space<vmem>>, vector<1x16xf32>,
        %swap3A_487 = vector.shape_cast %swap3A_486 : vector<1x16xf32> to vector<16xf32>
        %swap3A_488 = vector.shape_cast %add3A_483 : vector<16xf32> to vector<1x16xf32>
        tpu.vector_store %arg8[%swap3A_484, %swap3A_485], %swap3A_488 {strides = array<i32>} : memref<32x1024xf32, #tpu.memory_space<vmem>>, vector<1x16xf32>,
        %get3A_489 = arith.index_cast %scan3A_28 : i32 to index
        %get3A_490 = arith.constant 528 : index
        %get3A_491 = tpu.vector_load %arg8[%get3A_489, %get3A_490] {strides = array<i32>} : memref<32x1024xf32, #tpu.memory_space<vmem>>, vector<1x16xf32>,
        %get3A_492 = vector.shape_cast %get3A_491 : vector<1x16xf32> to vector<16xf32>
        %get3A_493 = arith.index_cast %scan3A_28 : i32 to index
        %get3A_494 = arith.constant 528 : index
        %get3A_495 = tpu.vector_load %arg9[%get3A_493, %get3A_494] {strides = array<i32>} : memref<32x1024xf32, #tpu.memory_space<vmem>>, vector<1x16xf32>,
        %get3A_496 = vector.shape_cast %get3A_495 : vector<1x16xf32> to vector<16xf32>
        %add3A_497 = arith.addf %get3A_492, %get3A_496 : vector<16xf32>
        %swap3A_498 = arith.index_cast %scan3A_28 : i32 to index
        %swap3A_499 = arith.constant 528 : index
        %swap3A_500 = tpu.vector_load %arg8[%swap3A_498, %swap3A_499] {strides = array<i32>} : memref<32x1024xf32, #tpu.memory_space<vmem>>, vector<1x16xf32>,
        %swap3A_501 = vector.shape_cast %swap3A_500 : vector<1x16xf32> to vector<16xf32>
        %swap3A_502 = vector.shape_cast %add3A_497 : vector<16xf32> to vector<1x16xf32>
        tpu.vector_store %arg8[%swap3A_498, %swap3A_499], %swap3A_502 {strides = array<i32>} : memref<32x1024xf32, #tpu.memory_space<vmem>>, vector<1x16xf32>,
        %get3A_503 = arith.index_cast %scan3A_28 : i32 to index
        %get3A_504 = arith.constant 544 : index
        %get3A_505 = tpu.vector_load %arg8[%get3A_503, %get3A_504] {strides = array<i32>} : memref<32x1024xf32, #tpu.memory_space<vmem>>, vector<1x16xf32>,
        %get3A_506 = vector.shape_cast %get3A_505 : vector<1x16xf32> to vector<16xf32>
        %get3A_507 = arith.index_cast %scan3A_28 : i32 to index
        %get3A_508 = arith.constant 544 : index
        %get3A_509 = tpu.vector_load %arg9[%get3A_507, %get3A_508] {strides = array<i32>} : memref<32x1024xf32, #tpu.memory_space<vmem>>, vector<1x16xf32>,
        %get3A_510 = vector.shape_cast %get3A_509 : vector<1x16xf32> to vector<16xf32>
        %add3A_511 = arith.addf %get3A_506, %get3A_510 : vector<16xf32>
        %swap3A_512 = arith.index_cast %scan3A_28 : i32 to index
        %swap3A_513 = arith.constant 544 : index
        %swap3A_514 = tpu.vector_load %arg8[%swap3A_512, %swap3A_513] {strides = array<i32>} : memref<32x1024xf32, #tpu.memory_space<vmem>>, vector<1x16xf32>,
        %swap3A_515 = vector.shape_cast %swap3A_514 : vector<1x16xf32> to vector<16xf32>
        %swap3A_516 = vector.shape_cast %add3A_511 : vector<16xf32> to vector<1x16xf32>
        tpu.vector_store %arg8[%swap3A_512, %swap3A_513], %swap3A_516 {strides = array<i32>} : memref<32x1024xf32, #tpu.memory_space<vmem>>, vector<1x16xf32>,
        %get3A_517 = arith.index_cast %scan3A_28 : i32 to index
        %get3A_518 = arith.constant 560 : index
        %get3A_519 = tpu.vector_load %arg8[%get3A_517, %get3A_518] {strides = array<i32>} : memref<32x1024xf32, #tpu.memory_space<vmem>>, vector<1x16xf32>,
        %get3A_520 = vector.shape_cast %get3A_519 : vector<1x16xf32> to vector<16xf32>
        %get3A_521 = arith.index_cast %scan3A_28 : i32 to index
        %get3A_522 = arith.constant 560 : index
        %get3A_523 = tpu.vector_load %arg9[%get3A_521, %get3A_522] {strides = array<i32>} : memref<32x1024xf32, #tpu.memory_space<vmem>>, vector<1x16xf32>,
        %get3A_524 = vector.shape_cast %get3A_523 : vector<1x16xf32> to vector<16xf32>
        %add3A_525 = arith.addf %get3A_520, %get3A_524 : vector<16xf32>
        %swap3A_526 = arith.index_cast %scan3A_28 : i32 to index
        %swap3A_527 = arith.constant 560 : index
        %swap3A_528 = tpu.vector_load %arg8[%swap3A_526, %swap3A_527] {strides = array<i32>} : memref<32x1024xf32, #tpu.memory_space<vmem>>, vector<1x16xf32>,
        %swap3A_529 = vector.shape_cast %swap3A_528 : vector<1x16xf32> to vector<16xf32>
        %swap3A_530 = vector.shape_cast %add3A_525 : vector<16xf32> to vector<1x16xf32>
        tpu.vector_store %arg8[%swap3A_526, %swap3A_527], %swap3A_530 {strides = array<i32>} : memref<32x1024xf32, #tpu.memory_space<vmem>>, vector<1x16xf32>,
        %get3A_531 = arith.index_cast %scan3A_28 : i32 to index
        %get3A_532 = arith.constant 576 : index
        %get3A_533 = tpu.vector_load %arg8[%get3A_531, %get3A_532] {strides = array<i32>} : memref<32x1024xf32, #tpu.memory_space<vmem>>, vector<1x16xf32>,
        %get3A_534 = vector.shape_cast %get3A_533 : vector<1x16xf32> to vector<16xf32>
        %get3A_535 = arith.index_cast %scan3A_28 : i32 to index
        %get3A_536 = arith.constant 576 : index
        %get3A_537 = tpu.vector_load %arg9[%get3A_535, %get3A_536] {strides = array<i32>} : memref<32x1024xf32, #tpu.memory_space<vmem>>, vector<1x16xf32>,
        %get3A_538 = vector.shape_cast %get3A_537 : vector<1x16xf32> to vector<16xf32>
        %add3A_539 = arith.addf %get3A_534, %get3A_538 : vector<16xf32>
        %swap3A_540 = arith.index_cast %scan3A_28 : i32 to index
        %swap3A_541 = arith.constant 576 : index
        %swap3A_542 = tpu.vector_load %arg8[%swap3A_540, %swap3A_541] {strides = array<i32>} : memref<32x1024xf32, #tpu.memory_space<vmem>>, vector<1x16xf32>,
        %swap3A_543 = vector.shape_cast %swap3A_542 : vector<1x16xf32> to vector<16xf32>
        %swap3A_544 = vector.shape_cast %add3A_539 : vector<16xf32> to vector<1x16xf32>
        tpu.vector_store %arg8[%swap3A_540, %swap3A_541], %swap3A_544 {strides = array<i32>} : memref<32x1024xf32, #tpu.memory_space<vmem>>, vector<1x16xf32>,
        %get3A_545 = arith.index_cast %scan3A_28 : i32 to index
        %get3A_546 = arith.constant 592 : index
        %get3A_547 = tpu.vector_load %arg8[%get3A_545, %get3A_546] {strides = array<i32>} : memref<32x1024xf32, #tpu.memory_space<vmem>>, vector<1x16xf32>,
        %get3A_548 = vector.shape_cast %get3A_547 : vector<1x16xf32> to vector<16xf32>
        %get3A_549 = arith.index_cast %scan3A_28 : i32 to index
        %get3A_550 = arith.constant 592 : index
        %get3A_551 = tpu.vector_load %arg9[%get3A_549, %get3A_550] {strides = array<i32>} : memref<32x1024xf32, #tpu.memory_space<vmem>>, vector<1x16xf32>,
        %get3A_552 = vector.shape_cast %get3A_551 : vector<1x16xf32> to vector<16xf32>
        %add3A_553 = arith.addf %get3A_548, %get3A_552 : vector<16xf32>
        %swap3A_554 = arith.index_cast %scan3A_28 : i32 to index
        %swap3A_555 = arith.constant 592 : index
        %swap3A_556 = tpu.vector_load %arg8[%swap3A_554, %swap3A_555] {strides = array<i32>} : memref<32x1024xf32, #tpu.memory_space<vmem>>, vector<1x16xf32>,
        %swap3A_557 = vector.shape_cast %swap3A_556 : vector<1x16xf32> to vector<16xf32>
        %swap3A_558 = vector.shape_cast %add3A_553 : vector<16xf32> to vector<1x16xf32>
        tpu.vector_store %arg8[%swap3A_554, %swap3A_555], %swap3A_558 {strides = array<i32>} : memref<32x1024xf32, #tpu.memory_space<vmem>>, vector<1x16xf32>,
        %get3A_559 = arith.index_cast %scan3A_28 : i32 to index
        %get3A_560 = arith.constant 608 : index
        %get3A_561 = tpu.vector_load %arg8[%get3A_559, %get3A_560] {strides = array<i32>} : memref<32x1024xf32, #tpu.memory_space<vmem>>, vector<1x16xf32>,
        %get3A_562 = vector.shape_cast %get3A_561 : vector<1x16xf32> to vector<16xf32>
        %get3A_563 = arith.index_cast %scan3A_28 : i32 to index
        %get3A_564 = arith.constant 608 : index
        %get3A_565 = tpu.vector_load %arg9[%get3A_563, %get3A_564] {strides = array<i32>} : memref<32x1024xf32, #tpu.memory_space<vmem>>, vector<1x16xf32>,
        %get3A_566 = vector.shape_cast %get3A_565 : vector<1x16xf32> to vector<16xf32>
        %add3A_567 = arith.addf %get3A_562, %get3A_566 : vector<16xf32>
        %swap3A_568 = arith.index_cast %scan3A_28 : i32 to index
        %swap3A_569 = arith.constant 608 : index
        %swap3A_570 = tpu.vector_load %arg8[%swap3A_568, %swap3A_569] {strides = array<i32>} : memref<32x1024xf32, #tpu.memory_space<vmem>>, vector<1x16xf32>,
        %swap3A_571 = vector.shape_cast %swap3A_570 : vector<1x16xf32> to vector<16xf32>
        %swap3A_572 = vector.shape_cast %add3A_567 : vector<16xf32> to vector<1x16xf32>
        tpu.vector_store %arg8[%swap3A_568, %swap3A_569], %swap3A_572 {strides = array<i32>} : memref<32x1024xf32, #tpu.memory_space<vmem>>, vector<1x16xf32>,
        %get3A_573 = arith.index_cast %scan3A_28 : i32 to index
        %get3A_574 = arith.constant 624 : index
        %get3A_575 = tpu.vector_load %arg8[%get3A_573, %get3A_574] {strides = array<i32>} : memref<32x1024xf32, #tpu.memory_space<vmem>>, vector<1x16xf32>,
        %get3A_576 = vector.shape_cast %get3A_575 : vector<1x16xf32> to vector<16xf32>
        %get3A_577 = arith.index_cast %scan3A_28 : i32 to index
        %get3A_578 = arith.constant 624 : index
        %get3A_579 = tpu.vector_load %arg9[%get3A_577, %get3A_578] {strides = array<i32>} : memref<32x1024xf32, #tpu.memory_space<vmem>>, vector<1x16xf32>,
        %get3A_580 = vector.shape_cast %get3A_579 : vector<1x16xf32> to vector<16xf32>
        %add3A_581 = arith.addf %get3A_576, %get3A_580 : vector<16xf32>
        %swap3A_582 = arith.index_cast %scan3A_28 : i32 to index
        %swap3A_583 = arith.constant 624 : index
        %swap3A_584 = tpu.vector_load %arg8[%swap3A_582, %swap3A_583] {strides = array<i32>} : memref<32x1024xf32, #tpu.memory_space<vmem>>, vector<1x16xf32>,
        %swap3A_585 = vector.shape_cast %swap3A_584 : vector<1x16xf32> to vector<16xf32>
        %swap3A_586 = vector.shape_cast %add3A_581 : vector<16xf32> to vector<1x16xf32>
        tpu.vector_store %arg8[%swap3A_582, %swap3A_583], %swap3A_586 {strides = array<i32>} : memref<32x1024xf32, #tpu.memory_space<vmem>>, vector<1x16xf32>,
        %get3A_587 = arith.index_cast %scan3A_28 : i32 to index
        %get3A_588 = arith.constant 640 : index
        %get3A_589 = tpu.vector_load %arg8[%get3A_587, %get3A_588] {strides = array<i32>} : memref<32x1024xf32, #tpu.memory_space<vmem>>, vector<1x16xf32>,
        %get3A_590 = vector.shape_cast %get3A_589 : vector<1x16xf32> to vector<16xf32>
        %get3A_591 = arith.index_cast %scan3A_28 : i32 to index
        %get3A_592 = arith.constant 640 : index
        %get3A_593 = tpu.vector_load %arg9[%get3A_591, %get3A_592] {strides = array<i32>} : memref<32x1024xf32, #tpu.memory_space<vmem>>, vector<1x16xf32>,
        %get3A_594 = vector.shape_cast %get3A_593 : vector<1x16xf32> to vector<16xf32>
        %add3A_595 = arith.addf %get3A_590, %get3A_594 : vector<16xf32>
        %swap3A_596 = arith.index_cast %scan3A_28 : i32 to index
        %swap3A_597 = arith.constant 640 : index
        %swap3A_598 = tpu.vector_load %arg8[%swap3A_596, %swap3A_597] {strides = array<i32>} : memref<32x1024xf32, #tpu.memory_space<vmem>>, vector<1x16xf32>,
        %swap3A_599 = vector.shape_cast %swap3A_598 : vector<1x16xf32> to vector<16xf32>
        %swap3A_600 = vector.shape_cast %add3A_595 : vector<16xf32> to vector<1x16xf32>
        tpu.vector_store %arg8[%swap3A_596, %swap3A_597], %swap3A_600 {strides = array<i32>} : memref<32x1024xf32, #tpu.memory_space<vmem>>, vector<1x16xf32>,
        %get3A_601 = arith.index_cast %scan3A_28 : i32 to index
        %get3A_602 = arith.constant 656 : index
        %get3A_603 = tpu.vector_load %arg8[%get3A_601, %get3A_602] {strides = array<i32>} : memref<32x1024xf32, #tpu.memory_space<vmem>>, vector<1x16xf32>,
        %get3A_604 = vector.shape_cast %get3A_603 : vector<1x16xf32> to vector<16xf32>
        %get3A_605 = arith.index_cast %scan3A_28 : i32 to index
        %get3A_606 = arith.constant 656 : index
        %get3A_607 = tpu.vector_load %arg9[%get3A_605, %get3A_606] {strides = array<i32>} : memref<32x1024xf32, #tpu.memory_space<vmem>>, vector<1x16xf32>,
        %get3A_608 = vector.shape_cast %get3A_607 : vector<1x16xf32> to vector<16xf32>
        %add3A_609 = arith.addf %get3A_604, %get3A_608 : vector<16xf32>
        %swap3A_610 = arith.index_cast %scan3A_28 : i32 to index
        %swap3A_611 = arith.constant 656 : index
        %swap3A_612 = tpu.vector_load %arg8[%swap3A_610, %swap3A_611] {strides = array<i32>} : memref<32x1024xf32, #tpu.memory_space<vmem>>, vector<1x16xf32>,
        %swap3A_613 = vector.shape_cast %swap3A_612 : vector<1x16xf32> to vector<16xf32>
        %swap3A_614 = vector.shape_cast %add3A_609 : vector<16xf32> to vector<1x16xf32>
        tpu.vector_store %arg8[%swap3A_610, %swap3A_611], %swap3A_614 {strides = array<i32>} : memref<32x1024xf32, #tpu.memory_space<vmem>>, vector<1x16xf32>,
        %get3A_615 = arith.index_cast %scan3A_28 : i32 to index
        %get3A_616 = arith.constant 672 : index
        %get3A_617 = tpu.vector_load %arg8[%get3A_615, %get3A_616] {strides = array<i32>} : memref<32x1024xf32, #tpu.memory_space<vmem>>, vector<1x16xf32>,
        %get3A_618 = vector.shape_cast %get3A_617 : vector<1x16xf32> to vector<16xf32>
        %get3A_619 = arith.index_cast %scan3A_28 : i32 to index
        %get3A_620 = arith.constant 672 : index
        %get3A_621 = tpu.vector_load %arg9[%get3A_619, %get3A_620] {strides = array<i32>} : memref<32x1024xf32, #tpu.memory_space<vmem>>, vector<1x16xf32>,
        %get3A_622 = vector.shape_cast %get3A_621 : vector<1x16xf32> to vector<16xf32>
        %add3A_623 = arith.addf %get3A_618, %get3A_622 : vector<16xf32>
        %swap3A_624 = arith.index_cast %scan3A_28 : i32 to index
        %swap3A_625 = arith.constant 672 : index
        %swap3A_626 = tpu.vector_load %arg8[%swap3A_624, %swap3A_625] {strides = array<i32>} : memref<32x1024xf32, #tpu.memory_space<vmem>>, vector<1x16xf32>,
        %swap3A_627 = vector.shape_cast %swap3A_626 : vector<1x16xf32> to vector<16xf32>
        %swap3A_628 = vector.shape_cast %add3A_623 : vector<16xf32> to vector<1x16xf32>
        tpu.vector_store %arg8[%swap3A_624, %swap3A_625], %swap3A_628 {strides = array<i32>} : memref<32x1024xf32, #tpu.memory_space<vmem>>, vector<1x16xf32>,
        %get3A_629 = arith.index_cast %scan3A_28 : i32 to index
        %get3A_630 = arith.constant 688 : index
        %get3A_631 = tpu.vector_load %arg8[%get3A_629, %get3A_630] {strides = array<i32>} : memref<32x1024xf32, #tpu.memory_space<vmem>>, vector<1x16xf32>,
        %get3A_632 = vector.shape_cast %get3A_631 : vector<1x16xf32> to vector<16xf32>
        %get3A_633 = arith.index_cast %scan3A_28 : i32 to index
        %get3A_634 = arith.constant 688 : index
        %get3A_635 = tpu.vector_load %arg9[%get3A_633, %get3A_634] {strides = array<i32>} : memref<32x1024xf32, #tpu.memory_space<vmem>>, vector<1x16xf32>,
        %get3A_636 = vector.shape_cast %get3A_635 : vector<1x16xf32> to vector<16xf32>
        %add3A_637 = arith.addf %get3A_632, %get3A_636 : vector<16xf32>
        %swap3A_638 = arith.index_cast %scan3A_28 : i32 to index
        %swap3A_639 = arith.constant 688 : index
        %swap3A_640 = tpu.vector_load %arg8[%swap3A_638, %swap3A_639] {strides = array<i32>} : memref<32x1024xf32, #tpu.memory_space<vmem>>, vector<1x16xf32>,
        %swap3A_641 = vector.shape_cast %swap3A_640 : vector<1x16xf32> to vector<16xf32>
        %swap3A_642 = vector.shape_cast %add3A_637 : vector<16xf32> to vector<1x16xf32>
        tpu.vector_store %arg8[%swap3A_638, %swap3A_639], %swap3A_642 {strides = array<i32>} : memref<32x1024xf32, #tpu.memory_space<vmem>>, vector<1x16xf32>,
        %get3A_643 = arith.index_cast %scan3A_28 : i32 to index
        %get3A_644 = arith.constant 704 : index
        %get3A_645 = tpu.vector_load %arg8[%get3A_643, %get3A_644] {strides = array<i32>} : memref<32x1024xf32, #tpu.memory_space<vmem>>, vector<1x16xf32>,
        %get3A_646 = vector.shape_cast %get3A_645 : vector<1x16xf32> to vector<16xf32>
        %get3A_647 = arith.index_cast %scan3A_28 : i32 to index
        %get3A_648 = arith.constant 704 : index
        %get3A_649 = tpu.vector_load %arg9[%get3A_647, %get3A_648] {strides = array<i32>} : memref<32x1024xf32, #tpu.memory_space<vmem>>, vector<1x16xf32>,
        %get3A_650 = vector.shape_cast %get3A_649 : vector<1x16xf32> to vector<16xf32>
        %add3A_651 = arith.addf %get3A_646, %get3A_650 : vector<16xf32>
        %swap3A_652 = arith.index_cast %scan3A_28 : i32 to index
        %swap3A_653 = arith.constant 704 : index
        %swap3A_654 = tpu.vector_load %arg8[%swap3A_652, %swap3A_653] {strides = array<i32>} : memref<32x1024xf32, #tpu.memory_space<vmem>>, vector<1x16xf32>,
        %swap3A_655 = vector.shape_cast %swap3A_654 : vector<1x16xf32> to vector<16xf32>
        %swap3A_656 = vector.shape_cast %add3A_651 : vector<16xf32> to vector<1x16xf32>
        tpu.vector_store %arg8[%swap3A_652, %swap3A_653], %swap3A_656 {strides = array<i32>} : memref<32x1024xf32, #tpu.memory_space<vmem>>, vector<1x16xf32>,
        %get3A_657 = arith.index_cast %scan3A_28 : i32 to index
        %get3A_658 = arith.constant 720 : index
        %get3A_659 = tpu.vector_load %arg8[%get3A_657, %get3A_658] {strides = array<i32>} : memref<32x1024xf32, #tpu.memory_space<vmem>>, vector<1x16xf32>,
        %get3A_660 = vector.shape_cast %get3A_659 : vector<1x16xf32> to vector<16xf32>
        %get3A_661 = arith.index_cast %scan3A_28 : i32 to index
        %get3A_662 = arith.constant 720 : index
        %get3A_663 = tpu.vector_load %arg9[%get3A_661, %get3A_662] {strides = array<i32>} : memref<32x1024xf32, #tpu.memory_space<vmem>>, vector<1x16xf32>,
        %get3A_664 = vector.shape_cast %get3A_663 : vector<1x16xf32> to vector<16xf32>
        %add3A_665 = arith.addf %get3A_660, %get3A_664 : vector<16xf32>
        %swap3A_666 = arith.index_cast %scan3A_28 : i32 to index
        %swap3A_667 = arith.constant 720 : index
        %swap3A_668 = tpu.vector_load %arg8[%swap3A_666, %swap3A_667] {strides = array<i32>} : memref<32x1024xf32, #tpu.memory_space<vmem>>, vector<1x16xf32>,
        %swap3A_669 = vector.shape_cast %swap3A_668 : vector<1x16xf32> to vector<16xf32>
        %swap3A_670 = vector.shape_cast %add3A_665 : vector<16xf32> to vector<1x16xf32>
        tpu.vector_store %arg8[%swap3A_666, %swap3A_667], %swap3A_670 {strides = array<i32>} : memref<32x1024xf32, #tpu.memory_space<vmem>>, vector<1x16xf32>,
        %get3A_671 = arith.index_cast %scan3A_28 : i32 to index
        %get3A_672 = arith.constant 736 : index
        %get3A_673 = tpu.vector_load %arg8[%get3A_671, %get3A_672] {strides = array<i32>} : memref<32x1024xf32, #tpu.memory_space<vmem>>, vector<1x16xf32>,
        %get3A_674 = vector.shape_cast %get3A_673 : vector<1x16xf32> to vector<16xf32>
        %get3A_675 = arith.index_cast %scan3A_28 : i32 to index
        %get3A_676 = arith.constant 736 : index
        %get3A_677 = tpu.vector_load %arg9[%get3A_675, %get3A_676] {strides = array<i32>} : memref<32x1024xf32, #tpu.memory_space<vmem>>, vector<1x16xf32>,
        %get3A_678 = vector.shape_cast %get3A_677 : vector<1x16xf32> to vector<16xf32>
        %add3A_679 = arith.addf %get3A_674, %get3A_678 : vector<16xf32>
        %swap3A_680 = arith.index_cast %scan3A_28 : i32 to index
        %swap3A_681 = arith.constant 736 : index
        %swap3A_682 = tpu.vector_load %arg8[%swap3A_680, %swap3A_681] {strides = array<i32>} : memref<32x1024xf32, #tpu.memory_space<vmem>>, vector<1x16xf32>,
        %swap3A_683 = vector.shape_cast %swap3A_682 : vector<1x16xf32> to vector<16xf32>
        %swap3A_684 = vector.shape_cast %add3A_679 : vector<16xf32> to vector<1x16xf32>
        tpu.vector_store %arg8[%swap3A_680, %swap3A_681], %swap3A_684 {strides = array<i32>} : memref<32x1024xf32, #tpu.memory_space<vmem>>, vector<1x16xf32>,
        %get3A_685 = arith.index_cast %scan3A_28 : i32 to index
        %get3A_686 = arith.constant 752 : index
        %get3A_687 = tpu.vector_load %arg8[%get3A_685, %get3A_686] {strides = array<i32>} : memref<32x1024xf32, #tpu.memory_space<vmem>>, vector<1x16xf32>,
        %get3A_688 = vector.shape_cast %get3A_687 : vector<1x16xf32> to vector<16xf32>
        %get3A_689 = arith.index_cast %scan3A_28 : i32 to index
        %get3A_690 = arith.constant 752 : index
        %get3A_691 = tpu.vector_load %arg9[%get3A_689, %get3A_690] {strides = array<i32>} : memref<32x1024xf32, #tpu.memory_space<vmem>>, vector<1x16xf32>,
        %get3A_692 = vector.shape_cast %get3A_691 : vector<1x16xf32> to vector<16xf32>
        %add3A_693 = arith.addf %get3A_688, %get3A_692 : vector<16xf32>
        %swap3A_694 = arith.index_cast %scan3A_28 : i32 to index
        %swap3A_695 = arith.constant 752 : index
        %swap3A_696 = tpu.vector_load %arg8[%swap3A_694, %swap3A_695] {strides = array<i32>} : memref<32x1024xf32, #tpu.memory_space<vmem>>, vector<1x16xf32>,
        %swap3A_697 = vector.shape_cast %swap3A_696 : vector<1x16xf32> to vector<16xf32>
        %swap3A_698 = vector.shape_cast %add3A_693 : vector<16xf32> to vector<1x16xf32>
        tpu.vector_store %arg8[%swap3A_694, %swap3A_695], %swap3A_698 {strides = array<i32>} : memref<32x1024xf32, #tpu.memory_space<vmem>>, vector<1x16xf32>,
        %get3A_699 = arith.index_cast %scan3A_28 : i32 to index
        %get3A_700 = arith.constant 768 : index
        %get3A_701 = tpu.vector_load %arg8[%get3A_699, %get3A_700] {strides = array<i32>} : memref<32x1024xf32, #tpu.memory_space<vmem>>, vector<1x16xf32>,
        %get3A_702 = vector.shape_cast %get3A_701 : vector<1x16xf32> to vector<16xf32>
        %get3A_703 = arith.index_cast %scan3A_28 : i32 to index
        %get3A_704 = arith.constant 768 : index
        %get3A_705 = tpu.vector_load %arg9[%get3A_703, %get3A_704] {strides = array<i32>} : memref<32x1024xf32, #tpu.memory_space<vmem>>, vector<1x16xf32>,
        %get3A_706 = vector.shape_cast %get3A_705 : vector<1x16xf32> to vector<16xf32>
        %add3A_707 = arith.addf %get3A_702, %get3A_706 : vector<16xf32>
        %swap3A_708 = arith.index_cast %scan3A_28 : i32 to index
        %swap3A_709 = arith.constant 768 : index
        %swap3A_710 = tpu.vector_load %arg8[%swap3A_708, %swap3A_709] {strides = array<i32>} : memref<32x1024xf32, #tpu.memory_space<vmem>>, vector<1x16xf32>,
        %swap3A_711 = vector.shape_cast %swap3A_710 : vector<1x16xf32> to vector<16xf32>
        %swap3A_712 = vector.shape_cast %add3A_707 : vector<16xf32> to vector<1x16xf32>
        tpu.vector_store %arg8[%swap3A_708, %swap3A_709], %swap3A_712 {strides = array<i32>} : memref<32x1024xf32, #tpu.memory_space<vmem>>, vector<1x16xf32>,
        %get3A_713 = arith.index_cast %scan3A_28 : i32 to index
        %get3A_714 = arith.constant 784 : index
        %get3A_715 = tpu.vector_load %arg8[%get3A_713, %get3A_714] {strides = array<i32>} : memref<32x1024xf32, #tpu.memory_space<vmem>>, vector<1x16xf32>,
        %get3A_716 = vector.shape_cast %get3A_715 : vector<1x16xf32> to vector<16xf32>
        %get3A_717 = arith.index_cast %scan3A_28 : i32 to index
        %get3A_718 = arith.constant 784 : index
        %get3A_719 = tpu.vector_load %arg9[%get3A_717, %get3A_718] {strides = array<i32>} : memref<32x1024xf32, #tpu.memory_space<vmem>>, vector<1x16xf32>,
        %get3A_720 = vector.shape_cast %get3A_719 : vector<1x16xf32> to vector<16xf32>
        %add3A_721 = arith.addf %get3A_716, %get3A_720 : vector<16xf32>
        %swap3A_722 = arith.index_cast %scan3A_28 : i32 to index
        %swap3A_723 = arith.constant 784 : index
        %swap3A_724 = tpu.vector_load %arg8[%swap3A_722, %swap3A_723] {strides = array<i32>} : memref<32x1024xf32, #tpu.memory_space<vmem>>, vector<1x16xf32>,
        %swap3A_725 = vector.shape_cast %swap3A_724 : vector<1x16xf32> to vector<16xf32>
        %swap3A_726 = vector.shape_cast %add3A_721 : vector<16xf32> to vector<1x16xf32>
        tpu.vector_store %arg8[%swap3A_722, %swap3A_723], %swap3A_726 {strides = array<i32>} : memref<32x1024xf32, #tpu.memory_space<vmem>>, vector<1x16xf32>,
        %get3A_727 = arith.index_cast %scan3A_28 : i32 to index
        %get3A_728 = arith.constant 800 : index
        %get3A_729 = tpu.vector_load %arg8[%get3A_727, %get3A_728] {strides = array<i32>} : memref<32x1024xf32, #tpu.memory_space<vmem>>, vector<1x16xf32>,
        %get3A_730 = vector.shape_cast %get3A_729 : vector<1x16xf32> to vector<16xf32>
        %get3A_731 = arith.index_cast %scan3A_28 : i32 to index
        %get3A_732 = arith.constant 800 : index
        %get3A_733 = tpu.vector_load %arg9[%get3A_731, %get3A_732] {strides = array<i32>} : memref<32x1024xf32, #tpu.memory_space<vmem>>, vector<1x16xf32>,
        %get3A_734 = vector.shape_cast %get3A_733 : vector<1x16xf32> to vector<16xf32>
        %add3A_735 = arith.addf %get3A_730, %get3A_734 : vector<16xf32>
        %swap3A_736 = arith.index_cast %scan3A_28 : i32 to index
        %swap3A_737 = arith.constant 800 : index
        %swap3A_738 = tpu.vector_load %arg8[%swap3A_736, %swap3A_737] {strides = array<i32>} : memref<32x1024xf32, #tpu.memory_space<vmem>>, vector<1x16xf32>,
        %swap3A_739 = vector.shape_cast %swap3A_738 : vector<1x16xf32> to vector<16xf32>
        %swap3A_740 = vector.shape_cast %add3A_735 : vector<16xf32> to vector<1x16xf32>
        tpu.vector_store %arg8[%swap3A_736, %swap3A_737], %swap3A_740 {strides = array<i32>} : memref<32x1024xf32, #tpu.memory_space<vmem>>, vector<1x16xf32>,
        %get3A_741 = arith.index_cast %scan3A_28 : i32 to index
        %get3A_742 = arith.constant 816 : index
        %get3A_743 = tpu.vector_load %arg8[%get3A_741, %get3A_742] {strides = array<i32>} : memref<32x1024xf32, #tpu.memory_space<vmem>>, vector<1x16xf32>,
        %get3A_744 = vector.shape_cast %get3A_743 : vector<1x16xf32> to vector<16xf32>
        %get3A_745 = arith.index_cast %scan3A_28 : i32 to index
        %get3A_746 = arith.constant 816 : index
        %get3A_747 = tpu.vector_load %arg9[%get3A_745, %get3A_746] {strides = array<i32>} : memref<32x1024xf32, #tpu.memory_space<vmem>>, vector<1x16xf32>,
        %get3A_748 = vector.shape_cast %get3A_747 : vector<1x16xf32> to vector<16xf32>
        %add3A_749 = arith.addf %get3A_744, %get3A_748 : vector<16xf32>
        %swap3A_750 = arith.index_cast %scan3A_28 : i32 to index
        %swap3A_751 = arith.constant 816 : index
        %swap3A_752 = tpu.vector_load %arg8[%swap3A_750, %swap3A_751] {strides = array<i32>} : memref<32x1024xf32, #tpu.memory_space<vmem>>, vector<1x16xf32>,
        %swap3A_753 = vector.shape_cast %swap3A_752 : vector<1x16xf32> to vector<16xf32>
        %swap3A_754 = vector.shape_cast %add3A_749 : vector<16xf32> to vector<1x16xf32>
        tpu.vector_store %arg8[%swap3A_750, %swap3A_751], %swap3A_754 {strides = array<i32>} : memref<32x1024xf32, #tpu.memory_space<vmem>>, vector<1x16xf32>,
        %get3A_755 = arith.index_cast %scan3A_28 : i32 to index
        %get3A_756 = arith.constant 832 : index
        %get3A_757 = tpu.vector_load %arg8[%get3A_755, %get3A_756] {strides = array<i32>} : memref<32x1024xf32, #tpu.memory_space<vmem>>, vector<1x16xf32>,
        %get3A_758 = vector.shape_cast %get3A_757 : vector<1x16xf32> to vector<16xf32>
        %get3A_759 = arith.index_cast %scan3A_28 : i32 to index
        %get3A_760 = arith.constant 832 : index
        %get3A_761 = tpu.vector_load %arg9[%get3A_759, %get3A_760] {strides = array<i32>} : memref<32x1024xf32, #tpu.memory_space<vmem>>, vector<1x16xf32>,
        %get3A_762 = vector.shape_cast %get3A_761 : vector<1x16xf32> to vector<16xf32>
        %add3A_763 = arith.addf %get3A_758, %get3A_762 : vector<16xf32>
        %swap3A_764 = arith.index_cast %scan3A_28 : i32 to index
        %swap3A_765 = arith.constant 832 : index
        %swap3A_766 = tpu.vector_load %arg8[%swap3A_764, %swap3A_765] {strides = array<i32>} : memref<32x1024xf32, #tpu.memory_space<vmem>>, vector<1x16xf32>,
        %swap3A_767 = vector.shape_cast %swap3A_766 : vector<1x16xf32> to vector<16xf32>
        %swap3A_768 = vector.shape_cast %add3A_763 : vector<16xf32> to vector<1x16xf32>
        tpu.vector_store %arg8[%swap3A_764, %swap3A_765], %swap3A_768 {strides = array<i32>} : memref<32x1024xf32, #tpu.memory_space<vmem>>, vector<1x16xf32>,
        %get3A_769 = arith.index_cast %scan3A_28 : i32 to index
        %get3A_770 = arith.constant 848 : index
        %get3A_771 = tpu.vector_load %arg8[%get3A_769, %get3A_770] {strides = array<i32>} : memref<32x1024xf32, #tpu.memory_space<vmem>>, vector<1x16xf32>,
        %get3A_772 = vector.shape_cast %get3A_771 : vector<1x16xf32> to vector<16xf32>
        %get3A_773 = arith.index_cast %scan3A_28 : i32 to index
        %get3A_774 = arith.constant 848 : index
        %get3A_775 = tpu.vector_load %arg9[%get3A_773, %get3A_774] {strides = array<i32>} : memref<32x1024xf32, #tpu.memory_space<vmem>>, vector<1x16xf32>,
        %get3A_776 = vector.shape_cast %get3A_775 : vector<1x16xf32> to vector<16xf32>
        %add3A_777 = arith.addf %get3A_772, %get3A_776 : vector<16xf32>
        %swap3A_778 = arith.index_cast %scan3A_28 : i32 to index
        %swap3A_779 = arith.constant 848 : index
        %swap3A_780 = tpu.vector_load %arg8[%swap3A_778, %swap3A_779] {strides = array<i32>} : memref<32x1024xf32, #tpu.memory_space<vmem>>, vector<1x16xf32>,
        %swap3A_781 = vector.shape_cast %swap3A_780 : vector<1x16xf32> to vector<16xf32>
        %swap3A_782 = vector.shape_cast %add3A_777 : vector<16xf32> to vector<1x16xf32>
        tpu.vector_store %arg8[%swap3A_778, %swap3A_779], %swap3A_782 {strides = array<i32>} : memref<32x1024xf32, #tpu.memory_space<vmem>>, vector<1x16xf32>,
        %get3A_783 = arith.index_cast %scan3A_28 : i32 to index
        %get3A_784 = arith.constant 864 : index
        %get3A_785 = tpu.vector_load %arg8[%get3A_783, %get3A_784] {strides = array<i32>} : memref<32x1024xf32, #tpu.memory_space<vmem>>, vector<1x16xf32>,
        %get3A_786 = vector.shape_cast %get3A_785 : vector<1x16xf32> to vector<16xf32>
        %get3A_787 = arith.index_cast %scan3A_28 : i32 to index
        %get3A_788 = arith.constant 864 : index
        %get3A_789 = tpu.vector_load %arg9[%get3A_787, %get3A_788] {strides = array<i32>} : memref<32x1024xf32, #tpu.memory_space<vmem>>, vector<1x16xf32>,
        %get3A_790 = vector.shape_cast %get3A_789 : vector<1x16xf32> to vector<16xf32>
        %add3A_791 = arith.addf %get3A_786, %get3A_790 : vector<16xf32>
        %swap3A_792 = arith.index_cast %scan3A_28 : i32 to index
        %swap3A_793 = arith.constant 864 : index
        %swap3A_794 = tpu.vector_load %arg8[%swap3A_792, %swap3A_793] {strides = array<i32>} : memref<32x1024xf32, #tpu.memory_space<vmem>>, vector<1x16xf32>,
        %swap3A_795 = vector.shape_cast %swap3A_794 : vector<1x16xf32> to vector<16xf32>
        %swap3A_796 = vector.shape_cast %add3A_791 : vector<16xf32> to vector<1x16xf32>
        tpu.vector_store %arg8[%swap3A_792, %swap3A_793], %swap3A_796 {strides = array<i32>} : memref<32x1024xf32, #tpu.memory_space<vmem>>, vector<1x16xf32>,
        %get3A_797 = arith.index_cast %scan3A_28 : i32 to index
        %get3A_798 = arith.constant 880 : index
        %get3A_799 = tpu.vector_load %arg8[%get3A_797, %get3A_798] {strides = array<i32>} : memref<32x1024xf32, #tpu.memory_space<vmem>>, vector<1x16xf32>,
        %get3A_800 = vector.shape_cast %get3A_799 : vector<1x16xf32> to vector<16xf32>
        %get3A_801 = arith.index_cast %scan3A_28 : i32 to index
        %get3A_802 = arith.constant 880 : index
        %get3A_803 = tpu.vector_load %arg9[%get3A_801, %get3A_802] {strides = array<i32>} : memref<32x1024xf32, #tpu.memory_space<vmem>>, vector<1x16xf32>,
        %get3A_804 = vector.shape_cast %get3A_803 : vector<1x16xf32> to vector<16xf32>
        %add3A_805 = arith.addf %get3A_800, %get3A_804 : vector<16xf32>
        %swap3A_806 = arith.index_cast %scan3A_28 : i32 to index
        %swap3A_807 = arith.constant 880 : index
        %swap3A_808 = tpu.vector_load %arg8[%swap3A_806, %swap3A_807] {strides = array<i32>} : memref<32x1024xf32, #tpu.memory_space<vmem>>, vector<1x16xf32>,
        %swap3A_809 = vector.shape_cast %swap3A_808 : vector<1x16xf32> to vector<16xf32>
        %swap3A_810 = vector.shape_cast %add3A_805 : vector<16xf32> to vector<1x16xf32>
        tpu.vector_store %arg8[%swap3A_806, %swap3A_807], %swap3A_810 {strides = array<i32>} : memref<32x1024xf32, #tpu.memory_space<vmem>>, vector<1x16xf32>,
        %get3A_811 = arith.index_cast %scan3A_28 : i32 to index
        %get3A_812 = arith.constant 896 : index
        %get3A_813 = tpu.vector_load %arg8[%get3A_811, %get3A_812] {strides = array<i32>} : memref<32x1024xf32, #tpu.memory_space<vmem>>, vector<1x16xf32>,
        %get3A_814 = vector.shape_cast %get3A_813 : vector<1x16xf32> to vector<16xf32>
        %get3A_815 = arith.index_cast %scan3A_28 : i32 to index
        %get3A_816 = arith.constant 896 : index
        %get3A_817 = tpu.vector_load %arg9[%get3A_815, %get3A_816] {strides = array<i32>} : memref<32x1024xf32, #tpu.memory_space<vmem>>, vector<1x16xf32>,
        %get3A_818 = vector.shape_cast %get3A_817 : vector<1x16xf32> to vector<16xf32>
        %add3A_819 = arith.addf %get3A_814, %get3A_818 : vector<16xf32>
        %swap3A_820 = arith.index_cast %scan3A_28 : i32 to index
        %swap3A_821 = arith.constant 896 : index
        %swap3A_822 = tpu.vector_load %arg8[%swap3A_820, %swap3A_821] {strides = array<i32>} : memref<32x1024xf32, #tpu.memory_space<vmem>>, vector<1x16xf32>,
        %swap3A_823 = vector.shape_cast %swap3A_822 : vector<1x16xf32> to vector<16xf32>
        %swap3A_824 = vector.shape_cast %add3A_819 : vector<16xf32> to vector<1x16xf32>
        tpu.vector_store %arg8[%swap3A_820, %swap3A_821], %swap3A_824 {strides = array<i32>} : memref<32x1024xf32, #tpu.memory_space<vmem>>, vector<1x16xf32>,
        %get3A_825 = arith.index_cast %scan3A_28 : i32 to index
        %get3A_826 = arith.constant 912 : index
        %get3A_827 = tpu.vector_load %arg8[%get3A_825, %get3A_826] {strides = array<i32>} : memref<32x1024xf32, #tpu.memory_space<vmem>>, vector<1x16xf32>,
        %get3A_828 = vector.shape_cast %get3A_827 : vector<1x16xf32> to vector<16xf32>
        %get3A_829 = arith.index_cast %scan3A_28 : i32 to index
        %get3A_830 = arith.constant 912 : index
        %get3A_831 = tpu.vector_load %arg9[%get3A_829, %get3A_830] {strides = array<i32>} : memref<32x1024xf32, #tpu.memory_space<vmem>>, vector<1x16xf32>,
        %get3A_832 = vector.shape_cast %get3A_831 : vector<1x16xf32> to vector<16xf32>
        %add3A_833 = arith.addf %get3A_828, %get3A_832 : vector<16xf32>
        %swap3A_834 = arith.index_cast %scan3A_28 : i32 to index
        %swap3A_835 = arith.constant 912 : index
        %swap3A_836 = tpu.vector_load %arg8[%swap3A_834, %swap3A_835] {strides = array<i32>} : memref<32x1024xf32, #tpu.memory_space<vmem>>, vector<1x16xf32>,
        %swap3A_837 = vector.shape_cast %swap3A_836 : vector<1x16xf32> to vector<16xf32>
        %swap3A_838 = vector.shape_cast %add3A_833 : vector<16xf32> to vector<1x16xf32>
        tpu.vector_store %arg8[%swap3A_834, %swap3A_835], %swap3A_838 {strides = array<i32>} : memref<32x1024xf32, #tpu.memory_space<vmem>>, vector<1x16xf32>,
        %get3A_839 = arith.index_cast %scan3A_28 : i32 to index
        %get3A_840 = arith.constant 928 : index
        %get3A_841 = tpu.vector_load %arg8[%get3A_839, %get3A_840] {strides = array<i32>} : memref<32x1024xf32, #tpu.memory_space<vmem>>, vector<1x16xf32>,
        %get3A_842 = vector.shape_cast %get3A_841 : vector<1x16xf32> to vector<16xf32>
        %get3A_843 = arith.index_cast %scan3A_28 : i32 to index
        %get3A_844 = arith.constant 928 : index
        %get3A_845 = tpu.vector_load %arg9[%get3A_843, %get3A_844] {strides = array<i32>} : memref<32x1024xf32, #tpu.memory_space<vmem>>, vector<1x16xf32>,
        %get3A_846 = vector.shape_cast %get3A_845 : vector<1x16xf32> to vector<16xf32>
        %add3A_847 = arith.addf %get3A_842, %get3A_846 : vector<16xf32>
        %swap3A_848 = arith.index_cast %scan3A_28 : i32 to index
        %swap3A_849 = arith.constant 928 : index
        %swap3A_850 = tpu.vector_load %arg8[%swap3A_848, %swap3A_849] {strides = array<i32>} : memref<32x1024xf32, #tpu.memory_space<vmem>>, vector<1x16xf32>,
        %swap3A_851 = vector.shape_cast %swap3A_850 : vector<1x16xf32> to vector<16xf32>
        %swap3A_852 = vector.shape_cast %add3A_847 : vector<16xf32> to vector<1x16xf32>
        tpu.vector_store %arg8[%swap3A_848, %swap3A_849], %swap3A_852 {strides = array<i32>} : memref<32x1024xf32, #tpu.memory_space<vmem>>, vector<1x16xf32>,
        %get3A_853 = arith.index_cast %scan3A_28 : i32 to index
        %get3A_854 = arith.constant 944 : index
        %get3A_855 = tpu.vector_load %arg8[%get3A_853, %get3A_854] {strides = array<i32>} : memref<32x1024xf32, #tpu.memory_space<vmem>>, vector<1x16xf32>,
        %get3A_856 = vector.shape_cast %get3A_855 : vector<1x16xf32> to vector<16xf32>
        %get3A_857 = arith.index_cast %scan3A_28 : i32 to index
        %get3A_858 = arith.constant 944 : index
        %get3A_859 = tpu.vector_load %arg9[%get3A_857, %get3A_858] {strides = array<i32>} : memref<32x1024xf32, #tpu.memory_space<vmem>>, vector<1x16xf32>,
        %get3A_860 = vector.shape_cast %get3A_859 : vector<1x16xf32> to vector<16xf32>
        %add3A_861 = arith.addf %get3A_856, %get3A_860 : vector<16xf32>
        %swap3A_862 = arith.index_cast %scan3A_28 : i32 to index
        %swap3A_863 = arith.constant 944 : index
        %swap3A_864 = tpu.vector_load %arg8[%swap3A_862, %swap3A_863] {strides = array<i32>} : memref<32x1024xf32, #tpu.memory_space<vmem>>, vector<1x16xf32>,
        %swap3A_865 = vector.shape_cast %swap3A_864 : vector<1x16xf32> to vector<16xf32>
        %swap3A_866 = vector.shape_cast %add3A_861 : vector<16xf32> to vector<1x16xf32>
        tpu.vector_store %arg8[%swap3A_862, %swap3A_863], %swap3A_866 {strides = array<i32>} : memref<32x1024xf32, #tpu.memory_space<vmem>>, vector<1x16xf32>,
        %get3A_867 = arith.index_cast %scan3A_28 : i32 to index
        %get3A_868 = arith.constant 960 : index
        %get3A_869 = tpu.vector_load %arg8[%get3A_867, %get3A_868] {strides = array<i32>} : memref<32x1024xf32, #tpu.memory_space<vmem>>, vector<1x16xf32>,
        %get3A_870 = vector.shape_cast %get3A_869 : vector<1x16xf32> to vector<16xf32>
        %get3A_871 = arith.index_cast %scan3A_28 : i32 to index
        %get3A_872 = arith.constant 960 : index
        %get3A_873 = tpu.vector_load %arg9[%get3A_871, %get3A_872] {strides = array<i32>} : memref<32x1024xf32, #tpu.memory_space<vmem>>, vector<1x16xf32>,
        %get3A_874 = vector.shape_cast %get3A_873 : vector<1x16xf32> to vector<16xf32>
        %add3A_875 = arith.addf %get3A_870, %get3A_874 : vector<16xf32>
        %swap3A_876 = arith.index_cast %scan3A_28 : i32 to index
        %swap3A_877 = arith.constant 960 : index
        %swap3A_878 = tpu.vector_load %arg8[%swap3A_876, %swap3A_877] {strides = array<i32>} : memref<32x1024xf32, #tpu.memory_space<vmem>>, vector<1x16xf32>,
        %swap3A_879 = vector.shape_cast %swap3A_878 : vector<1x16xf32> to vector<16xf32>
        %swap3A_880 = vector.shape_cast %add3A_875 : vector<16xf32> to vector<1x16xf32>
        tpu.vector_store %arg8[%swap3A_876, %swap3A_877], %swap3A_880 {strides = array<i32>} : memref<32x1024xf32, #tpu.memory_space<vmem>>, vector<1x16xf32>,
        %get3A_881 = arith.index_cast %scan3A_28 : i32 to index
        %get3A_882 = arith.constant 976 : index
        %get3A_883 = tpu.vector_load %arg8[%get3A_881, %get3A_882] {strides = array<i32>} : memref<32x1024xf32, #tpu.memory_space<vmem>>, vector<1x16xf32>,
        %get3A_884 = vector.shape_cast %get3A_883 : vector<1x16xf32> to vector<16xf32>
        %get3A_885 = arith.index_cast %scan3A_28 : i32 to index
        %get3A_886 = arith.constant 976 : index
        %get3A_887 = tpu.vector_load %arg9[%get3A_885, %get3A_886] {strides = array<i32>} : memref<32x1024xf32, #tpu.memory_space<vmem>>, vector<1x16xf32>,
        %get3A_888 = vector.shape_cast %get3A_887 : vector<1x16xf32> to vector<16xf32>
        %add3A_889 = arith.addf %get3A_884, %get3A_888 : vector<16xf32>
        %swap3A_890 = arith.index_cast %scan3A_28 : i32 to index
        %swap3A_891 = arith.constant 976 : index
        %swap3A_892 = tpu.vector_load %arg8[%swap3A_890, %swap3A_891] {strides = array<i32>} : memref<32x1024xf32, #tpu.memory_space<vmem>>, vector<1x16xf32>,
        %swap3A_893 = vector.shape_cast %swap3A_892 : vector<1x16xf32> to vector<16xf32>
        %swap3A_894 = vector.shape_cast %add3A_889 : vector<16xf32> to vector<1x16xf32>
        tpu.vector_store %arg8[%swap3A_890, %swap3A_891], %swap3A_894 {strides = array<i32>} : memref<32x1024xf32, #tpu.memory_space<vmem>>, vector<1x16xf32>,
        %get3A_895 = arith.index_cast %scan3A_28 : i32 to index
        %get3A_896 = arith.constant 992 : index
        %get3A_897 = tpu.vector_load %arg8[%get3A_895, %get3A_896] {strides = array<i32>} : memref<32x1024xf32, #tpu.memory_space<vmem>>, vector<1x16xf32>,
        %get3A_898 = vector.shape_cast %get3A_897 : vector<1x16xf32> to vector<16xf32>
        %get3A_899 = arith.index_cast %scan3A_28 : i32 to index
        %get3A_900 = arith.constant 992 : index
        %get3A_901 = tpu.vector_load %arg9[%get3A_899, %get3A_900] {strides = array<i32>} : memref<32x1024xf32, #tpu.memory_space<vmem>>, vector<1x16xf32>,
        %get3A_902 = vector.shape_cast %get3A_901 : vector<1x16xf32> to vector<16xf32>
        %add3A_903 = arith.addf %get3A_898, %get3A_902 : vector<16xf32>
        %swap3A_904 = arith.index_cast %scan3A_28 : i32 to index
        %swap3A_905 = arith.constant 992 : index
        %swap3A_906 = tpu.vector_load %arg8[%swap3A_904, %swap3A_905] {strides = array<i32>} : memref<32x1024xf32, #tpu.memory_space<vmem>>, vector<1x16xf32>,
        %swap3A_907 = vector.shape_cast %swap3A_906 : vector<1x16xf32> to vector<16xf32>
        %swap3A_908 = vector.shape_cast %add3A_903 : vector<16xf32> to vector<1x16xf32>
        tpu.vector_store %arg8[%swap3A_904, %swap3A_905], %swap3A_908 {strides = array<i32>} : memref<32x1024xf32, #tpu.memory_space<vmem>>, vector<1x16xf32>,
        %get3A_909 = arith.index_cast %scan3A_28 : i32 to index
        %get3A_910 = arith.constant 1008 : index
        %get3A_911 = tpu.vector_load %arg8[%get3A_909, %get3A_910] {strides = array<i32>} : memref<32x1024xf32, #tpu.memory_space<vmem>>, vector<1x16xf32>,
        %get3A_912 = vector.shape_cast %get3A_911 : vector<1x16xf32> to vector<16xf32>
        %get3A_913 = arith.index_cast %scan3A_28 : i32 to index
        %get3A_914 = arith.constant 1008 : index
        %get3A_915 = tpu.vector_load %arg9[%get3A_913, %get3A_914] {strides = array<i32>} : memref<32x1024xf32, #tpu.memory_space<vmem>>, vector<1x16xf32>,
        %get3A_916 = vector.shape_cast %get3A_915 : vector<1x16xf32> to vector<16xf32>
        %add3A_917 = arith.addf %get3A_912, %get3A_916 : vector<16xf32>
        %swap3A_918 = arith.index_cast %scan3A_28 : i32 to index
        %swap3A_919 = arith.constant 1008 : index
        %swap3A_920 = tpu.vector_load %arg8[%swap3A_918, %swap3A_919] {strides = array<i32>} : memref<32x1024xf32, #tpu.memory_space<vmem>>, vector<1x16xf32>,
        %swap3A_921 = vector.shape_cast %swap3A_920 : vector<1x16xf32> to vector<16xf32>
        %swap3A_922 = vector.shape_cast %add3A_917 : vector<16xf32> to vector<1x16xf32>
        tpu.vector_store %arg8[%swap3A_918, %swap3A_919], %swap3A_922 {strides = array<i32>} : memref<32x1024xf32, #tpu.memory_space<vmem>>, vector<1x16xf32>,
      }
      %scan3A_27 = arith.constant 32 : i32
      "tpu.region"() ({
        %run_scoped3A = tpu.sem_alloc : memref<!tpu.dma_semaphore, #tpu.memory_space<semaphore_mem>>
        %dma_start3A_28 = arith.constant 0 : i32
        %dma_start3A_29 = tpu.memref_slice %arg5[%add3A_11, %dma_start3A_28] : memref<2048x1024xf32, #tpu.memory_space<hbm>> -> memref<32x1024xf32, #tpu.memory_space<hbm>>
        %dma_start3A_30 = arith.constant 0 : i32
        %dma_start3A_31 = tpu.memref_slice %arg5[%add3A_11, %dma_start3A_30] : memref<2048x1024xf32, #tpu.memory_space<hbm>> -> memref<32x1024xf32, #tpu.memory_space<hbm>>
        tpu.enqueue_dma source(%arg8 : memref<32x1024xf32, #tpu.memory_space<vmem>>) target(%dma_start3A_31 : memref<32x1024xf32, #tpu.memory_space<hbm>>) target_semaphore(%run_scoped3A : memref<!tpu.dma_semaphore, #tpu.memory_space<semaphore_mem>>)
        %dma_wait3A_32 = arith.constant 0 : i32
        %dma_wait3A_33 = tpu.memref_slice %arg5[%add3A_11, %dma_wait3A_32] : memref<2048x1024xf32, #tpu.memory_space<hbm>> -> memref<32x1024xf32, #tpu.memory_space<hbm>>
        %dma_wait3A_34 = arith.constant 0 : i32
        %dma_wait3A_35 = tpu.memref_slice %arg5[%add3A_11, %dma_wait3A_34] : memref<2048x1024xf32, #tpu.memory_space<hbm>> -> memref<32x1024xf32, #tpu.memory_space<hbm>>
        tpu.wait_dma2 semaphore(%run_scoped3A : memref<!tpu.dma_semaphore, #tpu.memory_space<semaphore_mem>>) src(%arg8 : memref<32x1024xf32, #tpu.memory_space<vmem>>) dst(%dma_wait3A_35 : memref<32x1024xf32, #tpu.memory_space<hbm>>)
        tpu.yield
      }) : () -> ()
    }
    %scan3A_7 = arith.constant 2 : i32
    return
  }
}

module attributes {stable_mosaic.version = 14 : i64} {
  func.func @_router_body(%arg0: memref<2048x1024xf32, #tpu.memory_space<vmem>>, %arg1: memref<64x1024xf32, #tpu.memory_space<vmem>>, %arg2: memref<2048x2xi32, #tpu.memory_space<vmem>>, %arg3: memref<2048x2xf32, #tpu.memory_space<vmem>>) attributes {dimension_semantics = [], scalar_prefetch = 0 : i64, scratch_operands = 0 : i64, tpu.core_type = #tpu.core_type<tc>} {
    %get3A = arith.constant 0 : index
    %get3A_0 = arith.constant 0 : index
    %get3A_1 = vector.load %arg0[%get3A, %get3A_0] : memref<2048x1024xf32, #tpu.memory_space<vmem>>, vector<2048x1024xf32>
    %get3A_2 = arith.constant 0 : index
    %get3A_3 = arith.constant 0 : index
    %get3A_4 = vector.load %arg1[%get3A_2, %get3A_3] : memref<64x1024xf32, #tpu.memory_space<vmem>>, vector<64x1024xf32>
    %dot_general3A = arith.constant dense<0.000000e+00> : vector<2048x64xf32>
    %dot_general3A_5 = tpu.matmul %get3A_1, %get3A_4, %dot_general3A {dimension_numbers = #tpu.dot_dimension_numbers<[1], [1], [0], [0], [0, 0, 1, 0], [], []>, transpose_lhs_hint = false} : vector<2048x1024xf32>, vector<64x1024xf32>, vector<2048x64xf32> -> vector<2048x64xf32>
    %iota3A = tpu.iota {dimensions = array<i32: 1>} : vector<2048x64xi32>
    %reduce_max3A = arith.constant dense<0xFF800000> : vector<2048xf32>
    %reduce_max3A_6 = vector.multi_reduction <maximumf>, %dot_general3A_5, %reduce_max3A [1] : vector<2048x64xf32> to vector<2048xf32>
    %broadcast_in_dim3A = vector.shape_cast %reduce_max3A_6 : vector<2048xf32> to vector<2048x1xf32>
    %eq3A = vector.broadcast %broadcast_in_dim3A : vector<2048x1xf32> to vector<2048x64xf32>
    %eq3A_7 = arith.cmpf oeq, %dot_general3A_5, %eq3A : vector<2048x64xf32>
    %jit3A = arith.constant 64 : i32
    %broadcast_in_dim3A_8 = vector.broadcast %jit3A : i32 to vector<2048x64xi32>
    %select_n3A = arith.select %eq3A_7, %iota3A, %broadcast_in_dim3A_8 : vector<2048x64xi1>, vector<2048x64xi32>
    %reduce_min3A = arith.constant dense<2147483647> : vector<2048xi32>
    %reduce_min3A_9 = vector.multi_reduction <minsi>, %select_n3A, %reduce_min3A [1] : vector<2048x64xi32> to vector<2048xi32>
    %broadcast_in_dim3A_10 = vector.shape_cast %reduce_min3A_9 : vector<2048xi32> to vector<2048x1xi32>
    %eq3A_11 = vector.broadcast %broadcast_in_dim3A_10 : vector<2048x1xi32> to vector<2048x64xi32>
    %eq3A_12 = arith.cmpi eq, %iota3A, %eq3A_11 : vector<2048x64xi32>
    %jit3A_13 = arith.constant 0xFF800000 : f32
    %broadcast_in_dim3A_14 = vector.broadcast %jit3A_13 : f32 to vector<2048x64xf32>
    %select_n3A_15 = arith.select %eq3A_12, %broadcast_in_dim3A_14, %dot_general3A_5 : vector<2048x64xi1>, vector<2048x64xf32>
    %reduce_max3A_16 = arith.constant dense<0xFF800000> : vector<2048xf32>
    %reduce_max3A_17 = vector.multi_reduction <maximumf>, %select_n3A_15, %reduce_max3A_16 [1] : vector<2048x64xf32> to vector<2048xf32>
    %broadcast_in_dim3A_18 = vector.shape_cast %reduce_max3A_17 : vector<2048xf32> to vector<2048x1xf32>
    %eq3A_19 = vector.broadcast %broadcast_in_dim3A_18 : vector<2048x1xf32> to vector<2048x64xf32>
    %eq3A_20 = arith.cmpf oeq, %select_n3A_15, %eq3A_19 : vector<2048x64xf32>
    %jit3A_21 = arith.constant 64 : i32
    %broadcast_in_dim3A_22 = vector.broadcast %jit3A_21 : i32 to vector<2048x64xi32>
    %select_n3A_23 = arith.select %eq3A_20, %iota3A, %broadcast_in_dim3A_22 : vector<2048x64xi1>, vector<2048x64xi32>
    %reduce_min3A_24 = arith.constant dense<2147483647> : vector<2048xi32>
    %reduce_min3A_25 = vector.multi_reduction <minsi>, %select_n3A_23, %reduce_min3A_24 [1] : vector<2048x64xi32> to vector<2048xi32>
    %broadcast_in_dim3A_26 = vector.shape_cast %reduce_min3A_25 : vector<2048xi32> to vector<2048x1xi32>
    %sub3A = arith.subf %broadcast_in_dim3A_18, %broadcast_in_dim3A : vector<2048x1xf32>
    %exp3A = math.exp %sub3A : vector<2048x1xf32>
    %add3A = arith.constant 1.000000e+00 : f32
    %add3A_27 = vector.broadcast %add3A : f32 to vector<2048x1xf32>
    %add3A_28 = arith.addf %add3A_27, %exp3A : vector<2048x1xf32>
    %div3A = arith.constant 1.000000e+00 : f32
    %div3A_29 = vector.broadcast %div3A : f32 to vector<2048x1xf32>
    %div3A_30 = arith.divf %div3A_29, %add3A_28 : vector<2048x1xf32>
    %concatenate3A = tpu.concatenate %broadcast_in_dim3A_10, %broadcast_in_dim3A_26 in 1 : vector<2048x1xi32>, vector<2048x1xi32> -> vector<2048x2xi32>
    %swap3A = arith.constant 0 : index
    %swap3A_31 = arith.constant 0 : index
    %swap3A_32 = vector.load %arg2[%swap3A, %swap3A_31] : memref<2048x2xi32, #tpu.memory_space<vmem>>, vector<2048x2xi32>
    tpu.vector_store %arg2[%swap3A, %swap3A_31], %concatenate3A {strides = array<i32>} : memref<2048x2xi32, #tpu.memory_space<vmem>>, vector<2048x2xi32>,
    %sub3A_33 = arith.constant 1.000000e+00 : f32
    %sub3A_34 = vector.broadcast %sub3A_33 : f32 to vector<2048x1xf32>
    %sub3A_35 = arith.subf %sub3A_34, %div3A_30 : vector<2048x1xf32>
    %concatenate3A_36 = tpu.concatenate %div3A_30, %sub3A_35 in 1 : vector<2048x1xf32>, vector<2048x1xf32> -> vector<2048x2xf32>
    %swap3A_37 = arith.constant 0 : index
    %swap3A_38 = arith.constant 0 : index
    %swap3A_39 = vector.load %arg3[%swap3A_37, %swap3A_38] : memref<2048x2xf32, #tpu.memory_space<vmem>>, vector<2048x2xf32>
    tpu.vector_store %arg3[%swap3A_37, %swap3A_38], %concatenate3A_36 {strides = array<i32>} : memref<2048x2xf32, #tpu.memory_space<vmem>>, vector<2048x2xf32>,
    return
  }
}

module attributes {stable_mosaic.version = 14 : i64} {
  func.func @_mlp_body(%arg0: i32, %arg1: memref<96xi32, #tpu.memory_space<smem>>, %arg2: memref<96xi32, #tpu.memory_space<smem>>, %arg3: memref<128x1024xf32, #tpu.memory_space<vmem>>, %arg4: memref<1x384x1024xf32, #tpu.memory_space<vmem>>, %arg5: memref<1x384x1024xf32, #tpu.memory_space<vmem>>, %arg6: memref<1x384x1024xf32, #tpu.memory_space<vmem>>, %arg7: memref<1x384x1024xf32, #tpu.memory_space<vmem>>, %arg8: memref<1x1024x384xf32, #tpu.memory_space<vmem>>, %arg9: memref<1x1024x384xf32, #tpu.memory_space<vmem>>, %arg10: memref<128x128xf32, #tpu.memory_space<vmem>>, %arg11: memref<128x1024xf32, #tpu.memory_space<vmem>>) attributes {dimension_semantics = [#tpu.dimension_semantics<arbitrary>], iteration_bounds = array<i64: 96>, scalar_prefetch = 2 : i64, scratch_operands = 0 : i64, tpu.core_type = #tpu.core_type<tc>, window_params = [{transform_indices = @transform_0, window_bounds = array<i64: 128, 1024>}, {transform_indices = @transform_1, window_bounds = array<i64: 1, 384, 1024>}, {transform_indices = @transform_2, window_bounds = array<i64: 1, 384, 1024>}, {transform_indices = @transform_3, window_bounds = array<i64: 1, 384, 1024>}, {transform_indices = @transform_4, window_bounds = array<i64: 1, 384, 1024>}, {transform_indices = @transform_5, window_bounds = array<i64: 1, 1024, 384>}, {transform_indices = @transform_6, window_bounds = array<i64: 1, 1024, 384>}, {transform_indices = @transform_7, window_bounds = array<i64: 128, 128>}, {transform_indices = @transform_8, window_bounds = array<i64: 128, 1024>}]} {
    %get3A = arith.index_cast %arg0 : i32 to index
    %get3A_0 = memref.load %arg2[%get3A] : memref<96xi32, #tpu.memory_space<smem>>
    %gt3A = arith.constant 0 : i32
    %gt3A_1 = arith.cmpi sgt, %get3A_0, %gt3A : i32
    %convert_element_type3A = arith.extui %gt3A_1 : i1 to i32
    %cond3A = arith.constant 0 : i32
    %cond3A_2 = arith.cmpi ne, %convert_element_type3A, %cond3A : i32
    scf.if %cond3A_2 {
      %get3A_3 = arith.constant 0 : index
      %get3A_4 = arith.constant 0 : index
      %get3A_5 = vector.load %arg3[%get3A_3, %get3A_4] : memref<128x1024xf32, #tpu.memory_space<vmem>>, vector<128x1024xf32>
      %get3A_6 = arith.constant 0 : index
      %get3A_7 = arith.constant 0 : index
      %get3A_8 = arith.constant 0 : index
      %get3A_9 = vector.load %arg4[%get3A_6, %get3A_7, %get3A_8] : memref<1x384x1024xf32, #tpu.memory_space<vmem>>, vector<1x384x1024xf32>
      %get3A_10 = vector.shape_cast %get3A_9 : vector<1x384x1024xf32> to vector<384x1024xf32>
      %dot_general3A = arith.constant dense<0.000000e+00> : vector<128x384xf32>
      %dot_general3A_11 = tpu.matmul %get3A_5, %get3A_10, %dot_general3A {dimension_numbers = #tpu.dot_dimension_numbers<[1], [1], [0], [0], [0, 0, 1, 0], [], []>, transpose_lhs_hint = false} : vector<128x1024xf32>, vector<384x1024xf32>, vector<128x384xf32> -> vector<128x384xf32>
      %get3A_12 = arith.constant 0 : index
      %get3A_13 = arith.constant 0 : index
      %get3A_14 = arith.constant 0 : index
      %get3A_15 = vector.load %arg5[%get3A_12, %get3A_13, %get3A_14] : memref<1x384x1024xf32, #tpu.memory_space<vmem>>, vector<1x384x1024xf32>
      %get3A_16 = vector.shape_cast %get3A_15 : vector<1x384x1024xf32> to vector<384x1024xf32>
      %dot_general3A_17 = arith.constant dense<0.000000e+00> : vector<128x384xf32>
      %dot_general3A_18 = tpu.matmul %get3A_5, %get3A_16, %dot_general3A_17 {dimension_numbers = #tpu.dot_dimension_numbers<[1], [1], [0], [0], [0, 0, 1, 0], [], []>, transpose_lhs_hint = false} : vector<128x1024xf32>, vector<384x1024xf32>, vector<128x384xf32> -> vector<128x384xf32>
      %get3A_19 = arith.constant 0 : index
      %get3A_20 = arith.constant 0 : index
      %get3A_21 = arith.constant 0 : index
      %get3A_22 = vector.load %arg6[%get3A_19, %get3A_20, %get3A_21] : memref<1x384x1024xf32, #tpu.memory_space<vmem>>, vector<1x384x1024xf32>
      %get3A_23 = vector.shape_cast %get3A_22 : vector<1x384x1024xf32> to vector<384x1024xf32>
      %dot_general3A_24 = arith.constant dense<0.000000e+00> : vector<128x384xf32>
      %dot_general3A_25 = tpu.matmul %get3A_5, %get3A_23, %dot_general3A_24 {dimension_numbers = #tpu.dot_dimension_numbers<[1], [1], [0], [0], [0, 0, 1, 0], [], []>, transpose_lhs_hint = false} : vector<128x1024xf32>, vector<384x1024xf32>, vector<128x384xf32> -> vector<128x384xf32>
      %get3A_26 = arith.constant 0 : index
      %get3A_27 = arith.constant 0 : index
      %get3A_28 = arith.constant 0 : index
      %get3A_29 = vector.load %arg7[%get3A_26, %get3A_27, %get3A_28] : memref<1x384x1024xf32, #tpu.memory_space<vmem>>, vector<1x384x1024xf32>
      %get3A_30 = vector.shape_cast %get3A_29 : vector<1x384x1024xf32> to vector<384x1024xf32>
      %dot_general3A_31 = arith.constant dense<0.000000e+00> : vector<128x384xf32>
      %dot_general3A_32 = tpu.matmul %get3A_5, %get3A_30, %dot_general3A_31 {dimension_numbers = #tpu.dot_dimension_numbers<[1], [1], [0], [0], [0, 0, 1, 0], [], []>, transpose_lhs_hint = false} : vector<128x1024xf32>, vector<384x1024xf32>, vector<128x384xf32> -> vector<128x384xf32>
      %logistic3A = arith.negf %dot_general3A_11 : vector<128x384xf32>
      %logistic3A_33 = math.exp %logistic3A : vector<128x384xf32>
      %logistic3A_34 = arith.constant 1.000000e+00 : f32
      %logistic3A_35 = vector.broadcast %logistic3A_34 : f32 to vector<128x384xf32>
      %logistic3A_36 = arith.addf %logistic3A_35, %logistic3A_33 : vector<128x384xf32>
      %logistic3A_37 = arith.divf %logistic3A_35, %logistic3A_36 : vector<128x384xf32>
      %mul3A = arith.mulf %dot_general3A_11, %logistic3A_37 : vector<128x384xf32>
      %mul3A_38 = arith.mulf %mul3A, %dot_general3A_25 : vector<128x384xf32>
      %logistic3A_39 = arith.negf %dot_general3A_18 : vector<128x384xf32>
      %logistic3A_40 = math.exp %logistic3A_39 : vector<128x384xf32>
      %logistic3A_41 = arith.constant 1.000000e+00 : f32
      %logistic3A_42 = vector.broadcast %logistic3A_41 : f32 to vector<128x384xf32>
      %logistic3A_43 = arith.addf %logistic3A_42, %logistic3A_40 : vector<128x384xf32>
      %logistic3A_44 = arith.divf %logistic3A_42, %logistic3A_43 : vector<128x384xf32>
      %mul3A_45 = arith.mulf %dot_general3A_18, %logistic3A_44 : vector<128x384xf32>
      %mul3A_46 = arith.mulf %mul3A_45, %dot_general3A_32 : vector<128x384xf32>
      %get3A_47 = arith.constant 0 : index
      %get3A_48 = arith.constant 0 : index
      %get3A_49 = arith.constant 0 : index
      %get3A_50 = vector.load %arg8[%get3A_47, %get3A_48, %get3A_49] : memref<1x1024x384xf32, #tpu.memory_space<vmem>>, vector<1x1024x384xf32>
      %get3A_51 = vector.shape_cast %get3A_50 : vector<1x1024x384xf32> to vector<1024x384xf32>
      %dot_general3A_52 = arith.constant dense<0.000000e+00> : vector<128x1024xf32>
      %dot_general3A_53 = tpu.matmul %mul3A_38, %get3A_51, %dot_general3A_52 {dimension_numbers = #tpu.dot_dimension_numbers<[1], [1], [0], [0], [0, 0, 1, 0], [], []>, transpose_lhs_hint = false} : vector<128x384xf32>, vector<1024x384xf32>, vector<128x1024xf32> -> vector<128x1024xf32>
      %get3A_54 = arith.constant 0 : index
      %get3A_55 = arith.constant 0 : index
      %get3A_56 = arith.constant 0 : index
      %get3A_57 = vector.load %arg9[%get3A_54, %get3A_55, %get3A_56] : memref<1x1024x384xf32, #tpu.memory_space<vmem>>, vector<1x1024x384xf32>
      %get3A_58 = vector.shape_cast %get3A_57 : vector<1x1024x384xf32> to vector<1024x384xf32>
      %dot_general3A_59 = arith.constant dense<0.000000e+00> : vector<128x1024xf32>
      %dot_general3A_60 = tpu.matmul %mul3A_46, %get3A_58, %dot_general3A_59 {dimension_numbers = #tpu.dot_dimension_numbers<[1], [1], [0], [0], [0, 0, 1, 0], [], []>, transpose_lhs_hint = false} : vector<128x384xf32>, vector<1024x384xf32>, vector<128x1024xf32> -> vector<128x1024xf32>
      %add3A = arith.addf %dot_general3A_53, %dot_general3A_60 : vector<128x1024xf32>
      %get3A_61 = arith.constant 0 : index
      %get3A_62 = arith.constant 0 : index
      %get3A_63 = vector.load %arg10[%get3A_61, %get3A_62] : memref<128x128xf32, #tpu.memory_space<vmem>>, vector<128x1xf32>
      %mul3A_64 = vector.broadcast %get3A_63 : vector<128x1xf32> to vector<128x1024xf32>
      %mul3A_65 = arith.mulf %add3A, %mul3A_64 : vector<128x1024xf32>
      %swap3A = arith.constant 0 : index
      %swap3A_66 = arith.constant 0 : index
      %swap3A_67 = vector.load %arg11[%swap3A, %swap3A_66] : memref<128x1024xf32, #tpu.memory_space<vmem>>, vector<128x1024xf32>
      tpu.vector_store %arg11[%swap3A, %swap3A_66], %mul3A_65 {strides = array<i32>} : memref<128x1024xf32, #tpu.memory_space<vmem>>, vector<128x1024xf32>,
    } else {
    }
    return
  }
  func.func @transform_0(%arg0: i32, %arg1: memref<96xi32, #tpu.memory_space<smem>>, %arg2: memref<96xi32, #tpu.memory_space<smem>>) -> (i32, i32) {
    %c0_i32 = arith.constant 0 : i32
    %c0_i32_0 = arith.constant 0 : i32
    return %arg0, %c0_i32 : i32, i32
  }
  func.func @transform_1(%arg0: i32, %arg1: memref<96xi32, #tpu.memory_space<smem>>, %arg2: memref<96xi32, #tpu.memory_space<smem>>) -> (i32, i32, i32) {
    %get3A = arith.index_cast %arg0 : i32 to index
    %get3A_0 = memref.load %arg1[%get3A] : memref<96xi32, #tpu.memory_space<smem>>
    %c0_i32 = arith.constant 0 : i32
    %c0_i32_1 = arith.constant 0 : i32
    %c0_i32_2 = arith.constant 0 : i32
    return %get3A_0, %c0_i32, %c0_i32_1 : i32, i32, i32
  }
  func.func @transform_2(%arg0: i32, %arg1: memref<96xi32, #tpu.memory_space<smem>>, %arg2: memref<96xi32, #tpu.memory_space<smem>>) -> (i32, i32, i32) {
    %get3A = arith.index_cast %arg0 : i32 to index
    %get3A_0 = memref.load %arg1[%get3A] : memref<96xi32, #tpu.memory_space<smem>>
    %c1_i32 = arith.constant 1 : i32
    %c0_i32 = arith.constant 0 : i32
    %c0_i32_1 = arith.constant 0 : i32
    return %get3A_0, %c1_i32, %c0_i32 : i32, i32, i32
  }
  func.func @transform_3(%arg0: i32, %arg1: memref<96xi32, #tpu.memory_space<smem>>, %arg2: memref<96xi32, #tpu.memory_space<smem>>) -> (i32, i32, i32) {
    %get3A = arith.index_cast %arg0 : i32 to index
    %get3A_0 = memref.load %arg1[%get3A] : memref<96xi32, #tpu.memory_space<smem>>
    %c0_i32 = arith.constant 0 : i32
    %c0_i32_1 = arith.constant 0 : i32
    %c0_i32_2 = arith.constant 0 : i32
    return %get3A_0, %c0_i32, %c0_i32_1 : i32, i32, i32
  }
  func.func @transform_4(%arg0: i32, %arg1: memref<96xi32, #tpu.memory_space<smem>>, %arg2: memref<96xi32, #tpu.memory_space<smem>>) -> (i32, i32, i32) {
    %get3A = arith.index_cast %arg0 : i32 to index
    %get3A_0 = memref.load %arg1[%get3A] : memref<96xi32, #tpu.memory_space<smem>>
    %c1_i32 = arith.constant 1 : i32
    %c0_i32 = arith.constant 0 : i32
    %c0_i32_1 = arith.constant 0 : i32
    return %get3A_0, %c1_i32, %c0_i32 : i32, i32, i32
  }
  func.func @transform_5(%arg0: i32, %arg1: memref<96xi32, #tpu.memory_space<smem>>, %arg2: memref<96xi32, #tpu.memory_space<smem>>) -> (i32, i32, i32) {
    %get3A = arith.index_cast %arg0 : i32 to index
    %get3A_0 = memref.load %arg1[%get3A] : memref<96xi32, #tpu.memory_space<smem>>
    %c0_i32 = arith.constant 0 : i32
    %c0_i32_1 = arith.constant 0 : i32
    %c0_i32_2 = arith.constant 0 : i32
    return %get3A_0, %c0_i32, %c0_i32_1 : i32, i32, i32
  }
  func.func @transform_6(%arg0: i32, %arg1: memref<96xi32, #tpu.memory_space<smem>>, %arg2: memref<96xi32, #tpu.memory_space<smem>>) -> (i32, i32, i32) {
    %get3A = arith.index_cast %arg0 : i32 to index
    %get3A_0 = memref.load %arg1[%get3A] : memref<96xi32, #tpu.memory_space<smem>>
    %c0_i32 = arith.constant 0 : i32
    %c1_i32 = arith.constant 1 : i32
    %c0_i32_1 = arith.constant 0 : i32
    return %get3A_0, %c0_i32, %c1_i32 : i32, i32, i32
  }
  func.func @transform_7(%arg0: i32, %arg1: memref<96xi32, #tpu.memory_space<smem>>, %arg2: memref<96xi32, #tpu.memory_space<smem>>) -> (i32, i32) {
    %c0_i32 = arith.constant 0 : i32
    %c0_i32_0 = arith.constant 0 : i32
    return %arg0, %c0_i32 : i32, i32
  }
  func.func @transform_8(%arg0: i32, %arg1: memref<96xi32, #tpu.memory_space<smem>>, %arg2: memref<96xi32, #tpu.memory_space<smem>>) -> (i32, i32) {
    %c0_i32 = arith.constant 0 : i32
    %c0_i32_0 = arith.constant 0 : i32
    return %arg0, %c0_i32 : i32, i32
  }
}

</mosaic_0001>

<sc_bundles>
// kernel: kernel.6.cloned.1.call-start
scs
__scs_entry_jumppad:
0x0: {  	(pc) =	sbr.rel $0x88, $3  }
0x1: {  	(tag) =	ssettag $0x0;
	lr =	simm.s32 $0x1  }
0x2: {  	[smem:$0x3F9C] =	sst lr;
	_ =	strace $0xD0000000  }
0x3: {  	_ = 	snop  }
0x4: {  	_ = 	snop  }
0x5: {  	_ = 	snop  }
0x6: {  	_ = 	snop  }
0x7: {  	_ = 	snop  }
__scs_overlays_trampoline_lowered:
0x8: {  	[smem:$0x3FAB] =	sst s0  }
0x9: {  	[smem:$0x3FAC] =	sst s1  }
0xa: {  	[smem:$0x3FAD] =	sst s2  }
0xb: {  	[smem:$0x3FAE] =	sst s3  }
0xc: {  	[smem:$0x3FAF] =	sst s4  }
0xd: {  	[smem:$0x3FB0] =	sst s5  }
0xe: {  	[smem:$0x3FB1] =	sst s6  }
0xf: {  	[smem:$0x3FB2] =	sst s7  }
0x10: {  	[smem:$0x3FB3] =	sst s8  }
0x11: {  	[smem:$0x3FB4] =	sst s9;
	s0 =	simm.s32 @!p0 $0x0  }
0x12: {  	s1 =	sld [smem:$0x3F9A];
	s0 =	simm.s32 @p0 $0x1  }
0x13: {  	[smem:$0x3FB5] =	sst s0;
	s0 =	simm.s32 @!p1 $0x0  }
0x14: {  	s2 =	sld [smem:$0x3F99];
	s0 =	simm.s32 @p1 $0x1  }
0x15: {  	[smem:$0x3FB6] =	sst s0;
	s0 =	simm.s32 @!p2 $0x0  }
0x16: {  	s3 =	sld [smem:$0x3FDB];
	s0 =	simm.s32 @p2 $0x1  }
0x17: {  	s4 =	simm.s32 $0x1BF5;
	[smem:$0x3FB8] =	sst s0  }
0x18: {  	s0 =	sld [smem:$0x3F9B];
	_ =	swait.ge [sflag:s4], $0x0  }
0x19: {  	s7 =	sld [smem:$0x3F9C]  }
0x1a: {  	s8 =	sadd.s32 $0xFFFFE003, lr  }
0x1b: {  	s9 =	sadd.s32 $0xFFFFFEF7, lr;
	s5 =	simm.s32 $0xFFFFFFFF;
	p2 =	slt.u32 s8, $0xFFFFF086  }
0x1c: {  	p1 =	slt.u32 s9, $0xF7A;
	s5 =	simm.s32 @!p2 $0x0  }
0x1d: {  	s5 =	simm.s32 @p1 $0x1;
	p0 =	seq.s32 s7, s2  }
0x1e: {  	s7 =	smul.u32 @!p0 $0xF7A, s2;
	p2 =	seq.s32 @!p0 s5, $0x0  }
0x1f: {  	s9 =	smul.u32 $0xF7A, s1;
	s8 =	simm.s32 @!p0 $0x1BF5;
	p2 =	por !p2, p0  }
0x20: {  	[sflag:s8] =	ssyncset.s32 @!p0 $0xFFFFF086;
	s6 =	sadd.s32 @!p0 s3, s7;
	s7 =	simm.s32 @!p0 $0x108  }
0x21: {  	s3 =	sadd.s32 s3, s9;
	s6 =	sadd.s32 @!p0 $0x88, s6;
	s7 =	simm.s32 @p2 $0x1082  }
0x22: {  	[simem:s7], [sflag:s8] =	dma.local @!p0 [hbm:s6], $0xF7A  }
0x23: {  	s9 =	sor.u32 $0xD0000000, s2;
	s6 =	simm.s32 $0x108;
	_ =	swait.ge @!p0 [sflag:s8], $0x0  }
0x24: {  	s3 =	sadd.s32 $0x88, s3;
	s6 =	simm.s32 @!p1 $0x1082;
	[sflag:s4] =	ssyncset.s32 $0xFFFFF086  }
0x25: {  	[simem:s6], [sflag:s4] =	dma.local [hbm:s3], $0xF7A  }
0x26: {  	[smem:$0x3F9C] =	sst s1;
	(tag) =	ssettag s2;
	_ =	strace s9  }
0x27: {  	s1 =	sld [smem:$0x3FAC]  }
0x28: {  	s2 =	sld [smem:$0x3FAD]  }
0x29: {  	s4 =	sld [smem:$0x3FAF]  }
0x2a: {  	p0 =	seq.s32 s5, $0x0;
	s5 =	sld [smem:$0x3FB0]  }
0x2b: {  	s6 =	sld [smem:$0x3FB1]  }
0x2c: {  	s7 =	sld [smem:$0x3FB2]  }
0x2d: {  	s3 =	simm.s32 $0x108;
	s8 =	sld [smem:$0x3FB3]  }
0x2e: {  	s3 =	simm.s32 @!p0 $0x1082;
	s9 =	sld [smem:$0x3FB4]  }
0x2f: {  	lr =	sadd.s32 s0, s3;
	s0 =	sld [smem:$0x3FAB]  }
0x30: {  	s3 =	sld [smem:$0x3FAE]  }
0x31: {  	[smem:$0x3FB7] =	sst s10  }
0x32: {  	s10 =	sld [smem:$0x3FB5];
	_ =	sdelay $0x3  }
0x33: {  	p0 =	seq.s32 s10, $0x1;
	s10 =	sld [smem:$0x3FB7];
	_ =	sdelay $0x3  }
0x34: {  	[smem:$0x3FB7] =	sst s10  }
0x35: {  	s10 =	sld [smem:$0x3FB6];
	_ =	sdelay $0x3  }
0x36: {  	p1 =	seq.s32 s10, $0x1;
	s10 =	sld [smem:$0x3FB7];
	_ =	sdelay $0x3  }
0x37: {  	[smem:$0x3FB7] =	sst s10  }
0x38: {  	s10 =	sld [smem:$0x3FB8]  }
0x39: {  	_ = 	snop;
	(pc) =	sbr.ind lr, $3  }
0x3a: {  	_ = 	snop  }
0x3b: {  	_ = 	snop  }
0x3c: {  	p2 =	seq.s32 s10, $0x1;
	s10 =	sld [smem:$0x3FB7]  }
0x3d: {  	_ =	shalt  }
0x3e: {  	_ =	shalt  }
0x3f: {  	_ =	shalt  }
0x40: {  	_ =	shalt  }
0x41: {  	_ =	shalt  }
0x42: {  	_ =	shalt  }
0x43: {  	_ =	shalt  }
0x44: {  	_ =	shalt  }
0x45: {  	_ =	shalt  }
0x46: {  	_ =	shalt  }
0x47: {  	_ =	shalt  }
0x48: {  	_ =	shalt  }
0x49: {  	_ =	shalt  }
0x4a: {  	_ =	shalt  }
0x4b: {  	_ =	shalt  }
0x4c: {  	_ =	shalt  }
0x4d: {  	_ =	shalt  }
0x4e: {  	_ =	shalt  }
0x4f: {  	_ =	shalt  }
0x50: {  	_ =	shalt  }
0x51: {  	_ =	shalt  }
0x52: {  	_ =	shalt  }
0x53: {  	_ =	shalt  }
0x54: {  	_ =	shalt  }
0x55: {  	_ =	shalt  }
0x56: {  	_ =	shalt  }
0x57: {  	_ =	shalt  }
0x58: {  	_ =	shalt  }
0x59: {  	_ =	shalt  }
0x5a: {  	_ =	shalt  }
0x5b: {  	_ =	shalt  }
0x5c: {  	_ =	shalt  }
0x5d: {  	_ =	shalt  }
0x5e: {  	_ =	shalt  }
0x5f: {  	_ =	shalt  }
0x60: {  	_ =	shalt  }
0x61: {  	_ =	shalt  }
0x62: {  	_ =	shalt  }
0x63: {  	_ =	shalt  }
0x64: {  	_ =	shalt  }
0x65: {  	_ =	shalt  }
0x66: {  	_ =	shalt  }
0x67: {  	_ =	shalt  }
0x68: {  	_ =	shalt  }
0x69: {  	_ =	shalt  }
0x6a: {  	_ =	shalt  }
0x6b: {  	_ =	shalt  }
0x6c: {  	_ =	shalt  }
0x6d: {  	_ =	shalt  }
0x6e: {  	_ =	shalt  }
0x6f: {  	_ =	shalt  }
0x70: {  	_ =	shalt  }
0x71: {  	_ =	shalt  }
0x72: {  	_ =	shalt  }
0x73: {  	_ =	shalt  }
0x74: {  	_ =	shalt  }
0x75: {  	_ =	shalt  }
0x76: {  	_ =	shalt  }
0x77: {  	_ =	shalt  }
0x78: {  	_ =	shalt  }
0x79: {  	_ =	shalt  }
0x7a: {  	_ =	shalt  }
0x7b: {  	_ =	shalt  }
0x7c: {  	_ =	shalt  }
0x7d: {  	_ =	shalt  }
0x7e: {  	_ =	shalt  }
0x7f: {  	_ =	shalt  }
0x80: {  	_ =	shalt  }
0x81: {  	_ =	shalt  }
0x82: {  	_ =	shalt  }
0x83: {  	_ =	shalt  }
0x84: {  	_ =	shalt  }
0x85: {  	_ =	shalt  }
0x86: {  	_ =	shalt  }
0x87: {  	_ =	shalt  }
.Lfunc_end0:
.L_simem_size_0:
called_computation_lowered:
.L_overlay_start_0:
0x88: {  	s2 =	sld [smem:$0x3FD9]  }
0x89: {  	s3 =	sld [smem:$0x3FFE];
	_ =	sdelay $0x1  }
0x8a: {  	s1 =	srdreg.scid  }
0x8b: {  	s0 =	sand.u32 $0x1, s1  }
0x8c: {  	s17 =	sshll.u32 s0, $0xA;
	s2 =	sadd.s32 s3, s2  }
0x8d: {  	s2 =	sadd.s32 s2, s17  }
0x8e: {  	[smem:$0x3FC3] =	sst s2  }
0x8f: {  	_ = 	snop  }
0x90: {  	s2 =	sld [smem:$0x3FC9]  }
0x91: {  	s18 =	sld [smem:$0x3FD0];
	(tm) =	ssettm $0x1  }
0x92: {  	s4 =	sld [smem:$0x3FFB];
	_ =	sdelay $0x3  }
0x93: {  	_ =	strace s4  }
0x94: {  	s4 =	sld [smem:$0x3FFC];
	_ =	sdelay $0x3  }
0x95: {  	_ =	strace s4  }
0x96: {  	s4 =	sld [smem:$0x3FFD];
	_ =	sdelay $0x3  }
0x97: {  	_ =	strace s4  }
0x98: {  	_ =	strace $0x8FFFFFFF  }
0x99: {  	s19 =	sld [smem:$0x3FDB];
	_ =	sdelay $0x1  }
0x9a: {  	s5 =	simm.s32 $_scs_section_size  }
0x9b: {  	s6 =	simm.s32 $_size__tile_overlayer_lowered;
	s7 =	simm.s32 $_tile_overlayer_lowered  }
0x9c: {  	s22 =	simm.s32 $0x1BFF;
	s21 =	sshll.u32 s7, $0x1;
	s4 =	sadd.s32 s5, s19  }
0x9d: {  	s8 =	simm.s32 $0x0;
	s20 =	sshll.u32 s6, $0x1;
	s6 =	sadd.s32 s21, s4  }
0x9e: {  	[timem:s8], [sflag:s22] =	dma.local [hbm:s6], s20  }
0x9f: {  	_ =	swait.ge [sflag:s22], s20  }
0xa0: {  	s5 =	ssub.s32 $0x0, s20;
	[sflag:s22] =	ssyncset.done $0x0  }
0xa1: {  	[sflag:s22] =	ssyncadd.s32 s5;
	_ =	sdelay $0x1  }
0xa2: {  	s23 =	simm.s32 $0x1B8B  }
0xa3: {  	_ =	swait.ge [sflag:s23], $0x1  }
0xa4: {  	[sflag:s23] =	ssyncset.done $0x0  }
0xa5: {  	s25 =	simm.s32 $0x1B8E;
	s24 =	sld [smem:$0x3FFE];
	[sflag:s23] =	ssyncadd.s32 $0xFFFFFFFF  }
0xa6: {  	s26 =	simm.s32 $execute0_lowered;
	[smem:$0x3FD2] =	sst s25  }
0xa7: {  	s6 =	sshll.u32 s26, $0x1;
	_ =	strace $0x80000046;
	[dreg:$0x1] =	wrdreg $0xFFFFFFFF  }
0xa8: {  	s28 =	simm.s32 $_size_execute0_lowered;
	s4 =	sadd.s32 s4, s6;
	[dreg:$0x0] =	wrdreg $0x0  }
0xa9: {  	s6 =	sshll.u32 s28, $0x1;
	[dreg:$0x2] =	wrdreg s4  }
0xaa: {  	[dreg:$0x3] =	wrdreg s6  }
0xab: {  	[dreg:$0x4] =	wrdreg $0xC0  }
0xac: {  	_ =	task [dreg:s8], $0x5FFFF  }
0xad: {  	[dreg:$0x1] =	wrdreg $0xFFFFFFFF  }
0xae: {  	[dreg:$0x0] =	wrdreg $0x60  }
0xaf: {  	[dreg:$0x2] =	wrdreg s2  }
0xb0: {  	[dreg:$0x3] =	wrdreg s24  }
0xb1: {  	[dreg:$0x4] =	wrdreg s18  }
0xb2: {  	[dreg:$0x5] =	wrdreg $0x9  }
0xb3: {  	_ =	task.clear_ibuf [dreg:s8], $0x6FFFF;
	_ =	strace $0x90000046  }
0xb4: {  	s29 =	simm.s32 $0x9;
	_ =	strace $0x80000048  }
0xb5: {  	_ =	swait.ge [sflag:s29], $0x1  }
0xb6: {  	[sflag:s29] =	ssyncadd.s32 $0xFFFFFFFF  }
0xb7: {  	_ =	strace $0x90000048  }
0xb8: {  	_ =	sfence  }
0xb9: {  	s30 =	sld [smem:$0x0];
	_ =	sdelay $0x2  }
0xba: {  	s31 =	sshll.u32 s1, $0xD;
	s1 =	sshrl.u32 s1, $0x2  }
0xbb: {  	s3 =	sand.u32 $0x4000, s31;
	s1 =	sadd.s32 s1, s30  }
0xbc: {  	s0 =	sor.u32 s3, s0;
	s1 =	sshll.u32 s1, $0x11  }
0xbd: {  	s0 =	sor.u32 s1, s0  }
0xbe: {  	s0 =	sadd.s32 $0x8F2B, s0  }
0xbf: {  	[sflag:s0] =	ssyncadd.remote.s32 $0x1  }
0xc0: {  	_ =	sfence.sel $0xFFFF  }
0xc1: {  	[dreg:$0x0] =	wrdreg $0xFFFFFFFF;
	(pc) =	sbr.abs _section_cstart, $3  }
0xc2: {  	[dreg:$0x1] =	wrdreg $0xFFFFFFFF  }
0xc3: {  	_ =	task.clear_ibuf [dreg:s8], $0x2FFFF;
	_ =	strace $0x9FFFFFFF  }
0xc4: {  	(tm) =	ssettm $0x7FFFFFFF  }
0xc5: {  	_ =	shalt  }
tec
execute0_lowered:
.L_overlay_start_1:
0x0: {  	(tag) =	ssettag $0x1  }
0x1: {  	s1 =	rddreg [dreg:$0x0]  }
0x2: {  	s0 =	rddreg [dreg:$0x1];
	s4 =	simm.s32 $0x0;
	s2 =	srdreg.scid  }
0x3: {  	s3 =	stileid.u32;
	s13 =	simm.s32 $0x5;
	s12 =	simm.s32 $0x180  }
0x4: {  	[smem:$0x7FF] =	sst s4;
	s2 =	sand.u32 $0x1, s2;
	s3 =	sshll.u32 s3, $0x1  }
0x5: {  	s7 =	sadd.s32 $0x200, s1;
	s8 =	sadd.s32 $0x300, s1;
	s3 =	sor.u32 s2, s3  }
0x6: {  	s5 =	sshll.u32 s3, $0x6;
	s6 =	sshll.u32 s3, $0xB;
	s3 =	sshll.u32 s3, $0x4  }
0x7: {  	_ =	strace $0x80000047;
	s9 =	sadd.s32 s5, s0;
	s3 =	sadd.s32 s0, s3  }
0x8: {  	s10 =	sadd.s32 s6, s0;
	[dreg:$0x4] =	wrdreg s3;
	s22 =	sadd.s32 $0x200, s9  }
0x9: {  	s11 =	sadd.s32 $0x10D00, s0;
	s23 =	sadd.s32 $0xA00, s10;
	[dreg:$0x5] =	wrdreg s22  }
0xa: {  	s2 =	ssub.s32 $0x2, s2;
	s25 =	sadd.s32 $0x210, s9;
	[dreg:$0x6] =	wrdreg s23  }
0xb: {  	s24 =	sshrl.u32 s2, $0x1;
	s26 =	sadd.s32 $0xC00, s10;
	[dreg:$0x7] =	wrdreg s25  }
0xc: {  	s5 =	sadd.s32 $0x10A00, s0;
	s28 =	sadd.s32 $0x220, s9;
	[dreg:$0x8] =	wrdreg s26  }
0xd: {  	s2 =	ssub.s32 s2, s24;
	s29 =	sadd.s32 $0xE00, s10;
	[dreg:$0x9] =	wrdreg s28  }
0xe: {  	v2 =	vlaneseq.u32;
	s6 =	sadd.s32 $0x100, s1;
	s30 =	sadd.s32 $0x230, s9;
	[dreg:$0xa] =	wrdreg s29  }
0xf: {  	vm0 =	vmmov $0xffff;
	v1 =	vshrl.u32 v2, $0x3;
	s9 =	sadd.s32 $0x10B00, s0;
	s31 =	sadd.s32 $0x1000, s10;
	[dreg:$0xb] =	wrdreg s30  }
0x10: {  	v0 =	vand.u32 $0x7, v2;
	v2 =	vor.u32 $0x8, v2;
	v1 =	vmul.u32 $0x8, v1;
	s10 =	sadd.s32 $0x10C00, s0;
	s0 =	smax.u32 s2, $0x1;
	[dreg:$0xc] =	wrdreg s31  }
.LBB2_1:
0x11: {  	[dreg:$0xd] =	wrdreg s0  }
0x12: {  	s14 =	rddreg [dreg:$0x4]  }
0x13: {  	[tilespmem:s4], [sflag:$0x5] =	stream.linear.gather [hbm4b:s14+s4], $0x80, $0x38;
	[tilespmem:$0x11180] =	vst v63  }
0x14: {  	_ =	swait.ge [sflag:s13], $0x80  }
0x15: {  	[sflag:s13] =	ssyncset.done $0x0  }
0x16: {  	[sflag:s13] =	ssyncadd.s32 $0xFFFFFF80  }
0x17: {  	v3 =	vld [tilespmem:$0x0];
	_ =	sdelay $0x4  }
0x18: {  	v4 =	vshll.u32 v3, $0x3  }
0x19: {  	v3 =	vand.u32 $0x7, v3;
	v4 =	vand.u32 $0xFFFFFFC0, v4  }
0x1a: {  	v3 =	vor.u32 v3, v4  }
0x1b: {  	v4 =	vperm.xlane v3, v0;
	_ =	sdelay $0x1  }
0x1c: {  	v4 =	vadd.s32 v1, v4;
	_ =	sdelay $0x3  }
0x1d: {  	s17 =	simm.s32 $0x1180;
	s1 =	rddreg [dreg:$0x0]  }
0x1e: {  	[tilespmem:s17], [sflag:$0x1] =	stream.indirect_vreg.gather [hbm4b:s1+s4], $0x80, v4, vm0, $0xb8;
	[tilespmem:$0x11180] =	vst v63  }
0x1f: {  	s18 =	simm.s32 $0x1980;
	v3 =	vperm.xlane v3, v2  }
0x20: {  	[tilespmem:s18], [sflag:$0x1] =	stream.indirect_vreg.gather [hbm4b:s6+s4], $0x80, v4, vm0, $0xb8;
	[tilespmem:$0x11180] =	vst v63  }
0x21: {  	s19 =	simm.s32 $0x2180;
	v3 =	vadd.s32 v1, v3  }
0x22: {  	[tilespmem:s19], [sflag:$0x1] =	stream.indirect_vreg.gather [hbm4b:s7+s4], $0x80, v4, vm0, $0xb8;
	[tilespmem:$0x11180] =	vst v63  }
0x23: {  	s20 =	simm.s32 $0x2980  }
0x24: {  	[tilespmem:s20], [sflag:$0x1] =	stream.indirect_vreg.gather [hbm4b:s8+s4], $0x80, v4, vm0, $0xb8;
	[tilespmem:$0x11180] =	vst v63  }
0x25: {  	s21 =	simm.s32 $0x3180  }
0x26: {  	[tilespmem:s21], [sflag:$0x1] =	stream.indirect_vreg.gather [hbm4b:s1+s4], $0x80, v3, vm0, $0xb8;
	[tilespmem:$0x11180] =	vst v63  }
0x27: {  	s22 =	simm.s32 $0x3980  }
0x28: {  	[tilespmem:s22], [sflag:$0x1] =	stream.indirect_vreg.gather [hbm4b:s6+s4], $0x80, v3, vm0, $0xb8;
	[tilespmem:$0x11180] =	vst v63  }
0x29: {  	s23 =	simm.s32 $0x4180  }
0x2a: {  	[tilespmem:s23], [sflag:$0x1] =	stream.indirect_vreg.gather [hbm4b:s7+s4], $0x80, v3, vm0, $0xb8;
	[tilespmem:$0x11180] =	vst v63  }
0x2b: {  	s24 =	simm.s32 $0x4980  }
0x2c: {  	[tilespmem:s24], [sflag:$0x1] =	stream.indirect_vreg.gather [hbm4b:s8+s4], $0x80, v3, vm0, $0xb8;
	[tilespmem:$0x11180] =	vst v63  }
0x2d: {  	v3 =	vld [tilespmem:$0x10];
	_ =	sdelay $0x4  }
0x2e: {  	v49 =	vshll.u32 v3, $0x3  }
0x2f: {  	v3 =	vand.u32 $0x7, v3;
	v4 =	vand.u32 $0xFFFFFFC0, v49  }
0x30: {  	v3 =	vor.u32 v3, v4  }
0x31: {  	v4 =	vperm.xlane v3, v0;
	_ =	sdelay $0x1  }
0x32: {  	v4 =	vadd.s32 v1, v4;
	_ =	sdelay $0x3  }
0x33: {  	s25 =	simm.s32 $0x5180  }
0x34: {  	[tilespmem:s25], [sflag:$0x1] =	stream.indirect_vreg.gather [hbm4b:s1+s4], $0x80, v4, vm0, $0xb8;
	[tilespmem:$0x11180] =	vst v63  }
0x35: {  	s26 =	simm.s32 $0x5980;
	v3 =	vperm.xlane v3, v2  }
0x36: {  	[tilespmem:s26], [sflag:$0x1] =	stream.indirect_vreg.gather [hbm4b:s6+s4], $0x80, v4, vm0, $0xb8;
	[tilespmem:$0x11180] =	vst v63  }
0x37: {  	s28 =	simm.s32 $0x6180;
	v3 =	vadd.s32 v1, v3  }
0x38: {  	[tilespmem:s28], [sflag:$0x1] =	stream.indirect_vreg.gather [hbm4b:s7+s4], $0x80, v4, vm0, $0xb8;
	[tilespmem:$0x11180] =	vst v63  }
0x39: {  	s29 =	simm.s32 $0x6980  }
0x3a: {  	[tilespmem:s29], [sflag:$0x1] =	stream.indirect_vreg.gather [hbm4b:s8+s4], $0x80, v4, vm0, $0xb8;
	[tilespmem:$0x11180] =	vst v63  }
0x3b: {  	s30 =	simm.s32 $0x7180  }
0x3c: {  	[tilespmem:s30], [sflag:$0x1] =	stream.indirect_vreg.gather [hbm4b:s1+s4], $0x80, v3, vm0, $0xb8;
	[tilespmem:$0x11180] =	vst v63  }
0x3d: {  	s31 =	simm.s32 $0x7980  }
0x3e: {  	[tilespmem:s31], [sflag:$0x1] =	stream.indirect_vreg.gather [hbm4b:s6+s4], $0x80, v3, vm0, $0xb8;
	[tilespmem:$0x11180] =	vst v63  }
0x3f: {  	s2 =	simm.s32 $0x8180  }
0x40: {  	[tilespmem:s2], [sflag:$0x1] =	stream.indirect_vreg.gather [hbm4b:s7+s4], $0x80, v3, vm0, $0xb8;
	[tilespmem:$0x11180] =	vst v63  }
0x41: {  	s3 =	simm.s32 $0x8980  }
0x42: {  	[tilespmem:s3], [sflag:$0x1] =	stream.indirect_vreg.gather [hbm4b:s8+s4], $0x80, v3, vm0, $0xb8;
	[tilespmem:$0x11180] =	vst v63  }
0x43: {  	v3 =	vld [tilespmem:$0x20];
	_ =	sdelay $0x4  }
0x44: {  	v50 =	vshll.u32 v3, $0x3  }
0x45: {  	v3 =	vand.u32 $0x7, v3;
	v4 =	vand.u32 $0xFFFFFFC0, v50  }
0x46: {  	v3 =	vor.u32 v3, v4  }
0x47: {  	v4 =	vperm.xlane v3, v0;
	_ =	sdelay $0x1  }
0x48: {  	v4 =	vadd.s32 v1, v4;
	_ =	sdelay $0x3  }
0x49: {  	s14 =	simm.s32 $0x9180  }
0x4a: {  	[tilespmem:s14], [sflag:$0x2] =	stream.indirect_vreg.gather [hbm4b:s1+s4], $0x80, v4, vm0, $0xb8;
	[tilespmem:$0x11180] =	vst v63  }
0x4b: {  	s15 =	simm.s32 $0x9980;
	v3 =	vperm.xlane v3, v2  }
0x4c: {  	[tilespmem:s15], [sflag:$0x2] =	stream.indirect_vreg.gather [hbm4b:s6+s4], $0x80, v4, vm0, $0xb8;
	[tilespmem:$0x11180] =	vst v63  }
0x4d: {  	s16 =	simm.s32 $0xA180;
	v3 =	vadd.s32 v1, v3  }
0x4e: {  	[tilespmem:s16], [sflag:$0x2] =	stream.indirect_vreg.gather [hbm4b:s7+s4], $0x80, v4, vm0, $0xb8;
	[tilespmem:$0x11180] =	vst v63  }
0x4f: {  	s17 =	simm.s32 $0xA980  }
0x50: {  	[tilespmem:s17], [sflag:$0x2] =	stream.indirect_vreg.gather [hbm4b:s8+s4], $0x80, v4, vm0, $0xb8;
	[tilespmem:$0x11180] =	vst v63  }
0x51: {  	s18 =	simm.s32 $0xB180  }
0x52: {  	[tilespmem:s18], [sflag:$0x2] =	stream.indirect_vreg.gather [hbm4b:s1+s4], $0x80, v3, vm0, $0xb8;
	[tilespmem:$0x11180] =	vst v63  }
0x53: {  	s19 =	simm.s32 $0xB980  }
0x54: {  	[tilespmem:s19], [sflag:$0x2] =	stream.indirect_vreg.gather [hbm4b:s6+s4], $0x80, v3, vm0, $0xb8;
	[tilespmem:$0x11180] =	vst v63  }
0x55: {  	s20 =	simm.s32 $0xC180  }
0x56: {  	[tilespmem:s20], [sflag:$0x2] =	stream.indirect_vreg.gather [hbm4b:s7+s4], $0x80, v3, vm0, $0xb8;
	[tilespmem:$0x11180] =	vst v63  }
0x57: {  	s21 =	simm.s32 $0xC980  }
0x58: {  	[tilespmem:s21], [sflag:$0x2] =	stream.indirect_vreg.gather [hbm4b:s8+s4], $0x80, v3, vm0, $0xb8;
	[tilespmem:$0x11180] =	vst v63  }
0x59: {  	v3 =	vld [tilespmem:$0x30];
	_ =	sdelay $0x4  }
0x5a: {  	v51 =	vshll.u32 v3, $0x3  }
0x5b: {  	v3 =	vand.u32 $0x7, v3;
	v4 =	vand.u32 $0xFFFFFFC0, v51  }
0x5c: {  	v3 =	vor.u32 v3, v4  }
0x5d: {  	v4 =	vperm.xlane v3, v0;
	_ =	sdelay $0x1  }
0x5e: {  	v4 =	vadd.s32 v1, v4;
	_ =	sdelay $0x3  }
0x5f: {  	s22 =	simm.s32 $0xD180  }
0x60: {  	[tilespmem:s22], [sflag:$0x2] =	stream.indirect_vreg.gather [hbm4b:s1+s4], $0x80, v4, vm0, $0xb8;
	[tilespmem:$0x11180] =	vst v63  }
0x61: {  	s23 =	simm.s32 $0xD980;
	v3 =	vperm.xlane v3, v2  }
0x62: {  	[tilespmem:s23], [sflag:$0x2] =	stream.indirect_vreg.gather [hbm4b:s6+s4], $0x80, v4, vm0, $0xb8;
	[tilespmem:$0x11180] =	vst v63  }
0x63: {  	s24 =	simm.s32 $0xE180;
	v3 =	vadd.s32 v1, v3  }
0x64: {  	[tilespmem:s24], [sflag:$0x2] =	stream.indirect_vreg.gather [hbm4b:s7+s4], $0x80, v4, vm0, $0xb8;
	[tilespmem:$0x11180] =	vst v63  }
0x65: {  	s25 =	simm.s32 $0xE980  }
0x66: {  	[tilespmem:s25], [sflag:$0x2] =	stream.indirect_vreg.gather [hbm4b:s8+s4], $0x80, v4, vm0, $0xb8;
	[tilespmem:$0x11180] =	vst v63  }
0x67: {  	s26 =	simm.s32 $0xF180  }
0x68: {  	[tilespmem:s26], [sflag:$0x2] =	stream.indirect_vreg.gather [hbm4b:s1+s4], $0x80, v3, vm0, $0xb8;
	[tilespmem:$0x11180] =	vst v63  }
0x69: {  	s28 =	simm.s32 $0xF980  }
0x6a: {  	[tilespmem:s28], [sflag:$0x2] =	stream.indirect_vreg.gather [hbm4b:s6+s4], $0x80, v3, vm0, $0xb8;
	[tilespmem:$0x11180] =	vst v63  }
0x6b: {  	s29 =	simm.s32 $0x10180  }
0x6c: {  	[tilespmem:s29], [sflag:$0x2] =	stream.indirect_vreg.gather [hbm4b:s7+s4], $0x80, v3, vm0, $0xb8;
	[tilespmem:$0x11180] =	vst v63  }
0x6d: {  	s30 =	simm.s32 $0x10980;
	s31 =	simm.s32 $0x1  }
0x6e: {  	[tilespmem:s30], [sflag:$0x2] =	stream.indirect_vreg.gather [hbm4b:s8+s4], $0x80, v3, vm0, $0xb8;
	[tilespmem:$0x11180] =	vst v63  }
0x6f: {  	_ =	swait.ge [sflag:s31], $0x8000  }
0x70: {  	[sflag:s31] =	ssyncset.done $0x0  }
0x71: {  	s3 =	simm.s32 $0x80;
	s2 =	rddreg [dreg:$0x5];
	[sflag:s31] =	ssyncadd.s32 $0xFFFF8000  }
0x72: {  	[tilespmem:s3], [sflag:$0x5] =	stream.linear.gather [hbm4b:s2+s4], $0x80, $0x38;
	[tilespmem:$0x11180] =	vst v63  }
0x73: {  	_ =	swait.ge [sflag:s13], $0x80  }
0x74: {  	[sflag:s13] =	ssyncset.done $0x0  }
0x75: {  	[sflag:s13] =	ssyncadd.s32 $0xFFFFFF80  }
0x76: {  	v3 =	vld [tilespmem:$0x80];
	_ =	sdelay $0x4  }
0x77: {  	v52 =	vshll.u32 v3, $0x3  }
0x78: {  	v3 =	vand.u32 $0x7, v3;
	v4 =	vand.u32 $0xFFFFFFC0, v52  }
0x79: {  	v3 =	vor.u32 v3, v4  }
0x7a: {  	v4 =	vperm.xlane v3, v0;
	_ =	sdelay $0x1  }
0x7b: {  	v4 =	vadd.s32 v1, v4;
	_ =	sdelay $0x3  }
0x7c: {  	s29 =	simm.s32 $0x1180  }
0x7d: {  	[hbm4b:s5+s4] =	stream.indirect_vreg.scatter [tilespmem:s29], [sflag:$0x3], $0x80, v4, vm0, $0xb8;
	[tilespmem:$0x11180] =	vst v63  }
0x7e: {  	s28 =	simm.s32 $0x1980;
	v3 =	vperm.xlane v3, v2  }
0x7f: {  	[hbm4b:s9+s4] =	stream.indirect_vreg.scatter [tilespmem:s28], [sflag:$0x3], $0x80, v4, vm0, $0xb8;
	[tilespmem:$0x11180] =	vst v63  }
0x80: {  	s2 =	simm.s32 $0x2180;
	v3 =	vadd.s32 v1, v3  }
0x81: {  	[hbm4b:s10+s4] =	stream.indirect_vreg.scatter [tilespmem:s2], [sflag:$0x3], $0x80, v4, vm0, $0xb8;
	[tilespmem:$0x11180] =	vst v63  }
0x82: {  	s3 =	simm.s32 $0x2980  }
0x83: {  	[hbm4b:s11+s4] =	stream.indirect_vreg.scatter [tilespmem:s3], [sflag:$0x3], $0x80, v4, vm0, $0xb8;
	[tilespmem:$0x11180] =	vst v63  }
0x84: {  	s16 =	simm.s32 $0x3180  }
0x85: {  	[hbm4b:s5+s4] =	stream.indirect_vreg.scatter [tilespmem:s16], [sflag:$0x3], $0x80, v3, vm0, $0xb8;
	[tilespmem:$0x11180] =	vst v63  }
0x86: {  	s17 =	simm.s32 $0x3980  }
0x87: {  	[hbm4b:s9+s4] =	stream.indirect_vreg.scatter [tilespmem:s17], [sflag:$0x3], $0x80, v3, vm0, $0xb8;
	[tilespmem:$0x11180] =	vst v63  }
0x88: {  	s18 =	simm.s32 $0x4180  }
0x89: {  	[hbm4b:s10+s4] =	stream.indirect_vreg.scatter [tilespmem:s18], [sflag:$0x3], $0x80, v3, vm0, $0xb8;
	[tilespmem:$0x11180] =	vst v63  }
0x8a: {  	s24 =	simm.s32 $0x4980  }
0x8b: {  	[hbm4b:s11+s4] =	stream.indirect_vreg.scatter [tilespmem:s24], [sflag:$0x3], $0x80, v3, vm0, $0xb8;
	[tilespmem:$0x11180] =	vst v63  }
0x8c: {  	v3 =	vld [tilespmem:$0x90];
	_ =	sdelay $0x4  }
0x8d: {  	v53 =	vshll.u32 v3, $0x3  }
0x8e: {  	v3 =	vand.u32 $0x7, v3;
	v4 =	vand.u32 $0xFFFFFFC0, v53  }
0x8f: {  	v3 =	vor.u32 v3, v4  }
0x90: {  	v4 =	vperm.xlane v3, v0;
	_ =	sdelay $0x1  }
0x91: {  	v4 =	vadd.s32 v1, v4;
	_ =	sdelay $0x3  }
0x92: {  	s25 =	simm.s32 $0x5180  }
0x93: {  	[hbm4b:s5+s4] =	stream.indirect_vreg.scatter [tilespmem:s25], [sflag:$0x3], $0x80, v4, vm0, $0xb8;
	[tilespmem:$0x11180] =	vst v63  }
0x94: {  	s26 =	simm.s32 $0x5980;
	v3 =	vperm.xlane v3, v2  }
0x95: {  	[hbm4b:s9+s4] =	stream.indirect_vreg.scatter [tilespmem:s26], [sflag:$0x3], $0x80, v4, vm0, $0xb8;
	[tilespmem:$0x11180] =	vst v63  }
0x96: {  	s19 =	simm.s32 $0x6180;
	v3 =	vadd.s32 v1, v3  }
0x97: {  	[hbm4b:s10+s4] =	stream.indirect_vreg.scatter [tilespmem:s19], [sflag:$0x3], $0x80, v4, vm0, $0xb8;
	[tilespmem:$0x11180] =	vst v63  }
0x98: {  	s20 =	simm.s32 $0x6980  }
0x99: {  	[hbm4b:s11+s4] =	stream.indirect_vreg.scatter [tilespmem:s20], [sflag:$0x3], $0x80, v4, vm0, $0xb8;
	[tilespmem:$0x11180] =	vst v63  }
0x9a: {  	s21 =	simm.s32 $0x7180  }
0x9b: {  	[hbm4b:s5+s4] =	stream.indirect_vreg.scatter [tilespmem:s21], [sflag:$0x3], $0x80, v3, vm0, $0xb8;
	[tilespmem:$0x11180] =	vst v63  }
0x9c: {  	s22 =	simm.s32 $0x7980  }
0x9d: {  	[hbm4b:s9+s4] =	stream.indirect_vreg.scatter [tilespmem:s22], [sflag:$0x3], $0x80, v3, vm0, $0xb8;
	[tilespmem:$0x11180] =	vst v63  }
0x9e: {  	s23 =	simm.s32 $0x8180  }
0x9f: {  	[hbm4b:s10+s4] =	stream.indirect_vreg.scatter [tilespmem:s23], [sflag:$0x3], $0x80, v3, vm0, $0xb8;
	[tilespmem:$0x11180] =	vst v63  }
0xa0: {  	s0 =	simm.s32 $0x8980  }
0xa1: {  	[hbm4b:s11+s4] =	stream.indirect_vreg.scatter [tilespmem:s0], [sflag:$0x3], $0x80, v3, vm0, $0xb8;
	[tilespmem:$0x11180] =	vst v63  }
0xa2: {  	s15 =	rddreg [dreg:$0x6]  }
0xa3: {  	[tilespmem:s12], [sflag:$0x5] =	stream.linear.gather [hbm4b:s15+s4], $0x1000, $0x38;
	[tilespmem:$0x11180] =	vst v63  }
0xa4: {  	_ =	swait.ge [sflag:s13], $0x1000  }
0xa5: {  	[sflag:s13] =	ssyncset.done $0x0  }
0xa6: {  	[sflag:s13] =	ssyncadd.s32 $0xFFFFF000  }
0xa7: {  	s30 =	simm.s32 $0x80;
	s31 =	simm.s32 $0x20;
	s15 =	rddreg [dreg:$0x2]  }
0xa8: {  	[hbm4b:s15+s31] =	stream.indirect.scatter [tilespmem:s12], [sflag:$0x5], $0x80, s30, s31, $0xb8;
	[tilespmem:$0x11180] =	vst v63  }
0xa9: {  	_ =	swait.ge [sflag:s13], $0x1000  }
0xaa: {  	[sflag:s13] =	ssyncset.done $0x0  }
0xab: {  	s31 =	simm.s32 $0x3;
	[sflag:s13] =	ssyncadd.s32 $0xFFFFF000  }
0xac: {  	_ =	swait.ge [sflag:s31], $0x8000  }
0xad: {  	[sflag:s31] =	ssyncset.done $0x0  }
0xae: {  	[sflag:s31] =	ssyncadd.s32 $0xFFFF8000  }
0xaf: {  	v3 =	vld [tilespmem:$0x40];
	_ =	sdelay $0x4  }
0xb0: {  	v54 =	vshll.u32 v3, $0x3  }
0xb1: {  	v3 =	vand.u32 $0x7, v3;
	v4 =	vand.u32 $0xFFFFFFC0, v54  }
0xb2: {  	v3 =	vor.u32 v3, v4  }
0xb3: {  	v4 =	vperm.xlane v3, v0;
	_ =	sdelay $0x1  }
0xb4: {  	v4 =	vadd.s32 v1, v4;
	_ =	sdelay $0x4  }
0xb5: {  	[tilespmem:s29], [sflag:$0x1] =	stream.indirect_vreg.gather [hbm4b:s1+s4], $0x80, v4, vm0, $0xb8;
	[tilespmem:$0x11180] =	vst v63  }
0xb6: {  	v3 =	vperm.xlane v3, v2  }
0xb7: {  	[tilespmem:s28], [sflag:$0x1] =	stream.indirect_vreg.gather [hbm4b:s6+s4], $0x80, v4, vm0, $0xb8;
	[tilespmem:$0x11180] =	vst v63  }
0xb8: {  	v3 =	vadd.s32 v1, v3  }
0xb9: {  	[tilespmem:s2], [sflag:$0x1] =	stream.indirect_vreg.gather [hbm4b:s7+s4], $0x80, v4, vm0, $0xb8;
	[tilespmem:$0x11180] =	vst v63  }
0xba: {  	_ = 	snop  }
0xbb: {  	[tilespmem:s3], [sflag:$0x1] =	stream.indirect_vreg.gather [hbm4b:s8+s4], $0x80, v4, vm0, $0xb8;
	[tilespmem:$0x11180] =	vst v63  }
0xbc: {  	_ = 	snop  }
0xbd: {  	[tilespmem:s16], [sflag:$0x1] =	stream.indirect_vreg.gather [hbm4b:s1+s4], $0x80, v3, vm0, $0xb8;
	[tilespmem:$0x11180] =	vst v63  }
0xbe: {  	_ = 	snop  }
0xbf: {  	[tilespmem:s17], [sflag:$0x1] =	stream.indirect_vreg.gather [hbm4b:s6+s4], $0x80, v3, vm0, $0xb8;
	[tilespmem:$0x11180] =	vst v63  }
0xc0: {  	_ = 	snop  }
0xc1: {  	[tilespmem:s18], [sflag:$0x1] =	stream.indirect_vreg.gather [hbm4b:s7+s4], $0x80, v3, vm0, $0xb8;
	[tilespmem:$0x11180] =	vst v63  }
0xc2: {  	_ = 	snop  }
0xc3: {  	[tilespmem:s24], [sflag:$0x1] =	stream.indirect_vreg.gather [hbm4b:s8+s4], $0x80, v3, vm0, $0xb8;
	[tilespmem:$0x11180] =	vst v63  }
0xc4: {  	v3 =	vld [tilespmem:$0x50];
	_ =	sdelay $0x4  }
0xc5: {  	v55 =	vshll.u32 v3, $0x3  }
0xc6: {  	v3 =	vand.u32 $0x7, v3;
	v4 =	vand.u32 $0xFFFFFFC0, v55  }
0xc7: {  	v3 =	vor.u32 v3, v4  }
0xc8: {  	v4 =	vperm.xlane v3, v0;
	_ =	sdelay $0x1  }
0xc9: {  	v4 =	vadd.s32 v1, v4;
	_ =	sdelay $0x4  }
0xca: {  	[tilespmem:s25], [sflag:$0x1] =	stream.indirect_vreg.gather [hbm4b:s1+s4], $0x80, v4, vm0, $0xb8;
	[tilespmem:$0x11180] =	vst v63  }
0xcb: {  	v3 =	vperm.xlane v3, v2  }
0xcc: {  	[tilespmem:s26], [sflag:$0x1] =	stream.indirect_vreg.gather [hbm4b:s6+s4], $0x80, v4, vm0, $0xb8;
	[tilespmem:$0x11180] =	vst v63  }
0xcd: {  	v3 =	vadd.s32 v1, v3  }
0xce: {  	[tilespmem:s19], [sflag:$0x1] =	stream.indirect_vreg.gather [hbm4b:s7+s4], $0x80, v4, vm0, $0xb8;
	[tilespmem:$0x11180] =	vst v63  }
0xcf: {  	_ = 	snop  }
0xd0: {  	[tilespmem:s20], [sflag:$0x1] =	stream.indirect_vreg.gather [hbm4b:s8+s4], $0x80, v4, vm0, $0xb8;
	[tilespmem:$0x11180] =	vst v63  }
0xd1: {  	_ = 	snop  }
0xd2: {  	[tilespmem:s21], [sflag:$0x1] =	stream.indirect_vreg.gather [hbm4b:s1+s4], $0x80, v3, vm0, $0xb8;
	[tilespmem:$0x11180] =	vst v63  }
0xd3: {  	_ = 	snop  }
0xd4: {  	[tilespmem:s22], [sflag:$0x1] =	stream.indirect_vreg.gather [hbm4b:s6+s4], $0x80, v3, vm0, $0xb8;
	[tilespmem:$0x11180] =	vst v63  }
0xd5: {  	_ = 	snop  }
0xd6: {  	[tilespmem:s23], [sflag:$0x1] =	stream.indirect_vreg.gather [hbm4b:s7+s4], $0x80, v3, vm0, $0xb8;
	[tilespmem:$0x11180] =	vst v63  }
0xd7: {  	s16 =	simm.s32 $0x2  }
0xd8: {  	[tilespmem:s0], [sflag:$0x1] =	stream.indirect_vreg.gather [hbm4b:s8+s4], $0x80, v3, vm0, $0xb8;
	[tilespmem:$0x11180] =	vst v63  }
0xd9: {  	_ =	swait.ge [sflag:s16], $0x8000  }
0xda: {  	[sflag:s16] =	ssyncset.done $0x0  }
0xdb: {  	s3 =	simm.s32 $0x100;
	s2 =	rddreg [dreg:$0x7];
	[sflag:s16] =	ssyncadd.s32 $0xFFFF8000  }
0xdc: {  	[tilespmem:s3], [sflag:$0x5] =	stream.linear.gather [hbm4b:s2+s4], $0x80, $0x38;
	[tilespmem:$0x11180] =	vst v63  }
0xdd: {  	_ =	swait.ge [sflag:s13], $0x80  }
0xde: {  	[sflag:s13] =	ssyncset.done $0x0  }
0xdf: {  	[sflag:s13] =	ssyncadd.s32 $0xFFFFFF80  }
0xe0: {  	v3 =	vld [tilespmem:$0x100];
	_ =	sdelay $0x4  }
0xe1: {  	v56 =	vshll.u32 v3, $0x3  }
0xe2: {  	v3 =	vand.u32 $0x7, v3;
	v4 =	vand.u32 $0xFFFFFFC0, v56  }
0xe3: {  	v3 =	vor.u32 v3, v4  }
0xe4: {  	v4 =	vperm.xlane v3, v0;
	_ =	sdelay $0x1  }
0xe5: {  	v4 =	vadd.s32 v1, v4;
	_ =	sdelay $0x3  }
0xe6: {  	s3 =	simm.s32 $0x9180  }
0xe7: {  	[hbm4b:s5+s4] =	stream.indirect_vreg.scatter [tilespmem:s3], [sflag:$0x4], $0x80, v4, vm0, $0xb8;
	[tilespmem:$0x11180] =	vst v63  }
0xe8: {  	s2 =	simm.s32 $0x9980;
	v3 =	vperm.xlane v3, v2  }
0xe9: {  	[hbm4b:s9+s4] =	stream.indirect_vreg.scatter [tilespmem:s2], [sflag:$0x4], $0x80, v4, vm0, $0xb8;
	[tilespmem:$0x11180] =	vst v63  }
0xea: {  	s20 =	simm.s32 $0xA180;
	v3 =	vadd.s32 v1, v3  }
0xeb: {  	[hbm4b:s10+s4] =	stream.indirect_vreg.scatter [tilespmem:s20], [sflag:$0x4], $0x80, v4, vm0, $0xb8;
	[tilespmem:$0x11180] =	vst v63  }
0xec: {  	s21 =	simm.s32 $0xA980  }
0xed: {  	[hbm4b:s11+s4] =	stream.indirect_vreg.scatter [tilespmem:s21], [sflag:$0x4], $0x80, v4, vm0, $0xb8;
	[tilespmem:$0x11180] =	vst v63  }
0xee: {  	s22 =	simm.s32 $0xB180  }
0xef: {  	[hbm4b:s5+s4] =	stream.indirect_vreg.scatter [tilespmem:s22], [sflag:$0x4], $0x80, v3, vm0, $0xb8;
	[tilespmem:$0x11180] =	vst v63  }
0xf0: {  	s23 =	simm.s32 $0xB980  }
0xf1: {  	[hbm4b:s9+s4] =	stream.indirect_vreg.scatter [tilespmem:s23], [sflag:$0x4], $0x80, v3, vm0, $0xb8;
	[tilespmem:$0x11180] =	vst v63  }
0xf2: {  	s24 =	simm.s32 $0xC180  }
0xf3: {  	[hbm4b:s10+s4] =	stream.indirect_vreg.scatter [tilespmem:s24], [sflag:$0x4], $0x80, v3, vm0, $0xb8;
	[tilespmem:$0x11180] =	vst v63  }
0xf4: {  	s17 =	simm.s32 $0xC980  }
0xf5: {  	[hbm4b:s11+s4] =	stream.indirect_vreg.scatter [tilespmem:s17], [sflag:$0x4], $0x80, v3, vm0, $0xb8;
	[tilespmem:$0x11180] =	vst v63  }
0xf6: {  	v3 =	vld [tilespmem:$0x110];
	_ =	sdelay $0x4  }
0xf7: {  	v57 =	vshll.u32 v3, $0x3  }
0xf8: {  	v3 =	vand.u32 $0x7, v3;
	v4 =	vand.u32 $0xFFFFFFC0, v57  }
0xf9: {  	v3 =	vor.u32 v3, v4  }
0xfa: {  	v4 =	vperm.xlane v3, v0;
	_ =	sdelay $0x1  }
0xfb: {  	v4 =	vadd.s32 v1, v4;
	_ =	sdelay $0x3  }
0xfc: {  	s29 =	simm.s32 $0xD180  }
0xfd: {  	[hbm4b:s5+s4] =	stream.indirect_vreg.scatter [tilespmem:s29], [sflag:$0x4], $0x80, v4, vm0, $0xb8;
	[tilespmem:$0x11180] =	vst v63  }
0xfe: {  	s0 =	simm.s32 $0xD980;
	v3 =	vperm.xlane v3, v2  }
0xff: {  	[hbm4b:s9+s4] =	stream.indirect_vreg.scatter [tilespmem:s0], [sflag:$0x4], $0x80, v4, vm0, $0xb8;
	[tilespmem:$0x11180] =	vst v63  }
0x100: {  	s25 =	simm.s32 $0xE180;
	v3 =	vadd.s32 v1, v3  }
0x101: {  	[hbm4b:s10+s4] =	stream.indirect_vreg.scatter [tilespmem:s25], [sflag:$0x4], $0x80, v4, vm0, $0xb8;
	[tilespmem:$0x11180] =	vst v63  }
0x102: {  	s26 =	simm.s32 $0xE980  }
0x103: {  	[hbm4b:s11+s4] =	stream.indirect_vreg.scatter [tilespmem:s26], [sflag:$0x4], $0x80, v4, vm0, $0xb8;
	[tilespmem:$0x11180] =	vst v63  }
0x104: {  	s28 =	simm.s32 $0xF180  }
0x105: {  	[hbm4b:s5+s4] =	stream.indirect_vreg.scatter [tilespmem:s28], [sflag:$0x4], $0x80, v3, vm0, $0xb8;
	[tilespmem:$0x11180] =	vst v63  }
0x106: {  	s30 =	simm.s32 $0xF980  }
0x107: {  	[hbm4b:s9+s4] =	stream.indirect_vreg.scatter [tilespmem:s30], [sflag:$0x4], $0x80, v3, vm0, $0xb8;
	[tilespmem:$0x11180] =	vst v63  }
0x108: {  	s31 =	simm.s32 $0x10180  }
0x109: {  	[hbm4b:s10+s4] =	stream.indirect_vreg.scatter [tilespmem:s31], [sflag:$0x4], $0x80, v3, vm0, $0xb8;
	[tilespmem:$0x11180] =	vst v63  }
0x10a: {  	s19 =	simm.s32 $0x10980  }
0x10b: {  	[hbm4b:s11+s4] =	stream.indirect_vreg.scatter [tilespmem:s19], [sflag:$0x4], $0x80, v3, vm0, $0xb8;
	[tilespmem:$0x11180] =	vst v63  }
0x10c: {  	s15 =	rddreg [dreg:$0x8]  }
0x10d: {  	[tilespmem:s12], [sflag:$0x5] =	stream.linear.gather [hbm4b:s15+s4], $0x1000, $0x38;
	[tilespmem:$0x11180] =	vst v63  }
0x10e: {  	_ =	swait.ge [sflag:s13], $0x1000  }
0x10f: {  	[sflag:s13] =	ssyncset.done $0x0  }
0x110: {  	[sflag:s13] =	ssyncadd.s32 $0xFFFFF000  }
0x111: {  	s18 =	simm.s32 $0x100;
	s15 =	simm.s32 $0x20;
	s14 =	rddreg [dreg:$0x2]  }
0x112: {  	[hbm4b:s14+s15] =	stream.indirect.scatter [tilespmem:s12], [sflag:$0x5], $0x80, s18, s15, $0xb8;
	[tilespmem:$0x11180] =	vst v63  }
0x113: {  	_ =	swait.ge [sflag:s13], $0x1000  }
0x114: {  	[sflag:s13] =	ssyncset.done $0x0  }
0x115: {  	s18 =	simm.s32 $0x4;
	[sflag:s13] =	ssyncadd.s32 $0xFFFFF000  }
0x116: {  	_ =	swait.ge [sflag:s18], $0x8000  }
0x117: {  	[sflag:s18] =	ssyncset.done $0x0  }
0x118: {  	[sflag:s18] =	ssyncadd.s32 $0xFFFF8000  }
0x119: {  	v3 =	vld [tilespmem:$0x60];
	_ =	sdelay $0x4  }
0x11a: {  	v58 =	vshll.u32 v3, $0x3  }
0x11b: {  	v3 =	vand.u32 $0x7, v3;
	v4 =	vand.u32 $0xFFFFFFC0, v58  }
0x11c: {  	v3 =	vor.u32 v3, v4  }
0x11d: {  	v4 =	vperm.xlane v3, v0;
	_ =	sdelay $0x1  }
0x11e: {  	v4 =	vadd.s32 v1, v4;
	_ =	sdelay $0x4  }
0x11f: {  	[tilespmem:s3], [sflag:$0x2] =	stream.indirect_vreg.gather [hbm4b:s1+s4], $0x80, v4, vm0, $0xb8;
	[tilespmem:$0x11180] =	vst v63  }
0x120: {  	v3 =	vperm.xlane v3, v2  }
0x121: {  	[tilespmem:s2], [sflag:$0x2] =	stream.indirect_vreg.gather [hbm4b:s6+s4], $0x80, v4, vm0, $0xb8;
	[tilespmem:$0x11180] =	vst v63  }
0x122: {  	v3 =	vadd.s32 v1, v3  }
0x123: {  	[tilespmem:s20], [sflag:$0x2] =	stream.indirect_vreg.gather [hbm4b:s7+s4], $0x80, v4, vm0, $0xb8;
	[tilespmem:$0x11180] =	vst v63  }
0x124: {  	_ = 	snop  }
0x125: {  	[tilespmem:s21], [sflag:$0x2] =	stream.indirect_vreg.gather [hbm4b:s8+s4], $0x80, v4, vm0, $0xb8;
	[tilespmem:$0x11180] =	vst v63  }
0x126: {  	_ = 	snop  }
0x127: {  	[tilespmem:s22], [sflag:$0x2] =	stream.indirect_vreg.gather [hbm4b:s1+s4], $0x80, v3, vm0, $0xb8;
	[tilespmem:$0x11180] =	vst v63  }
0x128: {  	_ = 	snop  }
0x129: {  	[tilespmem:s23], [sflag:$0x2] =	stream.indirect_vreg.gather [hbm4b:s6+s4], $0x80, v3, vm0, $0xb8;
	[tilespmem:$0x11180] =	vst v63  }
0x12a: {  	_ = 	snop  }
0x12b: {  	[tilespmem:s24], [sflag:$0x2] =	stream.indirect_vreg.gather [hbm4b:s7+s4], $0x80, v3, vm0, $0xb8;
	[tilespmem:$0x11180] =	vst v63  }
0x12c: {  	_ = 	snop  }
0x12d: {  	[tilespmem:s17], [sflag:$0x2] =	stream.indirect_vreg.gather [hbm4b:s8+s4], $0x80, v3, vm0, $0xb8;
	[tilespmem:$0x11180] =	vst v63  }
0x12e: {  	v3 =	vld [tilespmem:$0x70];
	_ =	sdelay $0x4  }
0x12f: {  	v59 =	vshll.u32 v3, $0x3  }
0x130: {  	v3 =	vand.u32 $0x7, v3;
	v4 =	vand.u32 $0xFFFFFFC0, v59  }
0x131: {  	v3 =	vor.u32 v3, v4  }
0x132: {  	v4 =	vperm.xlane v3, v0;
	_ =	sdelay $0x1  }
0x133: {  	v4 =	vadd.s32 v1, v4;
	_ =	sdelay $0x4  }
0x134: {  	[tilespmem:s29], [sflag:$0x2] =	stream.indirect_vreg.gather [hbm4b:s1+s4], $0x80, v4, vm0, $0xb8;
	[tilespmem:$0x11180] =	vst v63  }
0x135: {  	v3 =	vperm.xlane v3, v2  }
0x136: {  	[tilespmem:s0], [sflag:$0x2] =	stream.indirect_vreg.gather [hbm4b:s6+s4], $0x80, v4, vm0, $0xb8;
	[tilespmem:$0x11180] =	vst v63  }
0x137: {  	v3 =	vadd.s32 v1, v3  }
0x138: {  	[tilespmem:s25], [sflag:$0x2] =	stream.indirect_vreg.gather [hbm4b:s7+s4], $0x80, v4, vm0, $0xb8;
	[tilespmem:$0x11180] =	vst v63  }
0x139: {  	_ = 	snop  }
0x13a: {  	[tilespmem:s26], [sflag:$0x2] =	stream.indirect_vreg.gather [hbm4b:s8+s4], $0x80, v4, vm0, $0xb8;
	[tilespmem:$0x11180] =	vst v63  }
0x13b: {  	_ = 	snop  }
0x13c: {  	[tilespmem:s28], [sflag:$0x2] =	stream.indirect_vreg.gather [hbm4b:s1+s4], $0x80, v3, vm0, $0xb8;
	[tilespmem:$0x11180] =	vst v63  }
0x13d: {  	_ = 	snop  }
0x13e: {  	[tilespmem:s30], [sflag:$0x2] =	stream.indirect_vreg.gather [hbm4b:s6+s4], $0x80, v3, vm0, $0xb8;
	[tilespmem:$0x11180] =	vst v63  }
0x13f: {  	_ = 	snop  }
0x140: {  	[tilespmem:s31], [sflag:$0x2] =	stream.indirect_vreg.gather [hbm4b:s7+s4], $0x80, v3, vm0, $0xb8;
	[tilespmem:$0x11180] =	vst v63  }
0x141: {  	s31 =	simm.s32 $0x1  }
0x142: {  	[tilespmem:s19], [sflag:$0x2] =	stream.indirect_vreg.gather [hbm4b:s8+s4], $0x80, v3, vm0, $0xb8;
	[tilespmem:$0x11180] =	vst v63  }
0x143: {  	_ =	swait.ge [sflag:s31], $0x8000  }
0x144: {  	[sflag:s31] =	ssyncset.done $0x0  }
0x145: {  	s1 =	rddreg [dreg:$0x9];
	[sflag:s31] =	ssyncadd.s32 $0xFFFF8000;
	s31 =	simm.s32 $0x80  }
0x146: {  	[tilespmem:s31], [sflag:$0x5] =	stream.linear.gather [hbm4b:s1+s4], $0x80, $0x38;
	[tilespmem:$0x11180] =	vst v63  }
0x147: {  	s0 =	rddreg [dreg:$0xd];
	_ =	swait.ge [sflag:s13], $0x80  }
0x148: {  	[sflag:s13] =	ssyncset.done $0x0  }
0x149: {  	[sflag:s13] =	ssyncadd.s32 $0xFFFFFF80  }
0x14a: {  	v3 =	vld [tilespmem:$0x80];
	_ =	sdelay $0x4  }
0x14b: {  	v60 =	vshll.u32 v3, $0x3  }
0x14c: {  	v3 =	vand.u32 $0x7, v3;
	v4 =	vand.u32 $0xFFFFFFC0, v60  }
0x14d: {  	v3 =	vor.u32 v3, v4  }
0x14e: {  	v4 =	vperm.xlane v3, v0;
	_ =	sdelay $0x1  }
0x14f: {  	v4 =	vadd.s32 v1, v4;
	_ =	sdelay $0x3  }
0x150: {  	s15 =	simm.s32 $0x1180  }
0x151: {  	[hbm4b:s5+s4] =	stream.indirect_vreg.scatter [tilespmem:s15], [sflag:$0x3], $0x80, v4, vm0, $0xb8;
	[tilespmem:$0x11180] =	vst v63  }
0x152: {  	s19 =	simm.s32 $0x1980;
	v3 =	vperm.xlane v3, v2  }
0x153: {  	[hbm4b:s9+s4] =	stream.indirect_vreg.scatter [tilespmem:s19], [sflag:$0x3], $0x80, v4, vm0, $0xb8;
	[tilespmem:$0x11180] =	vst v63  }
0x154: {  	s14 =	simm.s32 $0x2180;
	v3 =	vadd.s32 v1, v3  }
0x155: {  	[hbm4b:s10+s4] =	stream.indirect_vreg.scatter [tilespmem:s14], [sflag:$0x3], $0x80, v4, vm0, $0xb8;
	[tilespmem:$0x11180] =	vst v63  }
0x156: {  	s15 =	simm.s32 $0x2980  }
0x157: {  	[hbm4b:s11+s4] =	stream.indirect_vreg.scatter [tilespmem:s15], [sflag:$0x3], $0x80, v4, vm0, $0xb8;
	[tilespmem:$0x11180] =	vst v63  }
0x158: {  	s19 =	simm.s32 $0x3180  }
0x159: {  	[hbm4b:s5+s4] =	stream.indirect_vreg.scatter [tilespmem:s19], [sflag:$0x3], $0x80, v3, vm0, $0xb8;
	[tilespmem:$0x11180] =	vst v63  }
0x15a: {  	s14 =	simm.s32 $0x3980  }
0x15b: {  	[hbm4b:s9+s4] =	stream.indirect_vreg.scatter [tilespmem:s14], [sflag:$0x3], $0x80, v3, vm0, $0xb8;
	[tilespmem:$0x11180] =	vst v63  }
0x15c: {  	s15 =	simm.s32 $0x4180  }
0x15d: {  	[hbm4b:s10+s4] =	stream.indirect_vreg.scatter [tilespmem:s15], [sflag:$0x3], $0x80, v3, vm0, $0xb8;
	[tilespmem:$0x11180] =	vst v63  }
0x15e: {  	s19 =	simm.s32 $0x4980  }
0x15f: {  	[hbm4b:s11+s4] =	stream.indirect_vreg.scatter [tilespmem:s19], [sflag:$0x3], $0x80, v3, vm0, $0xb8;
	[tilespmem:$0x11180] =	vst v63  }
0x160: {  	v3 =	vld [tilespmem:$0x90];
	_ =	sdelay $0x4  }
0x161: {  	v61 =	vshll.u32 v3, $0x3  }
0x162: {  	v3 =	vand.u32 $0x7, v3;
	v4 =	vand.u32 $0xFFFFFFC0, v61  }
0x163: {  	v3 =	vor.u32 v3, v4  }
0x164: {  	v4 =	vperm.xlane v3, v0;
	_ =	sdelay $0x1  }
0x165: {  	v4 =	vadd.s32 v1, v4;
	_ =	sdelay $0x3  }
0x166: {  	s14 =	simm.s32 $0x5180  }
0x167: {  	[hbm4b:s5+s4] =	stream.indirect_vreg.scatter [tilespmem:s14], [sflag:$0x3], $0x80, v4, vm0, $0xb8;
	[tilespmem:$0x11180] =	vst v63  }
0x168: {  	s15 =	simm.s32 $0x5980;
	v3 =	vperm.xlane v3, v2  }
0x169: {  	[hbm4b:s9+s4] =	stream.indirect_vreg.scatter [tilespmem:s15], [sflag:$0x3], $0x80, v4, vm0, $0xb8;
	[tilespmem:$0x11180] =	vst v63  }
0x16a: {  	s19 =	simm.s32 $0x6180;
	v3 =	vadd.s32 v1, v3  }
0x16b: {  	[hbm4b:s10+s4] =	stream.indirect_vreg.scatter [tilespmem:s19], [sflag:$0x3], $0x80, v4, vm0, $0xb8;
	[tilespmem:$0x11180] =	vst v63  }
0x16c: {  	s14 =	simm.s32 $0x6980  }
0x16d: {  	[hbm4b:s11+s4] =	stream.indirect_vreg.scatter [tilespmem:s14], [sflag:$0x3], $0x80, v4, vm0, $0xb8;
	[tilespmem:$0x11180] =	vst v63  }
0x16e: {  	s15 =	simm.s32 $0x7180  }
0x16f: {  	[hbm4b:s5+s4] =	stream.indirect_vreg.scatter [tilespmem:s15], [sflag:$0x3], $0x80, v3, vm0, $0xb8;
	[tilespmem:$0x11180] =	vst v63  }
0x170: {  	s19 =	simm.s32 $0x7980  }
0x171: {  	[hbm4b:s9+s4] =	stream.indirect_vreg.scatter [tilespmem:s19], [sflag:$0x3], $0x80, v3, vm0, $0xb8;
	[tilespmem:$0x11180] =	vst v63  }
0x172: {  	s14 =	simm.s32 $0x8180  }
0x173: {  	[hbm4b:s10+s4] =	stream.indirect_vreg.scatter [tilespmem:s14], [sflag:$0x3], $0x80, v3, vm0, $0xb8;
	[tilespmem:$0x11180] =	vst v63  }
0x174: {  	s19 =	simm.s32 $0x8980  }
0x175: {  	[hbm4b:s11+s4] =	stream.indirect_vreg.scatter [tilespmem:s19], [sflag:$0x3], $0x80, v3, vm0, $0xb8;
	[tilespmem:$0x11180] =	vst v63  }
0x176: {  	s15 =	rddreg [dreg:$0xa]  }
0x177: {  	[tilespmem:s12], [sflag:$0x5] =	stream.linear.gather [hbm4b:s15+s4], $0x1000, $0x38;
	[tilespmem:$0x11180] =	vst v63  }
0x178: {  	_ =	swait.ge [sflag:s13], $0x1000  }
0x179: {  	[sflag:s13] =	ssyncset.done $0x0  }
0x17a: {  	[sflag:s13] =	ssyncadd.s32 $0xFFFFF000  }
0x17b: {  	s1 =	simm.s32 $0x20;
	s19 =	rddreg [dreg:$0x2]  }
0x17c: {  	[hbm4b:s19+s1] =	stream.indirect.scatter [tilespmem:s12], [sflag:$0x5], $0x80, s31, s1, $0xb8;
	[tilespmem:$0x11180] =	vst v63  }
0x17d: {  	_ =	swait.ge [sflag:s13], $0x1000  }
0x17e: {  	[sflag:s13] =	ssyncset.done $0x0  }
0x17f: {  	[sflag:s13] =	ssyncadd.s32 $0xFFFFF000  }
0x180: {  	_ =	swait.ge [sflag:s16], $0x8000  }
0x181: {  	[sflag:s16] =	ssyncset.done $0x0  }
0x182: {  	s15 =	rddreg [dreg:$0xb];
	[sflag:s16] =	ssyncadd.s32 $0xFFFF8000;
	s16 =	simm.s32 $0x100  }
0x183: {  	[tilespmem:s16], [sflag:$0x5] =	stream.linear.gather [hbm4b:s15+s4], $0x80, $0x38;
	[tilespmem:$0x11180] =	vst v63  }
0x184: {  	_ =	swait.ge [sflag:s13], $0x80  }
0x185: {  	[sflag:s13] =	ssyncset.done $0x0  }
0x186: {  	[sflag:s13] =	ssyncadd.s32 $0xFFFFFF80  }
0x187: {  	v3 =	vld [tilespmem:$0x100];
	_ =	sdelay $0x4  }
0x188: {  	v62 =	vshll.u32 v3, $0x3  }
0x189: {  	v3 =	vand.u32 $0x7, v3;
	v4 =	vand.u32 $0xFFFFFFC0, v62  }
0x18a: {  	v3 =	vor.u32 v3, v4  }
0x18b: {  	v4 =	vperm.xlane v3, v0;
	_ =	sdelay $0x1  }
0x18c: {  	v4 =	vadd.s32 v1, v4;
	_ =	sdelay $0x3  }
0x18d: {  	s31 =	simm.s32 $0x9180  }
0x18e: {  	[hbm4b:s5+s4] =	stream.indirect_vreg.scatter [tilespmem:s31], [sflag:$0x4], $0x80, v4, vm0, $0xb8;
	[tilespmem:$0x11180] =	vst v63  }
0x18f: {  	s3 =	simm.s32 $0x9980;
	v3 =	vperm.xlane v3, v2  }
0x190: {  	[hbm4b:s9+s4] =	stream.indirect_vreg.scatter [tilespmem:s3], [sflag:$0x4], $0x80, v4, vm0, $0xb8;
	[tilespmem:$0x11180] =	vst v63  }
0x191: {  	s15 =	simm.s32 $0xA180;
	v3 =	vadd.s32 v1, v3  }
0x192: {  	[hbm4b:s10+s4] =	stream.indirect_vreg.scatter [tilespmem:s15], [sflag:$0x4], $0x80, v4, vm0, $0xb8;
	[tilespmem:$0x11180] =	vst v63  }
0x193: {  	s20 =	simm.s32 $0xA980  }
0x194: {  	[hbm4b:s11+s4] =	stream.indirect_vreg.scatter [tilespmem:s20], [sflag:$0x4], $0x80, v4, vm0, $0xb8;
	[tilespmem:$0x11180] =	vst v63  }
0x195: {  	s21 =	simm.s32 $0xB180  }
0x196: {  	[hbm4b:s5+s4] =	stream.indirect_vreg.scatter [tilespmem:s21], [sflag:$0x4], $0x80, v3, vm0, $0xb8;
	[tilespmem:$0x11180] =	vst v63  }
0x197: {  	s22 =	simm.s32 $0xB980  }
0x198: {  	[hbm4b:s9+s4] =	stream.indirect_vreg.scatter [tilespmem:s22], [sflag:$0x4], $0x80, v3, vm0, $0xb8;
	[tilespmem:$0x11180] =	vst v63  }
0x199: {  	s23 =	simm.s32 $0xC180  }
0x19a: {  	[hbm4b:s10+s4] =	stream.indirect_vreg.scatter [tilespmem:s23], [sflag:$0x4], $0x80, v3, vm0, $0xb8;
	[tilespmem:$0x11180] =	vst v63  }
0x19b: {  	s2 =	simm.s32 $0xC980  }
0x19c: {  	[hbm4b:s11+s4] =	stream.indirect_vreg.scatter [tilespmem:s2], [sflag:$0x4], $0x80, v3, vm0, $0xb8;
	[tilespmem:$0x11180] =	vst v63  }
0x19d: {  	v3 =	vld [tilespmem:$0x110];
	_ =	sdelay $0x4  }
0x19e: {  	v63 =	vshll.u32 v3, $0x3  }
0x19f: {  	v3 =	vand.u32 $0x7, v3;
	v4 =	vand.u32 $0xFFFFFFC0, v63  }
0x1a0: {  	v3 =	vor.u32 v3, v4  }
0x1a1: {  	v4 =	vperm.xlane v3, v0;
	_ =	sdelay $0x1  }
0x1a2: {  	v4 =	vadd.s32 v1, v4;
	_ =	sdelay $0x3  }
0x1a3: {  	s17 =	simm.s32 $0xD180  }
0x1a4: {  	[hbm4b:s5+s4] =	stream.indirect_vreg.scatter [tilespmem:s17], [sflag:$0x4], $0x80, v4, vm0, $0xb8;
	[tilespmem:$0x11180] =	vst v63  }
0x1a5: {  	s29 =	simm.s32 $0xD980;
	v3 =	vperm.xlane v3, v2  }
0x1a6: {  	[hbm4b:s9+s4] =	stream.indirect_vreg.scatter [tilespmem:s29], [sflag:$0x4], $0x80, v4, vm0, $0xb8;
	[tilespmem:$0x11180] =	vst v63  }
0x1a7: {  	s24 =	simm.s32 $0xE180;
	v3 =	vadd.s32 v1, v3  }
0x1a8: {  	[hbm4b:s10+s4] =	stream.indirect_vreg.scatter [tilespmem:s24], [sflag:$0x4], $0x80, v4, vm0, $0xb8;
	[tilespmem:$0x11180] =	vst v63  }
0x1a9: {  	s25 =	simm.s32 $0xE980  }
0x1aa: {  	[hbm4b:s11+s4] =	stream.indirect_vreg.scatter [tilespmem:s25], [sflag:$0x4], $0x80, v4, vm0, $0xb8;
	[tilespmem:$0x11180] =	vst v63  }
0x1ab: {  	s26 =	simm.s32 $0xF180  }
0x1ac: {  	[hbm4b:s5+s4] =	stream.indirect_vreg.scatter [tilespmem:s26], [sflag:$0x4], $0x80, v3, vm0, $0xb8;
	[tilespmem:$0x11180] =	vst v63  }
0x1ad: {  	s28 =	simm.s32 $0xF980  }
0x1ae: {  	[hbm4b:s9+s4] =	stream.indirect_vreg.scatter [tilespmem:s28], [sflag:$0x4], $0x80, v3, vm0, $0xb8;
	[tilespmem:$0x11180] =	vst v63  }
0x1af: {  	s30 =	simm.s32 $0x10180  }
0x1b0: {  	[hbm4b:s10+s4] =	stream.indirect_vreg.scatter [tilespmem:s30], [sflag:$0x4], $0x80, v3, vm0, $0xb8;
	[tilespmem:$0x11180] =	vst v63  }
0x1b1: {  	s30 =	simm.s32 $0x10980  }
0x1b2: {  	[hbm4b:s11+s4] =	stream.indirect_vreg.scatter [tilespmem:s30], [sflag:$0x4], $0x80, v3, vm0, $0xb8;
	[tilespmem:$0x11180] =	vst v63  }
0x1b3: {  	s29 =	rddreg [dreg:$0xc]  }
0x1b4: {  	[tilespmem:s12], [sflag:$0x5] =	stream.linear.gather [hbm4b:s29+s4], $0x1000, $0x38;
	[tilespmem:$0x11180] =	vst v63  }
0x1b5: {  	_ =	swait.ge [sflag:s13], $0x1000  }
0x1b6: {  	[sflag:s13] =	ssyncset.done $0x0  }
0x1b7: {  	[sflag:s13] =	ssyncadd.s32 $0xFFFFF000  }
0x1b8: {  	[hbm4b:s19+s1] =	stream.indirect.scatter [tilespmem:s12], [sflag:$0x5], $0x80, s16, s1, $0xb8;
	[tilespmem:$0x11180] =	vst v63  }
0x1b9: {  	_ =	swait.ge [sflag:s13], $0x1000  }
0x1ba: {  	[sflag:s13] =	ssyncset.done $0x0  }
0x1bb: {  	s31 =	simm.s32 $0x3;
	[sflag:s13] =	ssyncadd.s32 $0xFFFFF000  }
0x1bc: {  	p0 =	sne.s32 s0, $0x1;
	_ =	swait.ge [sflag:s31], $0x8000  }
.Ltmp0:
0x1bd: {  	[sflag:s31] =	ssyncset.done $0x0;
	(pc) =	sbr.rel @p0 .LBB2_1-.Ltmp0, $4  }
0x1be: {  	[sflag:s31] =	ssyncadd.s32 $0xFFFF8000  }
0x1bf: {  	_ =	swait.ge [sflag:s18], $0x8000  }
0x1c0: {  	[sflag:s18] =	ssyncset.done $0x0  }
0x1c1: {  	s0 =	sadd.s32 $0xFFFFFFFF, s0;
	[sflag:s18] =	ssyncadd.s32 $0xFFFF8000  }
0x1c2: {  	_ =	sfence.sel $0x180000  }
0x1c3: {  	[bflag:$0x0] =	sbarrier.arrive $0xFFFF  }
0x1c4: {  	_ =	strace $0x90000047  }
0x1c5: {  	s0 =	stileid.u32;
	[bflag:$0x2] =	sbarrier.arrive $0xFFFF  }
0x1c6: {  	p0 =	sne.s32 s0, $0x0;
	s0 =	rddreg [dreg:$0x3]  }
0x1c7: {  	s0 =	sadd.s32 @!p0 $0x100000, s0  }
0x1c8: {  	[sflag:s0] =	ssyncadd.tile.s32 @!p0 $0x1;
	_ =	shalt  }
.Lfunc_end2:
_tile_overlayer_lowered:
.L_overlay_start_2:
0x1c9: {  	(tag) =	ssettag $0x2  }
0x1ca: {  	s0 =	rddreg [dreg:$0x0];
	s2 =	stileid.u32  }
0x1cb: {  	s1 =	rddreg [dreg:$0x1];
	p0 =	sne.s32 s2, $0x0  }
0x1cc: {  	s3 =	rddreg [dreg:$0x2];
	[bflag:$0x3] =	sbarrier.arrive $0xFFFF;
	s2 =	simm.s32 @!p0 $0x1C05  }
0x1cd: {  	[timem:s3], [sflag:s2] =	dma.local @!p0 [hbm:s0], s1  }
0x1ce: {  	s0 =	simm.s32 @!p0 $0x5  }
0x1cf: {  	_ =	swait.ge @!p0 [sflag:s0], s1  }
0x1d0: {  	s1 =	ssub.s32 @!p0 $0x0, s1;
	[sflag:s0] =	ssyncset.done @!p0 $0x0  }
0x1d1: {  	[sflag:s0] =	ssyncadd.s32 @!p0 s1  }
0x1d2: {  	[bflag:$0x3] =	sbarrier.arrive $0xFFFF  }
0x1d3: {  	_ =	shalt  }

// kernel: kernel.9.cloned.1.call-start
scs
__scs_entry_jumppad:
0x0: {  	(pc) =	sbr.rel $0x88, $3  }
0x1: {  	(tag) =	ssettag $0x0;
	lr =	simm.s32 $0x1  }
0x2: {  	[smem:$0x3F9C] =	sst lr;
	_ =	strace $0xD0000000  }
0x3: {  	_ = 	snop  }
0x4: {  	_ = 	snop  }
0x5: {  	_ = 	snop  }
0x6: {  	_ = 	snop  }
0x7: {  	_ = 	snop  }
__scs_overlays_trampoline_lowered:
0x8: {  	[smem:$0x3FAB] =	sst s0  }
0x9: {  	[smem:$0x3FAC] =	sst s1  }
0xa: {  	[smem:$0x3FAD] =	sst s2  }
0xb: {  	[smem:$0x3FAE] =	sst s3  }
0xc: {  	[smem:$0x3FAF] =	sst s4  }
0xd: {  	[smem:$0x3FB0] =	sst s5  }
0xe: {  	[smem:$0x3FB1] =	sst s6  }
0xf: {  	[smem:$0x3FB2] =	sst s7  }
0x10: {  	[smem:$0x3FB3] =	sst s8  }
0x11: {  	[smem:$0x3FB4] =	sst s9;
	s0 =	simm.s32 @!p0 $0x0  }
0x12: {  	s1 =	sld [smem:$0x3F9A];
	s0 =	simm.s32 @p0 $0x1  }
0x13: {  	[smem:$0x3FB5] =	sst s0;
	s0 =	simm.s32 @!p1 $0x0  }
0x14: {  	s2 =	sld [smem:$0x3F99];
	s0 =	simm.s32 @p1 $0x1  }
0x15: {  	[smem:$0x3FB6] =	sst s0;
	s0 =	simm.s32 @!p2 $0x0  }
0x16: {  	s3 =	sld [smem:$0x3FDB];
	s0 =	simm.s32 @p2 $0x1  }
0x17: {  	s4 =	simm.s32 $0x1BF5;
	[smem:$0x3FB8] =	sst s0  }
0x18: {  	s0 =	sld [smem:$0x3F9B];
	_ =	swait.ge [sflag:s4], $0x0  }
0x19: {  	s7 =	sld [smem:$0x3F9C]  }
0x1a: {  	s8 =	sadd.s32 $0xFFFFE003, lr  }
0x1b: {  	s9 =	sadd.s32 $0xFFFFFEF7, lr;
	s5 =	simm.s32 $0xFFFFFFFF;
	p2 =	slt.u32 s8, $0xFFFFF086  }
0x1c: {  	p1 =	slt.u32 s9, $0xF7A;
	s5 =	simm.s32 @!p2 $0x0  }
0x1d: {  	s5 =	simm.s32 @p1 $0x1;
	p0 =	seq.s32 s7, s2  }
0x1e: {  	s7 =	smul.u32 @!p0 $0xF7A, s2;
	p2 =	seq.s32 @!p0 s5, $0x0  }
0x1f: {  	s9 =	smul.u32 $0xF7A, s1;
	s8 =	simm.s32 @!p0 $0x1BF5;
	p2 =	por !p2, p0  }
0x20: {  	[sflag:s8] =	ssyncset.s32 @!p0 $0xFFFFF086;
	s6 =	sadd.s32 @!p0 s3, s7;
	s7 =	simm.s32 @!p0 $0x108  }
0x21: {  	s3 =	sadd.s32 s3, s9;
	s6 =	sadd.s32 @!p0 $0x88, s6;
	s7 =	simm.s32 @p2 $0x1082  }
0x22: {  	[simem:s7], [sflag:s8] =	dma.local @!p0 [hbm:s6], $0xF7A  }
0x23: {  	s9 =	sor.u32 $0xD0000000, s2;
	s6 =	simm.s32 $0x108;
	_ =	swait.ge @!p0 [sflag:s8], $0x0  }
0x24: {  	s3 =	sadd.s32 $0x88, s3;
	s6 =	simm.s32 @!p1 $0x1082;
	[sflag:s4] =	ssyncset.s32 $0xFFFFF086  }
0x25: {  	[simem:s6], [sflag:s4] =	dma.local [hbm:s3], $0xF7A  }
0x26: {  	[smem:$0x3F9C] =	sst s1;
	(tag) =	ssettag s2;
	_ =	strace s9  }
0x27: {  	s1 =	sld [smem:$0x3FAC]  }
0x28: {  	s2 =	sld [smem:$0x3FAD]  }
0x29: {  	s4 =	sld [smem:$0x3FAF]  }
0x2a: {  	p0 =	seq.s32 s5, $0x0;
	s5 =	sld [smem:$0x3FB0]  }
0x2b: {  	s6 =	sld [smem:$0x3FB1]  }
0x2c: {  	s7 =	sld [smem:$0x3FB2]  }
0x2d: {  	s3 =	simm.s32 $0x108;
	s8 =	sld [smem:$0x3FB3]  }
0x2e: {  	s3 =	simm.s32 @!p0 $0x1082;
	s9 =	sld [smem:$0x3FB4]  }
0x2f: {  	lr =	sadd.s32 s0, s3;
	s0 =	sld [smem:$0x3FAB]  }
0x30: {  	s3 =	sld [smem:$0x3FAE]  }
0x31: {  	[smem:$0x3FB7] =	sst s10  }
0x32: {  	s10 =	sld [smem:$0x3FB5];
	_ =	sdelay $0x3  }
0x33: {  	p0 =	seq.s32 s10, $0x1;
	s10 =	sld [smem:$0x3FB7];
	_ =	sdelay $0x3  }
0x34: {  	[smem:$0x3FB7] =	sst s10  }
0x35: {  	s10 =	sld [smem:$0x3FB6];
	_ =	sdelay $0x3  }
0x36: {  	p1 =	seq.s32 s10, $0x1;
	s10 =	sld [smem:$0x3FB7];
	_ =	sdelay $0x3  }
0x37: {  	[smem:$0x3FB7] =	sst s10  }
0x38: {  	s10 =	sld [smem:$0x3FB8]  }
0x39: {  	_ = 	snop;
	(pc) =	sbr.ind lr, $3  }
0x3a: {  	_ = 	snop  }
0x3b: {  	_ = 	snop  }
0x3c: {  	p2 =	seq.s32 s10, $0x1;
	s10 =	sld [smem:$0x3FB7]  }
0x3d: {  	_ =	shalt  }
0x3e: {  	_ =	shalt  }
0x3f: {  	_ =	shalt  }
0x40: {  	_ =	shalt  }
0x41: {  	_ =	shalt  }
0x42: {  	_ =	shalt  }
0x43: {  	_ =	shalt  }
0x44: {  	_ =	shalt  }
0x45: {  	_ =	shalt  }
0x46: {  	_ =	shalt  }
0x47: {  	_ =	shalt  }
0x48: {  	_ =	shalt  }
0x49: {  	_ =	shalt  }
0x4a: {  	_ =	shalt  }
0x4b: {  	_ =	shalt  }
0x4c: {  	_ =	shalt  }
0x4d: {  	_ =	shalt  }
0x4e: {  	_ =	shalt  }
0x4f: {  	_ =	shalt  }
0x50: {  	_ =	shalt  }
0x51: {  	_ =	shalt  }
0x52: {  	_ =	shalt  }
0x53: {  	_ =	shalt  }
0x54: {  	_ =	shalt  }
0x55: {  	_ =	shalt  }
0x56: {  	_ =	shalt  }
0x57: {  	_ =	shalt  }
0x58: {  	_ =	shalt  }
0x59: {  	_ =	shalt  }
0x5a: {  	_ =	shalt  }
0x5b: {  	_ =	shalt  }
0x5c: {  	_ =	shalt  }
0x5d: {  	_ =	shalt  }
0x5e: {  	_ =	shalt  }
0x5f: {  	_ =	shalt  }
0x60: {  	_ =	shalt  }
0x61: {  	_ =	shalt  }
0x62: {  	_ =	shalt  }
0x63: {  	_ =	shalt  }
0x64: {  	_ =	shalt  }
0x65: {  	_ =	shalt  }
0x66: {  	_ =	shalt  }
0x67: {  	_ =	shalt  }
0x68: {  	_ =	shalt  }
0x69: {  	_ =	shalt  }
0x6a: {  	_ =	shalt  }
0x6b: {  	_ =	shalt  }
0x6c: {  	_ =	shalt  }
0x6d: {  	_ =	shalt  }
0x6e: {  	_ =	shalt  }
0x6f: {  	_ =	shalt  }
0x70: {  	_ =	shalt  }
0x71: {  	_ =	shalt  }
0x72: {  	_ =	shalt  }
0x73: {  	_ =	shalt  }
0x74: {  	_ =	shalt  }
0x75: {  	_ =	shalt  }
0x76: {  	_ =	shalt  }
0x77: {  	_ =	shalt  }
0x78: {  	_ =	shalt  }
0x79: {  	_ =	shalt  }
0x7a: {  	_ =	shalt  }
0x7b: {  	_ =	shalt  }
0x7c: {  	_ =	shalt  }
0x7d: {  	_ =	shalt  }
0x7e: {  	_ =	shalt  }
0x7f: {  	_ =	shalt  }
0x80: {  	_ =	shalt  }
0x81: {  	_ =	shalt  }
0x82: {  	_ =	shalt  }
0x83: {  	_ =	shalt  }
0x84: {  	_ =	shalt  }
0x85: {  	_ =	shalt  }
0x86: {  	_ =	shalt  }
0x87: {  	_ =	shalt  }
.Lfunc_end0:
.L_simem_size_0:
called_computation.1_lowered:
.L_overlay_start_0:
0x88: {  	s2 =	sld [smem:$0x3FD9]  }
0x89: {  	s3 =	sld [smem:$0x3FFE];
	_ =	sdelay $0x1  }
0x8a: {  	s1 =	srdreg.scid  }
0x8b: {  	s0 =	sand.u32 $0x1, s1  }
0x8c: {  	s17 =	sshll.u32 s0, $0xA;
	s2 =	sadd.s32 s3, s2  }
0x8d: {  	s2 =	sadd.s32 s2, s17  }
0x8e: {  	[smem:$0x3FC3] =	sst s2  }
0x8f: {  	_ = 	snop  }
0x90: {  	s2 =	sld [smem:$0x3FD0];
	(tm) =	ssettm $0x1  }
0x91: {  	s18 =	sld [smem:$0x3FFB];
	_ =	sdelay $0x3  }
0x92: {  	_ =	strace s18  }
0x93: {  	s3 =	sld [smem:$0x3FFC];
	_ =	sdelay $0x3  }
0x94: {  	_ =	strace s3  }
0x95: {  	s3 =	sld [smem:$0x3FFD];
	_ =	sdelay $0x3  }
0x96: {  	_ =	strace s3  }
0x97: {  	_ =	strace $0x8FFFFFFF  }
0x98: {  	s19 =	sld [smem:$0x3FDB];
	_ =	sdelay $0x1  }
0x99: {  	s4 =	simm.s32 $_scs_section_size  }
0x9a: {  	s5 =	simm.s32 $_size__tile_overlayer_lowered;
	s6 =	simm.s32 $_tile_overlayer_lowered  }
0x9b: {  	s22 =	simm.s32 $0x1BFF;
	s21 =	sshll.u32 s6, $0x1;
	s3 =	sadd.s32 s4, s19  }
0x9c: {  	s7 =	simm.s32 $0x0;
	s20 =	sshll.u32 s5, $0x1;
	s5 =	sadd.s32 s21, s3  }
0x9d: {  	[timem:s7], [sflag:s22] =	dma.local [hbm:s5], s20  }
0x9e: {  	_ =	swait.ge [sflag:s22], s20  }
0x9f: {  	s4 =	ssub.s32 $0x0, s20;
	[sflag:s22] =	ssyncset.done $0x0  }
0xa0: {  	[sflag:s22] =	ssyncadd.s32 s4;
	_ =	sdelay $0x1  }
0xa1: {  	s23 =	simm.s32 $0x1B8B  }
0xa2: {  	_ =	swait.ge [sflag:s23], $0x1  }
0xa3: {  	[sflag:s23] =	ssyncset.done $0x0  }
0xa4: {  	s25 =	simm.s32 $0x1B8E;
	s24 =	sld [smem:$0x3FFE];
	[sflag:s23] =	ssyncadd.s32 $0xFFFFFFFF  }
0xa5: {  	s26 =	simm.s32 $execute0_lowered;
	[smem:$0x3FD2] =	sst s25  }
0xa6: {  	s5 =	sshll.u32 s26, $0x1;
	_ =	strace $0x80000049;
	[dreg:$0x1] =	wrdreg $0xFFFFFFFF  }
0xa7: {  	s28 =	simm.s32 $_size_execute0_lowered;
	s3 =	sadd.s32 s3, s5;
	[dreg:$0x0] =	wrdreg $0x0  }
0xa8: {  	s5 =	sshll.u32 s28, $0x1;
	[dreg:$0x2] =	wrdreg s3  }
0xa9: {  	[dreg:$0x3] =	wrdreg s5  }
0xaa: {  	[dreg:$0x4] =	wrdreg $0xC0  }
0xab: {  	_ =	task [dreg:s7], $0x5FFFF  }
0xac: {  	[dreg:$0x1] =	wrdreg $0xFFFFFFFF  }
0xad: {  	[dreg:$0x0] =	wrdreg $0x60  }
0xae: {  	[dreg:$0x2] =	wrdreg s24  }
0xaf: {  	[dreg:$0x3] =	wrdreg s2  }
0xb0: {  	[dreg:$0x4] =	wrdreg $0x9  }
0xb1: {  	_ =	task.clear_ibuf [dreg:s7], $0x5FFFF;
	_ =	strace $0x90000049  }
0xb2: {  	s29 =	simm.s32 $0x9;
	_ =	strace $0x8000004B  }
0xb3: {  	_ =	swait.ge [sflag:s29], $0x1  }
0xb4: {  	[sflag:s29] =	ssyncadd.s32 $0xFFFFFFFF  }
0xb5: {  	_ =	strace $0x9000004B  }
0xb6: {  	_ =	sfence  }
0xb7: {  	s30 =	sld [smem:$0x0];
	_ =	sdelay $0x2  }
0xb8: {  	s31 =	sshll.u32 s1, $0xD;
	s1 =	sshrl.u32 s1, $0x2  }
0xb9: {  	s3 =	sand.u32 $0x4000, s31;
	s1 =	sadd.s32 s1, s30  }
0xba: {  	s0 =	sor.u32 s3, s0;
	s1 =	sshll.u32 s1, $0x11  }
0xbb: {  	s0 =	sor.u32 s1, s0  }
0xbc: {  	s0 =	sadd.s32 $0x8F2B, s0  }
0xbd: {  	[sflag:s0] =	ssyncadd.remote.s32 $0x1  }
0xbe: {  	_ =	sfence.sel $0xFFFF  }
0xbf: {  	[dreg:$0x0] =	wrdreg $0xFFFFFFFF;
	(pc) =	sbr.abs _section_cstart, $3  }
0xc0: {  	[dreg:$0x1] =	wrdreg $0xFFFFFFFF  }
0xc1: {  	_ =	task.clear_ibuf [dreg:s7], $0x2FFFF;
	_ =	strace $0x9FFFFFFF  }
0xc2: {  	(tm) =	ssettm $0x7FFFFFFF  }
0xc3: {  	_ =	shalt  }
tec
execute0_lowered:
.L_overlay_start_1:
0x0: {  	(tag) =	ssettag $0x1  }
0x1: {  	s0 =	rddreg [dreg:$0x0];
	s1 =	simm.s32 $0x0  }
0x2: {  	s29 =	srdreg.scid;
	s7 =	stileid.u32;
	s12 =	simm.s32 $0x2  }
0x3: {  	s14 =	simm.s32 $0x100;
	s31 =	simm.s32 $0x1;
	s13 =	simm.s32 $0xA900  }
0x4: {  	s15 =	simm.s32 $0xB100;
	s16 =	simm.s32 $0xB900;
	s17 =	simm.s32 $0xC100  }
0x5: {  	s18 =	simm.s32 $0xC900;
	s19 =	simm.s32 $0xD100;
	s20 =	simm.s32 $0xD900  }
0x6: {  	s21 =	simm.s32 $0xE100;
	s22 =	simm.s32 $0xE900;
	s23 =	simm.s32 $0xF100  }
0x7: {  	s24 =	simm.s32 $0xF900;
	[smem:$0x7FF] =	sst s1;
	s4 =	sadd.s32 $0x190E00, s0  }
0x8: {  	s5 =	sadd.s32 $0x190C00, s0;
	s1 =	sand.u32 $0x1, s29;
	s6 =	sadd.s32 $0x190A00, s0  }
0x9: {  	s7 =	sshll.u32 s7, $0x7;
	s8 =	sadd.s32 $0x190F00, s0;
	s2 =	ssub.s32 $0x2, s1  }
0xa: {  	s9 =	sadd.s32 $0x191000, s0;
	s10 =	sadd.s32 $0x191100, s0;
	s3 =	sshrl.u32 s2, $0x1  }
0xb: {  	v2 =	vlaneseq.u32;
	_ =	strace $0x8000004A;
	s1 =	sshll.u32 s1, $0x6;
	s2 =	ssub.s32 s2, s3  }
0xc: {  	vm0 =	vmmov $0xffff;
	v1 =	vshrl.u32 v2, $0x3;
	s7 =	sor.u32 s1, s7;
	s1 =	simm.s32 $0x9900;
	s30 =	smax.u32 s2, $0x1  }
0xd: {  	v0 =	vand.u32 $0x7, v2;
	v2 =	vor.u32 $0x8, v2;
	v1 =	vmul.u32 $0x8, v1;
	s3 =	simm.s32 $0x0;
	s2 =	simm.s32 $0xA100;
	[dreg:$0x3] =	wrdreg s30  }
.LBB2_1:
0xe: {  	[dreg:$0x4] =	wrdreg s3;
	p1 =	por $0x1, $0x1;
	s0 =	simm.s32 $0x0  }
.LBB2_2:
0xf: {  	s25 =	sor.u32 s7, s0  }
0x10: {  	s0 =	sshrl.u32 s25, $0x3  }
0x11: {  	s26 =	simm.s32 $0x0;
	s28 =	sadd.s32 s5, s0  }
0x12: {  	[tilespmem:s26], [sflag:$0x2] =	stream.linear.gather [hbm4b:s28+s26], $0x20, $0x38;
	[tilespmem:$0x10100] =	vst v63  }
0x13: {  	_ =	swait.ge [sflag:s12], $0x20  }
0x14: {  	[sflag:s12] =	ssyncset.done $0x0  }
0x15: {  	s3 =	simm.s32 $0x80;
	s0 =	sadd.s32 s6, s0;
	[sflag:s12] =	ssyncadd.s32 $0xFFFFFFE0  }
0x16: {  	[tilespmem:s3], [sflag:$0x2] =	stream.linear.gather [hbm4b:s0+s26], $0x20, $0x38;
	[tilespmem:$0x10100] =	vst v63  }
0x17: {  	_ =	swait.ge [sflag:s12], $0x20  }
0x18: {  	[sflag:s12] =	ssyncset.done $0x0  }
0x19: {  	[sflag:s12] =	ssyncadd.s32 $0xFFFFFFE0  }
0x1a: {  	v3 =	vld [tilespmem:$0x0];
	_ =	sdelay $0x4  }
0x1b: {  	v4 =	vshll.u32 v3, $0x3  }
0x1c: {  	v3 =	vand.u32 $0x7, v3;
	v4 =	vand.u32 $0xFFFFFFC0, v4  }
0x1d: {  	v3 =	vor.u32 v3, v4  }
0x1e: {  	v4 =	vperm.xlane v3, v0;
	_ =	sdelay $0x1  }
0x1f: {  	v4 =	vadd.s32 v1, v4;
	_ =	sdelay $0x4  }
0x20: {  	[tilespmem:s14], [sflag:$0x1] =	stream.indirect_vreg.gather [hbm4b:s4+s26], $0x80, v4, vm0, $0xb8;
	[tilespmem:$0x10100] =	vst v63  }
0x21: {  	s3 =	simm.s32 $0x900;
	v3 =	vperm.xlane v3, v2  }
0x22: {  	[tilespmem:s3], [sflag:$0x1] =	stream.indirect_vreg.gather [hbm4b:s8+s26], $0x80, v4, vm0, $0xb8;
	[tilespmem:$0x10100] =	vst v63  }
0x23: {  	s11 =	simm.s32 $0x1100;
	v3 =	vadd.s32 v1, v3  }
0x24: {  	[tilespmem:s11], [sflag:$0x1] =	stream.indirect_vreg.gather [hbm4b:s9+s26], $0x80, v4, vm0, $0xb8;
	[tilespmem:$0x10100] =	vst v63  }
0x25: {  	s3 =	simm.s32 $0x1900  }
0x26: {  	[tilespmem:s3], [sflag:$0x1] =	stream.indirect_vreg.gather [hbm4b:s10+s26], $0x80, v4, vm0, $0xb8;
	[tilespmem:$0x10100] =	vst v63  }
0x27: {  	s11 =	simm.s32 $0x2100  }
0x28: {  	[tilespmem:s11], [sflag:$0x1] =	stream.indirect_vreg.gather [hbm4b:s4+s26], $0x80, v3, vm0, $0xb8;
	[tilespmem:$0x10100] =	vst v63  }
0x29: {  	s3 =	simm.s32 $0x2900  }
0x2a: {  	[tilespmem:s3], [sflag:$0x1] =	stream.indirect_vreg.gather [hbm4b:s8+s26], $0x80, v3, vm0, $0xb8;
	[tilespmem:$0x10100] =	vst v63  }
0x2b: {  	s11 =	simm.s32 $0x3100  }
0x2c: {  	[tilespmem:s11], [sflag:$0x1] =	stream.indirect_vreg.gather [hbm4b:s9+s26], $0x80, v3, vm0, $0xb8;
	[tilespmem:$0x10100] =	vst v63  }
0x2d: {  	s3 =	simm.s32 $0x3900  }
0x2e: {  	[tilespmem:s3], [sflag:$0x1] =	stream.indirect_vreg.gather [hbm4b:s10+s26], $0x80, v3, vm0, $0xb8;
	[tilespmem:$0x10100] =	vst v63  }
0x2f: {  	v3 =	vld [tilespmem:$0x10];
	_ =	sdelay $0x4  }
0x30: {  	v61 =	vshll.u32 v3, $0x3  }
0x31: {  	v3 =	vand.u32 $0x7, v3;
	v4 =	vand.u32 $0xFFFFFFC0, v61  }
0x32: {  	v3 =	vor.u32 v3, v4  }
0x33: {  	v4 =	vperm.xlane v3, v0;
	_ =	sdelay $0x1  }
0x34: {  	v4 =	vadd.s32 v1, v4;
	_ =	sdelay $0x3  }
0x35: {  	s11 =	simm.s32 $0x4100  }
0x36: {  	[tilespmem:s11], [sflag:$0x1] =	stream.indirect_vreg.gather [hbm4b:s4+s26], $0x80, v4, vm0, $0xb8;
	[tilespmem:$0x10100] =	vst v63  }
0x37: {  	s3 =	simm.s32 $0x4900;
	v3 =	vperm.xlane v3, v2  }
0x38: {  	[tilespmem:s3], [sflag:$0x1] =	stream.indirect_vreg.gather [hbm4b:s8+s26], $0x80, v4, vm0, $0xb8;
	[tilespmem:$0x10100] =	vst v63  }
0x39: {  	v3 =	vadd.s32 v1, v3;
	s11 =	simm.s32 $0x5100  }
0x3a: {  	[tilespmem:s11], [sflag:$0x1] =	stream.indirect_vreg.gather [hbm4b:s9+s26], $0x80, v4, vm0, $0xb8;
	[tilespmem:$0x10100] =	vst v63  }
0x3b: {  	s3 =	simm.s32 $0x5900  }
0x3c: {  	[tilespmem:s3], [sflag:$0x1] =	stream.indirect_vreg.gather [hbm4b:s10+s26], $0x80, v4, vm0, $0xb8;
	[tilespmem:$0x10100] =	vst v63  }
0x3d: {  	s11 =	simm.s32 $0x6100  }
0x3e: {  	[tilespmem:s11], [sflag:$0x1] =	stream.indirect_vreg.gather [hbm4b:s4+s26], $0x80, v3, vm0, $0xb8;
	[tilespmem:$0x10100] =	vst v63  }
0x3f: {  	s3 =	simm.s32 $0x6900  }
0x40: {  	[tilespmem:s3], [sflag:$0x1] =	stream.indirect_vreg.gather [hbm4b:s8+s26], $0x80, v3, vm0, $0xb8;
	[tilespmem:$0x10100] =	vst v63  }
0x41: {  	s11 =	simm.s32 $0x7100  }
0x42: {  	[tilespmem:s11], [sflag:$0x1] =	stream.indirect_vreg.gather [hbm4b:s9+s26], $0x80, v3, vm0, $0xb8;
	[tilespmem:$0x10100] =	vst v63  }
0x43: {  	s3 =	simm.s32 $0x7900  }
0x44: {  	[tilespmem:s3], [sflag:$0x1] =	stream.indirect_vreg.gather [hbm4b:s10+s26], $0x80, v3, vm0, $0xb8;
	[tilespmem:$0x10100] =	vst v63  }
0x45: {  	_ =	swait.ge [sflag:s31], $0x8000  }
0x46: {  	[sflag:s31] =	ssyncset.done $0x0  }
0x47: {  	[sflag:s31] =	ssyncadd.s32 $0xFFFF8000  }
0x48: {  	v3 =	vld [tilespmem:$0x80];
	_ =	sdelay $0x4  }
0x49: {  	v62 =	vshll.u32 v3, $0x3  }
0x4a: {  	v3 =	vand.u32 $0x7, v3;
	v4 =	vand.u32 $0xFFFFFFC0, v62  }
0x4b: {  	v3 =	vor.u32 v3, v4  }
0x4c: {  	v4 =	vperm.xlane v3, v0;
	_ =	sdelay $0x1  }
0x4d: {  	v4 =	vadd.s32 v1, v4;
	_ =	sdelay $0x3  }
0x4e: {  	s11 =	simm.s32 $0x8100  }
0x4f: {  	[tilespmem:s11], [sflag:$0x1] =	stream.indirect_vreg.gather [hbm4b:s4+s26], $0x80, v4, vm0, $0xb8;
	[tilespmem:$0x10100] =	vst v63  }
0x50: {  	s3 =	simm.s32 $0x8900;
	v3 =	vperm.xlane v3, v2  }
0x51: {  	[tilespmem:s3], [sflag:$0x1] =	stream.indirect_vreg.gather [hbm4b:s8+s26], $0x80, v4, vm0, $0xb8;
	[tilespmem:$0x10100] =	vst v63  }
0x52: {  	v3 =	vadd.s32 v1, v3;
	s11 =	simm.s32 $0x9100  }
0x53: {  	[tilespmem:s11], [sflag:$0x1] =	stream.indirect_vreg.gather [hbm4b:s9+s26], $0x80, v4, vm0, $0xb8;
	[tilespmem:$0x10100] =	vst v63  }
0x54: {  	_ = 	snop  }
0x55: {  	[tilespmem:s1], [sflag:$0x1] =	stream.indirect_vreg.gather [hbm4b:s10+s26], $0x80, v4, vm0, $0xb8;
	[tilespmem:$0x10100] =	vst v63  }
0x56: {  	_ = 	snop  }
0x57: {  	[tilespmem:s2], [sflag:$0x1] =	stream.indirect_vreg.gather [hbm4b:s4+s26], $0x80, v3, vm0, $0xb8;
	[tilespmem:$0x10100] =	vst v63  }
0x58: {  	_ = 	snop  }
0x59: {  	[tilespmem:s13], [sflag:$0x1] =	stream.indirect_vreg.gather [hbm4b:s8+s26], $0x80, v3, vm0, $0xb8;
	[tilespmem:$0x10100] =	vst v63  }
0x5a: {  	_ = 	snop  }
0x5b: {  	[tilespmem:s15], [sflag:$0x1] =	stream.indirect_vreg.gather [hbm4b:s9+s26], $0x80, v3, vm0, $0xb8;
	[tilespmem:$0x10100] =	vst v63  }
0x5c: {  	_ = 	snop  }
0x5d: {  	[tilespmem:s16], [sflag:$0x1] =	stream.indirect_vreg.gather [hbm4b:s10+s26], $0x80, v3, vm0, $0xb8;
	[tilespmem:$0x10100] =	vst v63  }
0x5e: {  	v3 =	vld [tilespmem:$0x90];
	_ =	sdelay $0x4  }
0x5f: {  	v63 =	vshll.u32 v3, $0x3  }
0x60: {  	v3 =	vand.u32 $0x7, v3;
	v4 =	vand.u32 $0xFFFFFFC0, v63  }
0x61: {  	v3 =	vor.u32 v3, v4  }
0x62: {  	v4 =	vperm.xlane v3, v0;
	_ =	sdelay $0x1  }
0x63: {  	v4 =	vadd.s32 v1, v4;
	_ =	sdelay $0x4  }
0x64: {  	[tilespmem:s17], [sflag:$0x1] =	stream.indirect_vreg.gather [hbm4b:s4+s26], $0x80, v4, vm0, $0xb8;
	[tilespmem:$0x10100] =	vst v63  }
0x65: {  	v3 =	vperm.xlane v3, v2  }
0x66: {  	[tilespmem:s18], [sflag:$0x1] =	stream.indirect_vreg.gather [hbm4b:s8+s26], $0x80, v4, vm0, $0xb8;
	[tilespmem:$0x10100] =	vst v63  }
0x67: {  	v3 =	vadd.s32 v1, v3  }
0x68: {  	[tilespmem:s19], [sflag:$0x1] =	stream.indirect_vreg.gather [hbm4b:s9+s26], $0x80, v4, vm0, $0xb8;
	[tilespmem:$0x10100] =	vst v63  }
0x69: {  	_ = 	snop  }
0x6a: {  	[tilespmem:s20], [sflag:$0x1] =	stream.indirect_vreg.gather [hbm4b:s10+s26], $0x80, v4, vm0, $0xb8;
	[tilespmem:$0x10100] =	vst v63  }
0x6b: {  	_ = 	snop  }
0x6c: {  	[tilespmem:s21], [sflag:$0x1] =	stream.indirect_vreg.gather [hbm4b:s4+s26], $0x80, v3, vm0, $0xb8;
	[tilespmem:$0x10100] =	vst v63  }
0x6d: {  	_ = 	snop  }
0x6e: {  	[tilespmem:s22], [sflag:$0x1] =	stream.indirect_vreg.gather [hbm4b:s8+s26], $0x80, v3, vm0, $0xb8;
	[tilespmem:$0x10100] =	vst v63  }
0x6f: {  	_ = 	snop  }
0x70: {  	[tilespmem:s23], [sflag:$0x1] =	stream.indirect_vreg.gather [hbm4b:s9+s26], $0x80, v3, vm0, $0xb8;
	[tilespmem:$0x10100] =	vst v63  }
0x71: {  	_ = 	snop  }
0x72: {  	[tilespmem:s24], [sflag:$0x1] =	stream.indirect_vreg.gather [hbm4b:s10+s26], $0x80, v3, vm0, $0xb8;
	[tilespmem:$0x10100] =	vst v63  }
0x73: {  	_ =	swait.ge [sflag:s31], $0x8000  }
0x74: {  	p0 =	por p1, p1;
	s29 =	simm.s32 $0x0;
	[sflag:s31] =	ssyncset.done $0x0  }
0x75: {  	s30 =	simm.s32 $0x0;
	s28 =	simm.s32 $0xFFFF8000;
	[sflag:s31] =	ssyncadd.s32 $0xFFFF8000  }
.LBB2_3:
0x76: {  	s0 =	sadd.s32 $0x8000, s28  }
0x77: {  	s3 =	sand.u32 $0x380, s30;
	s0 =	sand.u32 $0x6000, s0  }
0x78: {  	s0 =	sor.u32 s3, s0  }
0x79: {  	v3 =	vld [tilespmem:s0+$0x100]  }
0x7a: {  	v4 =	vld [tilespmem:s0+$0x8100]  }
0x7b: {  	v5 =	vld [tilespmem:s0+$0x110]  }
0x7c: {  	v6 =	vld [tilespmem:s0+$0x8110]  }
0x7d: {  	v7 =	vld [tilespmem:s0+$0x120]  }
0x7e: {  	v8 =	vld [tilespmem:s0+$0x8120]  }
0x7f: {  	v9 =	vld [tilespmem:s0+$0x130]  }
0x80: {  	v10 =	vld [tilespmem:s0+$0x8130]  }
0x81: {  	v11 =	vld [tilespmem:s0+$0x140]  }
0x82: {  	v12 =	vld [tilespmem:s0+$0x8140]  }
0x83: {  	v13 =	vld [tilespmem:s0+$0x150]  }
0x84: {  	v14 =	vld [tilespmem:s0+$0x8150]  }
0x85: {  	v15 =	vld [tilespmem:s0+$0x160]  }
0x86: {  	v16 =	vld [tilespmem:s0+$0x8160]  }
0x87: {  	v17 =	vld [tilespmem:s0+$0x170]  }
0x88: {  	v18 =	vld [tilespmem:s0+$0x8170]  }
0x89: {  	v19 =	vld [tilespmem:s0+$0x500]  }
0x8a: {  	v20 =	vld [tilespmem:s0+$0x8500]  }
0x8b: {  	v21 =	vld [tilespmem:s0+$0x510]  }
0x8c: {  	v22 =	vld [tilespmem:s0+$0x8510]  }
0x8d: {  	v23 =	vld [tilespmem:s0+$0x520]  }
0x8e: {  	v24 =	vld [tilespmem:s0+$0x8520]  }
0x8f: {  	v25 =	vld [tilespmem:s0+$0x530]  }
0x90: {  	v26 =	vld [tilespmem:s0+$0x8530]  }
0x91: {  	v27 =	vld [tilespmem:s0+$0x540]  }
0x92: {  	v28 =	vld [tilespmem:s0+$0x8540]  }
0x93: {  	v29 =	vld [tilespmem:s0+$0x550]  }
0x94: {  	v30 =	vld [tilespmem:s0+$0x8550]  }
0x95: {  	v31 =	vld [tilespmem:s0+$0x560]  }
0x96: {  	v32 =	vld [tilespmem:s0+$0x8560]  }
0x97: {  	v33 =	vld [tilespmem:s0+$0x570]  }
0x98: {  	v34 =	vld [tilespmem:s0+$0x8570]  }
0x99: {  	v35 =	vld [tilespmem:s0+$0x900]  }
0x9a: {  	v36 =	vld [tilespmem:s0+$0x8900]  }
0x9b: {  	v37 =	vld [tilespmem:s0+$0x910]  }
0x9c: {  	v38 =	vld [tilespmem:s0+$0x8910]  }
0x9d: {  	v39 =	vld [tilespmem:s0+$0x920]  }
0x9e: {  	v40 =	vld [tilespmem:s0+$0x8920]  }
0x9f: {  	v41 =	vld [tilespmem:s0+$0x930]  }
0xa0: {  	v42 =	vld [tilespmem:s0+$0x8930]  }
0xa1: {  	v43 =	vld [tilespmem:s0+$0x940]  }
0xa2: {  	v44 =	vld [tilespmem:s0+$0x8940]  }
0xa3: {  	v45 =	vld [tilespmem:s0+$0x950]  }
0xa4: {  	v46 =	vld [tilespmem:s0+$0x8950]  }
0xa5: {  	v47 =	vld [tilespmem:s0+$0x960]  }
0xa6: {  	v48 =	vld [tilespmem:s0+$0x8960]  }
0xa7: {  	v49 =	vld [tilespmem:s0+$0x970]  }
0xa8: {  	v50 =	vld [tilespmem:s0+$0x8970]  }
0xa9: {  	v51 =	vld [tilespmem:s0+$0xD00]  }
0xaa: {  	v52 =	vld [tilespmem:s0+$0x8D00]  }
0xab: {  	v53 =	vld [tilespmem:s0+$0xD10]  }
0xac: {  	v54 =	vld [tilespmem:s0+$0x8D10]  }
0xad: {  	v55 =	vld [tilespmem:s0+$0xD20]  }
0xae: {  	v56 =	vld [tilespmem:s0+$0x8D20]  }
0xaf: {  	v57 =	vld [tilespmem:s0+$0xD30]  }
0xb0: {  	v58 =	vld [tilespmem:s0+$0x8D30]  }
0xb1: {  	v59 =	vld [tilespmem:s0+$0xD40]  }
0xb2: {  	v60 =	vld [tilespmem:s0+$0x8D40]  }
0xb3: {  	v61 =	vld [tilespmem:s0+$0xD50]  }
0xb4: {  	v62 =	vld [tilespmem:s0+$0x8D50]  }
0xb5: {  	v63 =	vld [tilespmem:s0+$0xD60]  }
0xb6: {  	v3 =	vadd.f32 v4, v3;
	v4 =	vld [tilespmem:s0+$0x8D60]  }
0xb7: {  	v5 =	vadd.f32 v6, v5;
	v6 =	vld [tilespmem:s0+$0xD70]  }
0xb8: {  	v14 =	vadd.f32 v14, v13;
	v13 =	vld [tilespmem:s0+$0x9120];
	[tilespmem:s0+$0x100] =	vst v3;
	v3 =	vadd.f32 v8, v7  }
0xb9: {  	v18 =	vadd.f32 v18, v17;
	v17 =	vld [tilespmem:s0+$0x9140];
	[tilespmem:s0+$0x110] =	vst v5  }
0xba: {  	v22 =	vadd.f32 v22, v21;
	v21 =	vld [tilespmem:s0+$0x9160];
	[tilespmem:s0+$0x120] =	vst v3;
	v3 =	vadd.f32 v12, v11  }
0xbb: {  	v7 =	vld [tilespmem:s0+$0x8D70];
	[tilespmem:s0+$0x150] =	vst v14  }
0xbc: {  	v8 =	vld [tilespmem:s0+$0x1100];
	[tilespmem:s0+$0x140] =	vst v3;
	v3 =	vadd.f32 v16, v15  }
0xbd: {  	v5 =	vadd.f32 v10, v9;
	v9 =	vld [tilespmem:s0+$0x9100];
	[tilespmem:s0+$0x170] =	vst v18  }
0xbe: {  	v10 =	vld [tilespmem:s0+$0x1110];
	[tilespmem:s0+$0x160] =	vst v3;
	v3 =	vadd.f32 v20, v19  }
0xbf: {  	v26 =	vadd.f32 v26, v25;
	v14 =	vld [tilespmem:s0+$0x1130];
	[tilespmem:s0+$0x510] =	vst v22  }
0xc0: {  	v18 =	vld [tilespmem:s0+$0x1150];
	[tilespmem:s0+$0x500] =	vst v3;
	v3 =	vadd.f32 v24, v23  }
0xc1: {  	v30 =	vadd.f32 v30, v29;
	[tilespmem:s0+$0x530] =	vst v26;
	v22 =	vld [tilespmem:s0+$0x1170]  }
0xc2: {  	v19 =	vld [tilespmem:s0+$0x9150];
	[tilespmem:s0+$0x520] =	vst v3;
	v3 =	vadd.f32 v28, v27  }
0xc3: {  	v34 =	vadd.f32 v34, v33;
	[tilespmem:s0+$0x550] =	vst v30;
	v11 =	vld [tilespmem:s0+$0x9110]  }
0xc4: {  	v12 =	vld [tilespmem:s0+$0x1120];
	[tilespmem:s0+$0x540] =	vst v3;
	v3 =	vadd.f32 v32, v31  }
0xc5: {  	[tilespmem:s0+$0x570] =	vst v34;
	v15 =	vld [tilespmem:s0+$0x9130]  }
0xc6: {  	v16 =	vld [tilespmem:s0+$0x1140];
	[tilespmem:s0+$0x560] =	vst v3;
	v3 =	vadd.f32 v36, v35  }
0xc7: {  	[tilespmem:s0+$0x130] =	vst v5;
	v20 =	vld [tilespmem:s0+$0x1160];
	v19 =	vadd.f32 v19, v18  }
0xc8: {  	v24 =	vld [tilespmem:s0+$0x1500];
	[tilespmem:s0+$0x900] =	vst v3;
	v3 =	vadd.f32 v40, v39  }
0xc9: {  	[tilespmem:s0+$0x1150] =	vst v19;
	v36 =	vadd.f32 v38, v37;
	v37 =	vld [tilespmem:s0+$0x9170]  }
0xca: {  	v38 =	vadd.f32 v42, v41;
	v41 =	vld [tilespmem:s0+$0x1510];
	[tilespmem:s0+$0x920] =	vst v3;
	v3 =	vadd.f32 v44, v43  }
0xcb: {  	v42 =	vld [tilespmem:s0+$0x9510];
	[tilespmem:s0+$0x910] =	vst v36  }
0xcc: {  	v35 =	vld [tilespmem:s0+$0x1910];
	[tilespmem:s0+$0x940] =	vst v3;
	v3 =	vadd.f32 v48, v47  }
0xcd: {  	v39 =	vld [tilespmem:s0+$0x9500];
	[tilespmem:s0+$0x930] =	vst v38;
	v40 =	vadd.f32 v46, v45  }
0xce: {  	v45 =	vld [tilespmem:s0+$0x9520];
	[tilespmem:s0+$0x960] =	vst v3;
	v3 =	vadd.f32 v52, v51  }
0xcf: {  	v46 =	vadd.f32 v54, v53;
	v53 =	vld [tilespmem:s0+$0x1550];
	[tilespmem:s0+$0x950] =	vst v40  }
0xd0: {  	v54 =	vld [tilespmem:s0+$0x9550];
	[tilespmem:s0+$0xD00] =	vst v3;
	v3 =	vadd.f32 v56, v55  }
0xd1: {  	v36 =	vld [tilespmem:s0+$0x9910];
	v43 =	vadd.f32 v50, v49;
	[tilespmem:s0+$0xD10] =	vst v46  }
0xd2: {  	v38 =	vld [tilespmem:s0+$0x1920];
	[tilespmem:s0+$0xD20] =	vst v3;
	v3 =	vadd.f32 v60, v59  }
0xd3: {  	v44 =	vld [tilespmem:s0+$0x1520];
	v49 =	vadd.f32 v58, v57;
	[tilespmem:s0+$0x970] =	vst v43  }
0xd4: {  	v50 =	vld [tilespmem:s0+$0x1540];
	[tilespmem:s0+$0xD40] =	vst v3;
	v3 =	vadd.f32 v4, v63  }
0xd5: {  	v57 =	vld [tilespmem:s0+$0x9560];
	v58 =	vadd.f32 v11, v10;
	[tilespmem:s0+$0xD30] =	vst v49  }
0xd6: {  	v46 =	vld [tilespmem:s0+$0x9950];
	[tilespmem:s0+$0xD60] =	vst v3;
	v3 =	vadd.f32 v9, v8  }
0xd7: {  	v37 =	vadd.f32 v37, v22;
	v40 =	vadd.f32 v42, v41;
	v41 =	vld [tilespmem:s0+$0x1930];
	[tilespmem:s0+$0x1110] =	vst v58  }
0xd8: {  	v42 =	vld [tilespmem:s0+$0x9930];
	[tilespmem:s0+$0x1100] =	vst v3;
	v3 =	vadd.f32 v13, v12  }
0xd9: {  	v47 =	vld [tilespmem:s0+$0x1530];
	[tilespmem:s0+$0x1170] =	vst v37  }
0xda: {  	v48 =	vld [tilespmem:s0+$0x9530];
	[tilespmem:s0+$0x1120] =	vst v3;
	v3 =	vadd.f32 v17, v16  }
0xdb: {  	v49 =	vld [tilespmem:s0+$0x9960];
	[tilespmem:s0+$0x1510] =	vst v40;
	v52 =	vadd.f32 v62, v61  }
0xdc: {  	v51 =	vld [tilespmem:s0+$0x9540];
	[tilespmem:s0+$0x1140] =	vst v3;
	v3 =	vadd.f32 v21, v20  }
0xdd: {  	v61 =	vadd.f32 v15, v14;
	v62 =	vld [tilespmem:s0+$0x1900];
	[tilespmem:s0+$0xD50] =	vst v52  }
0xde: {  	v56 =	vld [tilespmem:s0+$0x1560];
	[tilespmem:s0+$0x1160] =	vst v3;
	v3 =	vadd.f32 v39, v24  }
0xdf: {  	v55 =	vadd.f32 v7, v6;
	[tilespmem:s0+$0x1130] =	vst v61;
	v52 =	vld [tilespmem:s0+$0x9970]  }
0xe0: {  	v43 =	vadd.f32 v48, v47;
	v47 =	vld [tilespmem:s0+$0x1960];
	[tilespmem:s0+$0x1500] =	vst v3;
	v3 =	vadd.f32 v45, v44  }
0xe1: {  	[tilespmem:s0+$0xD70] =	vst v55;
	v63 =	vld [tilespmem:s0+$0x9900]  }
0xe2: {  	v59 =	vld [tilespmem:s0+$0x1570];
	[tilespmem:s0+$0x1520] =	vst v3;
	v3 =	vadd.f32 v51, v50  }
0xe3: {  	[tilespmem:s0+$0x1530] =	vst v43;
	v4 =	vadd.f32 v54, v53;
	v39 =	vld [tilespmem:s0+$0x9920]  }
0xe4: {  	v60 =	vld [tilespmem:s0+$0x9570];
	[tilespmem:s0+$0x1540] =	vst v3;
	v3 =	vadd.f32 v57, v56  }
0xe5: {  	v54 =	vadd.f32 v42, v41;
	[tilespmem:s0+$0x1550] =	vst v4;
	v45 =	vld [tilespmem:s0+$0x1950]  }
0xe6: {  	v53 =	vld [tilespmem:s0+$0x9940];
	[tilespmem:s0+$0x1560] =	vst v3;
	v3 =	vadd.f32 v63, v62  }
0xe7: {  	[tilespmem:s0+$0x1930] =	vst v54;
	v55 =	vadd.f32 v49, v47;
	v50 =	vld [tilespmem:s0+$0x1970]  }
0xe8: {  	v44 =	vld [tilespmem:s0+$0x1940];
	[tilespmem:s0+$0x1900] =	vst v3;
	v3 =	vadd.f32 v39, v38  }
0xe9: {  	v48 =	vadd.f32 v60, v59;
	[tilespmem:s0+$0x1960] =	vst v55  }
0xea: {  	[tilespmem:s0+$0x1920] =	vst v3;
	v3 =	vadd.f32 v46, v45  }
0xeb: {  	s11 =	sand.u32 $0x7, s26;
	[tilespmem:s0+$0x1570] =	vst v48;
	v51 =	vadd.f32 v36, v35  }
0xec: {  	s3 =	sshll.u32 s11, $0x7;
	[tilespmem:s0+$0x1950] =	vst v3;
	v3 =	vadd.f32 v52, v50  }
0xed: {  	s3 =	sadd.s32 s3, s29;
	[tilespmem:s0+$0x1910] =	vst v51;
	v56 =	vadd.f32 v53, v44  }
0xee: {  	s11 =	sor.u32 $0x1C00, s3;
	[tilespmem:s0+$0x1970] =	vst v3  }
0xef: {  	[tilespmem:s0+$0x1940] =	vst v56;
	v3 =	vld [tilespmem:s11+$0x100]  }
0xf0: {  	v4 =	vld [tilespmem:s11+$0x8100];
	_ =	sdelay $0x4  }
0xf1: {  	v3 =	vadd.f32 v4, v3;
	_ =	sdelay $0x1  }
0xf2: {  	[tilespmem:s11+$0x100] =	vst v3;
	s11 =	sor.u32 $0x1C10, s3  }
0xf3: {  	v3 =	vld [tilespmem:s11+$0x100]  }
0xf4: {  	v57 =	vld [tilespmem:s11+$0x8100];
	_ =	sdelay $0x4  }
0xf5: {  	v3 =	vadd.f32 v57, v3;
	_ =	sdelay $0x1  }
0xf6: {  	[tilespmem:s11+$0x100] =	vst v3;
	s11 =	sor.u32 $0x1C20, s3  }
0xf7: {  	v3 =	vld [tilespmem:s11+$0x100]  }
0xf8: {  	v58 =	vld [tilespmem:s11+$0x8100];
	_ =	sdelay $0x4  }
0xf9: {  	v3 =	vadd.f32 v58, v3;
	_ =	sdelay $0x1  }
0xfa: {  	[tilespmem:s11+$0x100] =	vst v3;
	s11 =	sor.u32 $0x1C30, s3  }
0xfb: {  	v3 =	vld [tilespmem:s11+$0x100]  }
0xfc: {  	v59 =	vld [tilespmem:s11+$0x8100];
	_ =	sdelay $0x4  }
0xfd: {  	v3 =	vadd.f32 v59, v3;
	_ =	sdelay $0x1  }
0xfe: {  	[tilespmem:s11+$0x100] =	vst v3;
	s11 =	sor.u32 $0x1C40, s3  }
0xff: {  	v3 =	vld [tilespmem:s11+$0x100]  }
0x100: {  	v60 =	vld [tilespmem:s11+$0x8100];
	_ =	sdelay $0x4  }
0x101: {  	v3 =	vadd.f32 v60, v3;
	_ =	sdelay $0x1  }
0x102: {  	[tilespmem:s11+$0x100] =	vst v3;
	s11 =	sor.u32 $0x1C50, s3  }
0x103: {  	v3 =	vld [tilespmem:s11+$0x100]  }
0x104: {  	v61 =	vld [tilespmem:s11+$0x8100];
	_ =	sdelay $0x4  }
0x105: {  	v3 =	vadd.f32 v61, v3;
	_ =	sdelay $0x1  }
0x106: {  	[tilespmem:s11+$0x100] =	vst v3;
	s11 =	sor.u32 $0x1C60, s3  }
0x107: {  	v3 =	vld [tilespmem:s11+$0x100]  }
0x108: {  	v62 =	vld [tilespmem:s11+$0x8100];
	_ =	sdelay $0x4  }
0x109: {  	v3 =	vadd.f32 v62, v3;
	_ =	sdelay $0x1  }
0x10a: {  	[tilespmem:s11+$0x100] =	vst v3;
	s11 =	sor.u32 $0x1C70, s3  }
0x10b: {  	v3 =	vld [tilespmem:s11+$0x100]  }
0x10c: {  	v63 =	vld [tilespmem:s11+$0x8100];
	_ =	sdelay $0x1  }
0x10d: {  	p1 =	sne.s32 s30, $0xF80  }
.Ltmp0:
0x10e: {  	_ = 	snop;
	(pc) =	sbr.rel @p1 .LBB2_3-.Ltmp0, $4  }
0x10f: {  	_ = 	snop  }
0x110: {  	v3 =	vadd.f32 v63, v3  }
0x111: {  	s26 =	sadd.s32 $0x1, s26  }
0x112: {  	s28 =	sadd.s32 $0x400, s28;
	s30 =	sadd.s32 $0x80, s30;
	s29 =	sadd.s32 $0x400, s29;
	[tilespmem:s11+$0x100] =	vst v3  }
0x113: {  	s0 =	sshll.u32 s25, $0x7;
	s3 =	rddreg [dreg:$0x1]  }
.Ltmp1:
0x114: {  	s30 =	simm.s32 $0x0;
	s0 =	sadd.s32 s3, s0;
	(pc) =	sbr.rel @p0 .LBB2_2-.Ltmp1, $4  }
0x115: {  	[hbm4b:s0+s30] =	stream.linear.scatter [tilespmem:s14], [sflag:$0x2], $0x8000, $0x38;
	[tilespmem:$0x10100] =	vst v63  }
0x116: {  	_ =	swait.ge [sflag:s12], $0x8000  }
0x117: {  	[sflag:s12] =	ssyncset.done $0x0  }
0x118: {  	p1 =	por $0x0, $0x0;
	s0 =	simm.s32 $0x20;
	[sflag:s12] =	ssyncadd.s32 $0xFFFF8000  }
0x119: {  	s3 =	rddreg [dreg:$0x4]  }
0x11a: {  	s0 =	rddreg [dreg:$0x3];
	s3 =	sadd.s32 $0x1, s3  }
0x11b: {  	p0 =	sne.s32 s3, s0  }
.Ltmp2:
0x11c: {  	_ = 	snop;
	(pc) =	sbr.rel @p0 .LBB2_1-.Ltmp2, $1  }
0x11d: {  	_ =	sdelay $0x3  }
0x11e: {  	_ =	sfence.sel $0x180000  }
0x11f: {  	[bflag:$0x0] =	sbarrier.arrive $0xFFFF  }
0x120: {  	_ =	strace $0x9000004A  }
0x121: {  	s0 =	stileid.u32;
	[bflag:$0x2] =	sbarrier.arrive $0xFFFF  }
0x122: {  	p0 =	sne.s32 s0, $0x0;
	s0 =	rddreg [dreg:$0x2]  }
0x123: {  	s0 =	sadd.s32 @!p0 $0x100000, s0  }
0x124: {  	[sflag:s0] =	ssyncadd.tile.s32 @!p0 $0x1;
	_ =	shalt  }
.Lfunc_end2:
_tile_overlayer_lowered:
.L_overlay_start_2:
0x125: {  	(tag) =	ssettag $0x2  }
0x126: {  	s0 =	rddreg [dreg:$0x0];
	s2 =	stileid.u32  }
0x127: {  	s1 =	rddreg [dreg:$0x1];
	p0 =	sne.s32 s2, $0x0  }
0x128: {  	s3 =	rddreg [dreg:$0x2];
	[bflag:$0x3] =	sbarrier.arrive $0xFFFF;
	s2 =	simm.s32 @!p0 $0x1C02  }
0x129: {  	[timem:s3], [sflag:s2] =	dma.local @!p0 [hbm:s0], s1  }
0x12a: {  	s0 =	simm.s32 @!p0 $0x2  }
0x12b: {  	_ =	swait.ge @!p0 [sflag:s0], s1  }
0x12c: {  	s1 =	ssub.s32 @!p0 $0x0, s1;
	[sflag:s0] =	ssyncset.done @!p0 $0x0  }
0x12d: {  	[sflag:s0] =	ssyncadd.s32 @!p0 s1  }
0x12e: {  	[bflag:$0x3] =	sbarrier.arrive $0xFFFF  }
0x12f: {  	_ =	shalt  }

</sc_bundles>
